<compile_context>
chip_gen: v7x
topology: tpu7x:2x2x1
jax: 0.10.2.dev20260603
libtpu: 0.0.44.dev20260713+nightly
codegen_flags: <defaults>
</compile_context>

<pallas_src>
import functools

import jax
import jax.numpy as jnp
from jax import lax
from jax.experimental import pallas as pl
from jax.experimental.pallas import tpu as pltpu
from jax.experimental.pallas import tpu_sc as plsc

NC = 2
NS = 16
NW = NC * NS
LANES = 16


def _sc_gather_mean(ctx_rs, emb, batch, ctx_len, dim):
    rows_per_chunk = 4
    idx_per_chunk = rows_per_chunk * ctx_len
    rows_per_worker = batch // NW
    chunks_per_worker = rows_per_worker // rows_per_chunk
    n_k = dim // LANES
    scale = 1.0 / ctx_len

    mesh = plsc.VectorSubcoreMesh(
        core_axis_name="c", subcore_axis_name="s",
        num_cores=NC, num_subcores=NS)

    @functools.partial(
        pl.kernel,
        out_type=jax.ShapeDtypeStruct((batch, dim), jnp.float32),
        mesh=mesh,
        scratch_types=[
            pltpu.VMEM((chunks_per_worker, idx_per_chunk), jnp.int32),
            pltpu.VMEM((idx_per_chunk, dim), jnp.float32),
            pltpu.VMEM((rows_per_worker, dim), jnp.float32),
            pltpu.SemaphoreType.DMA,
        ],
        compiler_params=pltpu.CompilerParams(use_tc_tiling_on_sc=False),
    )
    def sc_kernel(ctx_hbm, emb_hbm, out_hbm, idx_v, buf_v, acc_v, sem):
        wid = lax.axis_index("s") * NC + lax.axis_index("c")
        pltpu.sync_copy(ctx_hbm.at[pl.ds(wid * chunks_per_worker,
                                         chunks_per_worker)], idx_v)

        def chunk_body(c, _):
            pltpu.async_copy(emb_hbm.at[idx_v.at[c]], buf_v, sem).wait()
            for rr in range(rows_per_chunk):
                for kk in range(n_k):
                    sl = pl.ds(kk * LANES, LANES)
                    v = buf_v[rr * ctx_len, sl]
                    for w in range(1, ctx_len):
                        v = v + buf_v[rr * ctx_len + w, sl]
                    acc_v[c * rows_per_chunk + rr, sl] = v * scale
            return 0

        lax.fori_loop(0, chunks_per_worker, chunk_body, 0)
        pltpu.sync_copy(
            acc_v, out_hbm.at[pl.ds(wid * rows_per_worker, rows_per_worker)])

    return sc_kernel(ctx_rs, emb)


def _tc_matmul(mean, w, b2, batch, dim, vocab):
    vt = 512
    grid = (vocab + vt - 1) // vt

    def body(a_ref, w_ref, b_ref, o_ref):
        o_ref[...] = lax.dot_general(
            a_ref[...], w_ref[...], (((1,), (1,)), ((), ())),
            preferred_element_type=jnp.float32,
            precision=lax.Precision.HIGHEST) + b_ref[...]

    return pl.pallas_call(
        body,
        grid=(grid,),
        in_specs=[
            pl.BlockSpec((batch, dim), lambda v: (0, 0)),
            pl.BlockSpec((vt, dim), lambda v: (v, 0)),
            pl.BlockSpec((1, vt), lambda v: (0, v)),
        ],
        out_specs=pl.BlockSpec((batch, vt), lambda v: (0, v)),
        out_shape=jax.ShapeDtypeStruct((batch, vocab), jnp.float32),
        compiler_params=pltpu.CompilerParams(
            dimension_semantics=("arbitrary",)),
    )(mean, w, b2)


def kernel(context_indices, embeddings, linear_w, linear_b):
    batch, ctx_len = context_indices.shape
    vocab, dim = embeddings.shape
    rows_per_chunk = 4
    ctx_rs = context_indices.astype(jnp.int32).reshape(
        batch // rows_per_chunk, rows_per_chunk * ctx_len)
    mean = _sc_gather_mean(ctx_rs, embeddings, batch, ctx_len, dim)
    b2 = linear_b.reshape(1, vocab)
    return _tc_matmul(mean, linear_w, b2, batch, dim, vocab)

# --- scband reference (transcript-rebuilt; emitter-appended) ---
"""Pipeline reference for scband-cbow-19765439496669 (READ-ONLY COPY).

The authoritative reference and input builder live on the scoring server;
editing this copy changes nothing except your own understanding.
"""

import jax, jax.numpy as jnp
import numpy as np

VOCAB = 100000
EMBED_DIM = 64
BATCH = 4096
CTX_LEN = 20

def setup_inputs(seed: int = 0) -> dict:
    key = jax.random.key(seed)
    k_idx, k_emb, k_w, k_b = jax.random.split(key, 4)
    context_indices = jax.random.randint(k_idx, (BATCH, CTX_LEN), 0, VOCAB, dtype=jnp.int64 if jax.config.jax_enable_x64 else jnp.int32)
    embeddings = jax.random.normal(k_emb, (VOCAB, EMBED_DIM), dtype=jnp.float32)
    linear_w = jax.random.normal(k_w, (VOCAB, EMBED_DIM), dtype=jnp.float32) * (1.0 / np.sqrt(EMBED_DIM))
    linear_b = jax.random.normal(k_b, (VOCAB,), dtype=jnp.float32) * 0.01
    return {"context_indices": context_indices, "embeddings": embeddings, "linear_w": linear_w, "linear_b": linear_b}

def reference(context_indices, embeddings, linear_w, linear_b):
    # Embedding lookup: [B, L, D]
    context_embeddings = jnp.take(embeddings, context_indices, axis=0)
    # Mean over context dimension: [B, D]
    mean_embeddings = jnp.mean(context_embeddings, axis=1)
    # Linear projection to vocab: [B, V]
    out = mean_embeddings @ linear_w.T + linear_b
    return out

if __name__ == "__main__":
    import jax
    _d = setup_inputs()
    print(jax.jit(kernel)(*tuple(_d.values())))

</pallas_src>

<mosaic_0001>
#map = affine_map<(d0, d1) -> (0, 0)>
module attributes {stable_mosaic.version = 14 : i64} {
  func.func @sc_kernel(%arg0: i32, %arg1: i32, %arg2: memref<1024x80xi32, #tpu.memory_space<hbm>>, %arg3: memref<100000x64xf32, #tpu.memory_space<hbm>>, %arg4: memref<4096x64xf32, #tpu.memory_space<hbm>>, %arg5: memref<32x80xi32, #tpu.memory_space<vmem>>, %arg6: memref<80x64xf32, #tpu.memory_space<vmem>>, %arg7: memref<128x64xf32, #tpu.memory_space<vmem>>, %arg8: memref<!tpu.dma_semaphore, #tpu.memory_space<semaphore_mem>>) attributes {dimension_semantics = [#tpu.dimension_semantics<core_parallel>, #tpu.dimension_semantics<subcore_parallel>], iteration_bounds = array<i64: 2, 16>, scalar_prefetch = 0 : i64, scratch_operands = 4 : i64, tpu.core_type = #tpu.core_type<sc_vector_subcore>, window_params = [{transform_indices = #map}, {transform_indices = #map}, {transform_indices = #map}]} {
    %mul3A = arith.constant 2 : i32
    %mul3A_0 = arith.muli %arg1, %mul3A : i32
    %add3A = arith.addi %mul3A_0, %arg0 : i32
    %mul3A_1 = arith.constant 32 : i32
    %mul3A_2 = arith.muli %add3A, %mul3A_1 : i32
    "tpu.region"() ({
      %run_scoped3A = tpu.sem_alloc : memref<!tpu.dma_semaphore, #tpu.memory_space<semaphore_mem>>
      %dma_start3A = arith.constant 0 : i32
      %dma_start3A_11 = tpu.memref_slice %arg2[%mul3A_2, %dma_start3A] : memref<1024x80xi32, #tpu.memory_space<hbm>> -> memref<32x80xi32, #tpu.memory_space<hbm>>
      %dma_start3A_12 = arith.constant 0 : i32
      %dma_start3A_13 = tpu.memref_slice %arg2[%mul3A_2, %dma_start3A_12] : memref<1024x80xi32, #tpu.memory_space<hbm>> -> memref<32x80xi32, #tpu.memory_space<hbm>>
      tpu.enqueue_dma source(%dma_start3A_13 : memref<32x80xi32, #tpu.memory_space<hbm>>) target(%arg5 : memref<32x80xi32, #tpu.memory_space<vmem>>) target_semaphore(%run_scoped3A : memref<!tpu.dma_semaphore, #tpu.memory_space<semaphore_mem>>)
      %dma_wait3A = arith.constant 0 : i32
      %dma_wait3A_14 = tpu.memref_slice %arg2[%mul3A_2, %dma_wait3A] : memref<1024x80xi32, #tpu.memory_space<hbm>> -> memref<32x80xi32, #tpu.memory_space<hbm>>
      %dma_wait3A_15 = arith.constant 0 : i32
      %dma_wait3A_16 = tpu.memref_slice %arg2[%mul3A_2, %dma_wait3A_15] : memref<1024x80xi32, #tpu.memory_space<hbm>> -> memref<32x80xi32, #tpu.memory_space<hbm>>
      tpu.wait_dma2 semaphore(%run_scoped3A : memref<!tpu.dma_semaphore, #tpu.memory_space<semaphore_mem>>) src(%dma_wait3A_16 : memref<32x80xi32, #tpu.memory_space<hbm>>) dst(%arg5 : memref<32x80xi32, #tpu.memory_space<vmem>>)
      tpu.yield
    }) : () -> ()
    %scan3A = arith.constant 0 : i32
    %scan3A_3 = arith.constant 0 : i32
    %scan3A_4 = arith.constant 32 : i32
    %scan3A_5 = arith.addi %scan3A_3, %scan3A_4 : i32
    %scan3A_6 = arith.constant 1 : i32
    %scan3A_7 = scf.for %scan3A_11 = %scan3A_3 to %scan3A_5 step %scan3A_6 iter_args(%scan3A_12 = %scan3A) -> (i32)  : i32 {
      %dma_start3A = arith.constant 0 : i32
      %dma_start3A_13 = tpu.memref_slice %arg5[%scan3A_11, %dma_start3A] : memref<32x80xi32, #tpu.memory_space<vmem>> -> memref<1x80xi32, #tpu.memory_space<vmem>>
      %dma_start3A_14 = tpu.memref_squeeze %dma_start3A_13 : memref<1x80xi32, #tpu.memory_space<vmem>> -> memref<80xi32, #tpu.memory_space<vmem>>
      %dma_start3A_15 = arith.constant 0 : i32
      %dma_start3A_16 = arith.constant 0 : i32
      %dma_start3A_17 = tpu.memref_slice %arg3[%dma_start3A_15, %dma_start3A_16] : memref<100000x64xf32, #tpu.memory_space<hbm>> -> memref<100000x64xf32, #tpu.memory_space<hbm>>
      tpu.enqueue_indirect_dma source(%dma_start3A_17 : memref<100000x64xf32, #tpu.memory_space<hbm>>) target(%arg6 : memref<80x64xf32, #tpu.memory_space<vmem>>) offsets(%dma_start3A_14 : memref<80xi32, #tpu.memory_space<vmem>>) semaphore(%arg8 : memref<!tpu.dma_semaphore, #tpu.memory_space<semaphore_mem>>)
      %dma_wait3A = arith.constant 0 : i32
      %dma_wait3A_18 = tpu.memref_slice %arg5[%scan3A_11, %dma_wait3A] : memref<32x80xi32, #tpu.memory_space<vmem>> -> memref<1x80xi32, #tpu.memory_space<vmem>>
      %dma_wait3A_19 = tpu.memref_squeeze %dma_wait3A_18 : memref<1x80xi32, #tpu.memory_space<vmem>> -> memref<80xi32, #tpu.memory_space<vmem>>
      %dma_wait3A_20 = arith.constant 0 : i32
      %dma_wait3A_21 = arith.constant 0 : i32
      %dma_wait3A_22 = tpu.memref_slice %arg3[%dma_wait3A_20, %dma_wait3A_21] : memref<100000x64xf32, #tpu.memory_space<hbm>> -> memref<100000x64xf32, #tpu.memory_space<hbm>>
      tpu.wait_indirect_dma semaphore(%arg8 : memref<!tpu.dma_semaphore, #tpu.memory_space<semaphore_mem>>) src(%dma_wait3A_22 : memref<100000x64xf32, #tpu.memory_space<hbm>>) dst(%arg6 : memref<80x64xf32, #tpu.memory_space<vmem>>)
      %get3A = arith.constant 0 : i32
      %get3A_23 = arith.index_cast %get3A : i32 to index
      %get3A_24 = arith.constant 0 : index
      %get3A_25 = tpu.vector_load %arg6[%get3A_23, %get3A_24] {strides = array<i32>} : memref<80x64xf32, #tpu.memory_space<vmem>>, vector<1x16xf32>,
      %get3A_26 = vector.shape_cast %get3A_25 : vector<1x16xf32> to vector<16xf32>
      %get3A_27 = arith.constant 1 : i32
      %get3A_28 = arith.index_cast %get3A_27 : i32 to index
      %get3A_29 = arith.constant 0 : index
      %get3A_30 = tpu.vector_load %arg6[%get3A_28, %get3A_29] {strides = array<i32>} : memref<80x64xf32, #tpu.memory_space<vmem>>, vector<1x16xf32>,
      %get3A_31 = vector.shape_cast %get3A_30 : vector<1x16xf32> to vector<16xf32>
      %add3A_32 = arith.addf %get3A_26, %get3A_31 : vector<16xf32>
      %get3A_33 = arith.constant 2 : i32
      %get3A_34 = arith.index_cast %get3A_33 : i32 to index
      %get3A_35 = arith.constant 0 : index
      %get3A_36 = tpu.vector_load %arg6[%get3A_34, %get3A_35] {strides = array<i32>} : memref<80x64xf32, #tpu.memory_space<vmem>>, vector<1x16xf32>,
      %get3A_37 = vector.shape_cast %get3A_36 : vector<1x16xf32> to vector<16xf32>
      %add3A_38 = arith.addf %add3A_32, %get3A_37 : vector<16xf32>
      %get3A_39 = arith.constant 3 : i32
      %get3A_40 = arith.index_cast %get3A_39 : i32 to index
      %get3A_41 = arith.constant 0 : index
      %get3A_42 = tpu.vector_load %arg6[%get3A_40, %get3A_41] {strides = array<i32>} : memref<80x64xf32, #tpu.memory_space<vmem>>, vector<1x16xf32>,
      %get3A_43 = vector.shape_cast %get3A_42 : vector<1x16xf32> to vector<16xf32>
      %add3A_44 = arith.addf %add3A_38, %get3A_43 : vector<16xf32>
      %get3A_45 = arith.constant 4 : i32
      %get3A_46 = arith.index_cast %get3A_45 : i32 to index
      %get3A_47 = arith.constant 0 : index
      %get3A_48 = tpu.vector_load %arg6[%get3A_46, %get3A_47] {strides = array<i32>} : memref<80x64xf32, #tpu.memory_space<vmem>>, vector<1x16xf32>,
      %get3A_49 = vector.shape_cast %get3A_48 : vector<1x16xf32> to vector<16xf32>
      %add3A_50 = arith.addf %add3A_44, %get3A_49 : vector<16xf32>
      %get3A_51 = arith.constant 5 : i32
      %get3A_52 = arith.index_cast %get3A_51 : i32 to index
      %get3A_53 = arith.constant 0 : index
      %get3A_54 = tpu.vector_load %arg6[%get3A_52, %get3A_53] {strides = array<i32>} : memref<80x64xf32, #tpu.memory_space<vmem>>, vector<1x16xf32>,
      %get3A_55 = vector.shape_cast %get3A_54 : vector<1x16xf32> to vector<16xf32>
      %add3A_56 = arith.addf %add3A_50, %get3A_55 : vector<16xf32>
      %get3A_57 = arith.constant 6 : i32
      %get3A_58 = arith.index_cast %get3A_57 : i32 to index
      %get3A_59 = arith.constant 0 : index
      %get3A_60 = tpu.vector_load %arg6[%get3A_58, %get3A_59] {strides = array<i32>} : memref<80x64xf32, #tpu.memory_space<vmem>>, vector<1x16xf32>,
      %get3A_61 = vector.shape_cast %get3A_60 : vector<1x16xf32> to vector<16xf32>
      %add3A_62 = arith.addf %add3A_56, %get3A_61 : vector<16xf32>
      %get3A_63 = arith.constant 7 : i32
      %get3A_64 = arith.index_cast %get3A_63 : i32 to index
      %get3A_65 = arith.constant 0 : index
      %get3A_66 = tpu.vector_load %arg6[%get3A_64, %get3A_65] {strides = array<i32>} : memref<80x64xf32, #tpu.memory_space<vmem>>, vector<1x16xf32>,
      %get3A_67 = vector.shape_cast %get3A_66 : vector<1x16xf32> to vector<16xf32>
      %add3A_68 = arith.addf %add3A_62, %get3A_67 : vector<16xf32>
      %get3A_69 = arith.constant 8 : i32
      %get3A_70 = arith.index_cast %get3A_69 : i32 to index
      %get3A_71 = arith.constant 0 : index
      %get3A_72 = tpu.vector_load %arg6[%get3A_70, %get3A_71] {strides = array<i32>} : memref<80x64xf32, #tpu.memory_space<vmem>>, vector<1x16xf32>,
      %get3A_73 = vector.shape_cast %get3A_72 : vector<1x16xf32> to vector<16xf32>
      %add3A_74 = arith.addf %add3A_68, %get3A_73 : vector<16xf32>
      %get3A_75 = arith.constant 9 : i32
      %get3A_76 = arith.index_cast %get3A_75 : i32 to index
      %get3A_77 = arith.constant 0 : index
      %get3A_78 = tpu.vector_load %arg6[%get3A_76, %get3A_77] {strides = array<i32>} : memref<80x64xf32, #tpu.memory_space<vmem>>, vector<1x16xf32>,
      %get3A_79 = vector.shape_cast %get3A_78 : vector<1x16xf32> to vector<16xf32>
      %add3A_80 = arith.addf %add3A_74, %get3A_79 : vector<16xf32>
      %get3A_81 = arith.constant 10 : i32
      %get3A_82 = arith.index_cast %get3A_81 : i32 to index
      %get3A_83 = arith.constant 0 : index
      %get3A_84 = tpu.vector_load %arg6[%get3A_82, %get3A_83] {strides = array<i32>} : memref<80x64xf32, #tpu.memory_space<vmem>>, vector<1x16xf32>,
      %get3A_85 = vector.shape_cast %get3A_84 : vector<1x16xf32> to vector<16xf32>
      %add3A_86 = arith.addf %add3A_80, %get3A_85 : vector<16xf32>
      %get3A_87 = arith.constant 11 : i32
      %get3A_88 = arith.index_cast %get3A_87 : i32 to index
      %get3A_89 = arith.constant 0 : index
      %get3A_90 = tpu.vector_load %arg6[%get3A_88, %get3A_89] {strides = array<i32>} : memref<80x64xf32, #tpu.memory_space<vmem>>, vector<1x16xf32>,
      %get3A_91 = vector.shape_cast %get3A_90 : vector<1x16xf32> to vector<16xf32>
      %add3A_92 = arith.addf %add3A_86, %get3A_91 : vector<16xf32>
      %get3A_93 = arith.constant 12 : i32
      %get3A_94 = arith.index_cast %get3A_93 : i32 to index
      %get3A_95 = arith.constant 0 : index
      %get3A_96 = tpu.vector_load %arg6[%get3A_94, %get3A_95] {strides = array<i32>} : memref<80x64xf32, #tpu.memory_space<vmem>>, vector<1x16xf32>,
      %get3A_97 = vector.shape_cast %get3A_96 : vector<1x16xf32> to vector<16xf32>
      %add3A_98 = arith.addf %add3A_92, %get3A_97 : vector<16xf32>
      %get3A_99 = arith.constant 13 : i32
      %get3A_100 = arith.index_cast %get3A_99 : i32 to index
      %get3A_101 = arith.constant 0 : index
      %get3A_102 = tpu.vector_load %arg6[%get3A_100, %get3A_101] {strides = array<i32>} : memref<80x64xf32, #tpu.memory_space<vmem>>, vector<1x16xf32>,
      %get3A_103 = vector.shape_cast %get3A_102 : vector<1x16xf32> to vector<16xf32>
      %add3A_104 = arith.addf %add3A_98, %get3A_103 : vector<16xf32>
      %get3A_105 = arith.constant 14 : i32
      %get3A_106 = arith.index_cast %get3A_105 : i32 to index
      %get3A_107 = arith.constant 0 : index
      %get3A_108 = tpu.vector_load %arg6[%get3A_106, %get3A_107] {strides = array<i32>} : memref<80x64xf32, #tpu.memory_space<vmem>>, vector<1x16xf32>,
      %get3A_109 = vector.shape_cast %get3A_108 : vector<1x16xf32> to vector<16xf32>
      %add3A_110 = arith.addf %add3A_104, %get3A_109 : vector<16xf32>
      %get3A_111 = arith.constant 15 : i32
      %get3A_112 = arith.index_cast %get3A_111 : i32 to index
      %get3A_113 = arith.constant 0 : index
      %get3A_114 = tpu.vector_load %arg6[%get3A_112, %get3A_113] {strides = array<i32>} : memref<80x64xf32, #tpu.memory_space<vmem>>, vector<1x16xf32>,
      %get3A_115 = vector.shape_cast %get3A_114 : vector<1x16xf32> to vector<16xf32>
      %add3A_116 = arith.addf %add3A_110, %get3A_115 : vector<16xf32>
      %get3A_117 = arith.constant 16 : i32
      %get3A_118 = arith.index_cast %get3A_117 : i32 to index
      %get3A_119 = arith.constant 0 : index
      %get3A_120 = tpu.vector_load %arg6[%get3A_118, %get3A_119] {strides = array<i32>} : memref<80x64xf32, #tpu.memory_space<vmem>>, vector<1x16xf32>,
      %get3A_121 = vector.shape_cast %get3A_120 : vector<1x16xf32> to vector<16xf32>
      %add3A_122 = arith.addf %add3A_116, %get3A_121 : vector<16xf32>
      %get3A_123 = arith.constant 17 : i32
      %get3A_124 = arith.index_cast %get3A_123 : i32 to index
      %get3A_125 = arith.constant 0 : index
      %get3A_126 = tpu.vector_load %arg6[%get3A_124, %get3A_125] {strides = array<i32>} : memref<80x64xf32, #tpu.memory_space<vmem>>, vector<1x16xf32>,
      %get3A_127 = vector.shape_cast %get3A_126 : vector<1x16xf32> to vector<16xf32>
      %add3A_128 = arith.addf %add3A_122, %get3A_127 : vector<16xf32>
      %get3A_129 = arith.constant 18 : i32
      %get3A_130 = arith.index_cast %get3A_129 : i32 to index
      %get3A_131 = arith.constant 0 : index
      %get3A_132 = tpu.vector_load %arg6[%get3A_130, %get3A_131] {strides = array<i32>} : memref<80x64xf32, #tpu.memory_space<vmem>>, vector<1x16xf32>,
      %get3A_133 = vector.shape_cast %get3A_132 : vector<1x16xf32> to vector<16xf32>
      %add3A_134 = arith.addf %add3A_128, %get3A_133 : vector<16xf32>
      %get3A_135 = arith.constant 19 : i32
      %get3A_136 = arith.index_cast %get3A_135 : i32 to index
      %get3A_137 = arith.constant 0 : index
      %get3A_138 = tpu.vector_load %arg6[%get3A_136, %get3A_137] {strides = array<i32>} : memref<80x64xf32, #tpu.memory_space<vmem>>, vector<1x16xf32>,
      %get3A_139 = vector.shape_cast %get3A_138 : vector<1x16xf32> to vector<16xf32>
      %add3A_140 = arith.addf %add3A_134, %get3A_139 : vector<16xf32>
      %mul3A_141 = arith.constant 5.000000e-02 : f32
      %mul3A_142 = vector.broadcast %mul3A_141 : f32 to vector<16xf32>
      %mul3A_143 = arith.mulf %add3A_140, %mul3A_142 : vector<16xf32>
      %mul3A_144 = arith.constant 4 : i32
      %mul3A_145 = arith.muli %scan3A_11, %mul3A_144 : i32
      %add3A_146 = arith.constant 0 : i32
      %add3A_147 = arith.addi %mul3A_145, %add3A_146 : i32
      %swap3A = arith.index_cast %add3A_147 : i32 to index
      %swap3A_148 = arith.constant 0 : index
      %swap3A_149 = tpu.vector_load %arg7[%swap3A, %swap3A_148] {strides = array<i32>} : memref<128x64xf32, #tpu.memory_space<vmem>>, vector<1x16xf32>,
      %swap3A_150 = vector.shape_cast %swap3A_149 : vector<1x16xf32> to vector<16xf32>
      %swap3A_151 = vector.shape_cast %mul3A_143 : vector<16xf32> to vector<1x16xf32>
      tpu.vector_store %arg7[%swap3A, %swap3A_148], %swap3A_151 {strides = array<i32>} : memref<128x64xf32, #tpu.memory_space<vmem>>, vector<1x16xf32>,
      %get3A_152 = arith.constant 0 : i32
      %get3A_153 = arith.index_cast %get3A_152 : i32 to index
      %get3A_154 = arith.constant 16 : index
      %get3A_155 = tpu.vector_load %arg6[%get3A_153, %get3A_154] {strides = array<i32>} : memref<80x64xf32, #tpu.memory_space<vmem>>, vector<1x16xf32>,
      %get3A_156 = vector.shape_cast %get3A_155 : vector<1x16xf32> to vector<16xf32>
      %get3A_157 = arith.constant 1 : i32
      %get3A_158 = arith.index_cast %get3A_157 : i32 to index
      %get3A_159 = arith.constant 16 : index
      %get3A_160 = tpu.vector_load %arg6[%get3A_158, %get3A_159] {strides = array<i32>} : memref<80x64xf32, #tpu.memory_space<vmem>>, vector<1x16xf32>,
      %get3A_161 = vector.shape_cast %get3A_160 : vector<1x16xf32> to vector<16xf32>
      %add3A_162 = arith.addf %get3A_156, %get3A_161 : vector<16xf32>
      %get3A_163 = arith.constant 2 : i32
      %get3A_164 = arith.index_cast %get3A_163 : i32 to index
      %get3A_165 = arith.constant 16 : index
      %get3A_166 = tpu.vector_load %arg6[%get3A_164, %get3A_165] {strides = array<i32>} : memref<80x64xf32, #tpu.memory_space<vmem>>, vector<1x16xf32>,
      %get3A_167 = vector.shape_cast %get3A_166 : vector<1x16xf32> to vector<16xf32>
      %add3A_168 = arith.addf %add3A_162, %get3A_167 : vector<16xf32>
      %get3A_169 = arith.constant 3 : i32
      %get3A_170 = arith.index_cast %get3A_169 : i32 to index
      %get3A_171 = arith.constant 16 : index
      %get3A_172 = tpu.vector_load %arg6[%get3A_170, %get3A_171] {strides = array<i32>} : memref<80x64xf32, #tpu.memory_space<vmem>>, vector<1x16xf32>,
      %get3A_173 = vector.shape_cast %get3A_172 : vector<1x16xf32> to vector<16xf32>
      %add3A_174 = arith.addf %add3A_168, %get3A_173 : vector<16xf32>
      %get3A_175 = arith.constant 4 : i32
      %get3A_176 = arith.index_cast %get3A_175 : i32 to index
      %get3A_177 = arith.constant 16 : index
      %get3A_178 = tpu.vector_load %arg6[%get3A_176, %get3A_177] {strides = array<i32>} : memref<80x64xf32, #tpu.memory_space<vmem>>, vector<1x16xf32>,
      %get3A_179 = vector.shape_cast %get3A_178 : vector<1x16xf32> to vector<16xf32>
      %add3A_180 = arith.addf %add3A_174, %get3A_179 : vector<16xf32>
      %get3A_181 = arith.constant 5 : i32
      %get3A_182 = arith.index_cast %get3A_181 : i32 to index
      %get3A_183 = arith.constant 16 : index
      %get3A_184 = tpu.vector_load %arg6[%get3A_182, %get3A_183] {strides = array<i32>} : memref<80x64xf32, #tpu.memory_space<vmem>>, vector<1x16xf32>,
      %get3A_185 = vector.shape_cast %get3A_184 : vector<1x16xf32> to vector<16xf32>
      %add3A_186 = arith.addf %add3A_180, %get3A_185 : vector<16xf32>
      %get3A_187 = arith.constant 6 : i32
      %get3A_188 = arith.index_cast %get3A_187 : i32 to index
      %get3A_189 = arith.constant 16 : index
      %get3A_190 = tpu.vector_load %arg6[%get3A_188, %get3A_189] {strides = array<i32>} : memref<80x64xf32, #tpu.memory_space<vmem>>, vector<1x16xf32>,
      %get3A_191 = vector.shape_cast %get3A_190 : vector<1x16xf32> to vector<16xf32>
      %add3A_192 = arith.addf %add3A_186, %get3A_191 : vector<16xf32>
      %get3A_193 = arith.constant 7 : i32
      %get3A_194 = arith.index_cast %get3A_193 : i32 to index
      %get3A_195 = arith.constant 16 : index
      %get3A_196 = tpu.vector_load %arg6[%get3A_194, %get3A_195] {strides = array<i32>} : memref<80x64xf32, #tpu.memory_space<vmem>>, vector<1x16xf32>,
      %get3A_197 = vector.shape_cast %get3A_196 : vector<1x16xf32> to vector<16xf32>
      %add3A_198 = arith.addf %add3A_192, %get3A_197 : vector<16xf32>
      %get3A_199 = arith.constant 8 : i32
      %get3A_200 = arith.index_cast %get3A_199 : i32 to index
      %get3A_201 = arith.constant 16 : index
      %get3A_202 = tpu.vector_load %arg6[%get3A_200, %get3A_201] {strides = array<i32>} : memref<80x64xf32, #tpu.memory_space<vmem>>, vector<1x16xf32>,
      %get3A_203 = vector.shape_cast %get3A_202 : vector<1x16xf32> to vector<16xf32>
      %add3A_204 = arith.addf %add3A_198, %get3A_203 : vector<16xf32>
      %get3A_205 = arith.constant 9 : i32
      %get3A_206 = arith.index_cast %get3A_205 : i32 to index
      %get3A_207 = arith.constant 16 : index
      %get3A_208 = tpu.vector_load %arg6[%get3A_206, %get3A_207] {strides = array<i32>} : memref<80x64xf32, #tpu.memory_space<vmem>>, vector<1x16xf32>,
      %get3A_209 = vector.shape_cast %get3A_208 : vector<1x16xf32> to vector<16xf32>
      %add3A_210 = arith.addf %add3A_204, %get3A_209 : vector<16xf32>
      %get3A_211 = arith.constant 10 : i32
      %get3A_212 = arith.index_cast %get3A_211 : i32 to index
      %get3A_213 = arith.constant 16 : index
      %get3A_214 = tpu.vector_load %arg6[%get3A_212, %get3A_213] {strides = array<i32>} : memref<80x64xf32, #tpu.memory_space<vmem>>, vector<1x16xf32>,
      %get3A_215 = vector.shape_cast %get3A_214 : vector<1x16xf32> to vector<16xf32>
      %add3A_216 = arith.addf %add3A_210, %get3A_215 : vector<16xf32>
      %get3A_217 = arith.constant 11 : i32
      %get3A_218 = arith.index_cast %get3A_217 : i32 to index
      %get3A_219 = arith.constant 16 : index
      %get3A_220 = tpu.vector_load %arg6[%get3A_218, %get3A_219] {strides = array<i32>} : memref<80x64xf32, #tpu.memory_space<vmem>>, vector<1x16xf32>,
      %get3A_221 = vector.shape_cast %get3A_220 : vector<1x16xf32> to vector<16xf32>
      %add3A_222 = arith.addf %add3A_216, %get3A_221 : vector<16xf32>
      %get3A_223 = arith.constant 12 : i32
      %get3A_224 = arith.index_cast %get3A_223 : i32 to index
      %get3A_225 = arith.constant 16 : index
      %get3A_226 = tpu.vector_load %arg6[%get3A_224, %get3A_225] {strides = array<i32>} : memref<80x64xf32, #tpu.memory_space<vmem>>, vector<1x16xf32>,
      %get3A_227 = vector.shape_cast %get3A_226 : vector<1x16xf32> to vector<16xf32>
      %add3A_228 = arith.addf %add3A_222, %get3A_227 : vector<16xf32>
      %get3A_229 = arith.constant 13 : i32
      %get3A_230 = arith.index_cast %get3A_229 : i32 to index
      %get3A_231 = arith.constant 16 : index
      %get3A_232 = tpu.vector_load %arg6[%get3A_230, %get3A_231] {strides = array<i32>} : memref<80x64xf32, #tpu.memory_space<vmem>>, vector<1x16xf32>,
      %get3A_233 = vector.shape_cast %get3A_232 : vector<1x16xf32> to vector<16xf32>
      %add3A_234 = arith.addf %add3A_228, %get3A_233 : vector<16xf32>
      %get3A_235 = arith.constant 14 : i32
      %get3A_236 = arith.index_cast %get3A_235 : i32 to index
      %get3A_237 = arith.constant 16 : index
      %get3A_238 = tpu.vector_load %arg6[%get3A_236, %get3A_237] {strides = array<i32>} : memref<80x64xf32, #tpu.memory_space<vmem>>, vector<1x16xf32>,
      %get3A_239 = vector.shape_cast %get3A_238 : vector<1x16xf32> to vector<16xf32>
      %add3A_240 = arith.addf %add3A_234, %get3A_239 : vector<16xf32>
      %get3A_241 = arith.constant 15 : i32
      %get3A_242 = arith.index_cast %get3A_241 : i32 to index
      %get3A_243 = arith.constant 16 : index
      %get3A_244 = tpu.vector_load %arg6[%get3A_242, %get3A_243] {strides = array<i32>} : memref<80x64xf32, #tpu.memory_space<vmem>>, vector<1x16xf32>,
      %get3A_245 = vector.shape_cast %get3A_244 : vector<1x16xf32> to vector<16xf32>
      %add3A_246 = arith.addf %add3A_240, %get3A_245 : vector<16xf32>
      %get3A_247 = arith.constant 16 : i32
      %get3A_248 = arith.index_cast %get3A_247 : i32 to index
      %get3A_249 = arith.constant 16 : index
      %get3A_250 = tpu.vector_load %arg6[%get3A_248, %get3A_249] {strides = array<i32>} : memref<80x64xf32, #tpu.memory_space<vmem>>, vector<1x16xf32>,
      %get3A_251 = vector.shape_cast %get3A_250 : vector<1x16xf32> to vector<16xf32>
      %add3A_252 = arith.addf %add3A_246, %get3A_251 : vector<16xf32>
      %get3A_253 = arith.constant 17 : i32
      %get3A_254 = arith.index_cast %get3A_253 : i32 to index
      %get3A_255 = arith.constant 16 : index
      %get3A_256 = tpu.vector_load %arg6[%get3A_254, %get3A_255] {strides = array<i32>} : memref<80x64xf32, #tpu.memory_space<vmem>>, vector<1x16xf32>,
      %get3A_257 = vector.shape_cast %get3A_256 : vector<1x16xf32> to vector<16xf32>
      %add3A_258 = arith.addf %add3A_252, %get3A_257 : vector<16xf32>
      %get3A_259 = arith.constant 18 : i32
      %get3A_260 = arith.index_cast %get3A_259 : i32 to index
      %get3A_261 = arith.constant 16 : index
      %get3A_262 = tpu.vector_load %arg6[%get3A_260, %get3A_261] {strides = array<i32>} : memref<80x64xf32, #tpu.memory_space<vmem>>, vector<1x16xf32>,
      %get3A_263 = vector.shape_cast %get3A_262 : vector<1x16xf32> to vector<16xf32>
      %add3A_264 = arith.addf %add3A_258, %get3A_263 : vector<16xf32>
      %get3A_265 = arith.constant 19 : i32
      %get3A_266 = arith.index_cast %get3A_265 : i32 to index
      %get3A_267 = arith.constant 16 : index
      %get3A_268 = tpu.vector_load %arg6[%get3A_266, %get3A_267] {strides = array<i32>} : memref<80x64xf32, #tpu.memory_space<vmem>>, vector<1x16xf32>,
      %get3A_269 = vector.shape_cast %get3A_268 : vector<1x16xf32> to vector<16xf32>
      %add3A_270 = arith.addf %add3A_264, %get3A_269 : vector<16xf32>
      %mul3A_271 = arith.constant 5.000000e-02 : f32
      %mul3A_272 = vector.broadcast %mul3A_271 : f32 to vector<16xf32>
      %mul3A_273 = arith.mulf %add3A_270, %mul3A_272 : vector<16xf32>
      %mul3A_274 = arith.constant 4 : i32
      %mul3A_275 = arith.muli %scan3A_11, %mul3A_274 : i32
      %add3A_276 = arith.constant 0 : i32
      %add3A_277 = arith.addi %mul3A_275, %add3A_276 : i32
      %swap3A_278 = arith.index_cast %add3A_277 : i32 to index
      %swap3A_279 = arith.constant 16 : index
      %swap3A_280 = tpu.vector_load %arg7[%swap3A_278, %swap3A_279] {strides = array<i32>} : memref<128x64xf32, #tpu.memory_space<vmem>>, vector<1x16xf32>,
      %swap3A_281 = vector.shape_cast %swap3A_280 : vector<1x16xf32> to vector<16xf32>
      %swap3A_282 = vector.shape_cast %mul3A_273 : vector<16xf32> to vector<1x16xf32>
      tpu.vector_store %arg7[%swap3A_278, %swap3A_279], %swap3A_282 {strides = array<i32>} : memref<128x64xf32, #tpu.memory_space<vmem>>, vector<1x16xf32>,
      %get3A_283 = arith.constant 0 : i32
      %get3A_284 = arith.index_cast %get3A_283 : i32 to index
      %get3A_285 = arith.constant 32 : index
      %get3A_286 = tpu.vector_load %arg6[%get3A_284, %get3A_285] {strides = array<i32>} : memref<80x64xf32, #tpu.memory_space<vmem>>, vector<1x16xf32>,
      %get3A_287 = vector.shape_cast %get3A_286 : vector<1x16xf32> to vector<16xf32>
      %get3A_288 = arith.constant 1 : i32
      %get3A_289 = arith.index_cast %get3A_288 : i32 to index
      %get3A_290 = arith.constant 32 : index
      %get3A_291 = tpu.vector_load %arg6[%get3A_289, %get3A_290] {strides = array<i32>} : memref<80x64xf32, #tpu.memory_space<vmem>>, vector<1x16xf32>,
      %get3A_292 = vector.shape_cast %get3A_291 : vector<1x16xf32> to vector<16xf32>
      %add3A_293 = arith.addf %get3A_287, %get3A_292 : vector<16xf32>
      %get3A_294 = arith.constant 2 : i32
      %get3A_295 = arith.index_cast %get3A_294 : i32 to index
      %get3A_296 = arith.constant 32 : index
      %get3A_297 = tpu.vector_load %arg6[%get3A_295, %get3A_296] {strides = array<i32>} : memref<80x64xf32, #tpu.memory_space<vmem>>, vector<1x16xf32>,
      %get3A_298 = vector.shape_cast %get3A_297 : vector<1x16xf32> to vector<16xf32>
      %add3A_299 = arith.addf %add3A_293, %get3A_298 : vector<16xf32>
      %get3A_300 = arith.constant 3 : i32
      %get3A_301 = arith.index_cast %get3A_300 : i32 to index
      %get3A_302 = arith.constant 32 : index
      %get3A_303 = tpu.vector_load %arg6[%get3A_301, %get3A_302] {strides = array<i32>} : memref<80x64xf32, #tpu.memory_space<vmem>>, vector<1x16xf32>,
      %get3A_304 = vector.shape_cast %get3A_303 : vector<1x16xf32> to vector<16xf32>
      %add3A_305 = arith.addf %add3A_299, %get3A_304 : vector<16xf32>
      %get3A_306 = arith.constant 4 : i32
      %get3A_307 = arith.index_cast %get3A_306 : i32 to index
      %get3A_308 = arith.constant 32 : index
      %get3A_309 = tpu.vector_load %arg6[%get3A_307, %get3A_308] {strides = array<i32>} : memref<80x64xf32, #tpu.memory_space<vmem>>, vector<1x16xf32>,
      %get3A_310 = vector.shape_cast %get3A_309 : vector<1x16xf32> to vector<16xf32>
      %add3A_311 = arith.addf %add3A_305, %get3A_310 : vector<16xf32>
      %get3A_312 = arith.constant 5 : i32
      %get3A_313 = arith.index_cast %get3A_312 : i32 to index
      %get3A_314 = arith.constant 32 : index
      %get3A_315 = tpu.vector_load %arg6[%get3A_313, %get3A_314] {strides = array<i32>} : memref<80x64xf32, #tpu.memory_space<vmem>>, vector<1x16xf32>,
      %get3A_316 = vector.shape_cast %get3A_315 : vector<1x16xf32> to vector<16xf32>
      %add3A_317 = arith.addf %add3A_311, %get3A_316 : vector<16xf32>
      %get3A_318 = arith.constant 6 : i32
      %get3A_319 = arith.index_cast %get3A_318 : i32 to index
      %get3A_320 = arith.constant 32 : index
      %get3A_321 = tpu.vector_load %arg6[%get3A_319, %get3A_320] {strides = array<i32>} : memref<80x64xf32, #tpu.memory_space<vmem>>, vector<1x16xf32>,
      %get3A_322 = vector.shape_cast %get3A_321 : vector<1x16xf32> to vector<16xf32>
      %add3A_323 = arith.addf %add3A_317, %get3A_322 : vector<16xf32>
      %get3A_324 = arith.constant 7 : i32
      %get3A_325 = arith.index_cast %get3A_324 : i32 to index
      %get3A_326 = arith.constant 32 : index
      %get3A_327 = tpu.vector_load %arg6[%get3A_325, %get3A_326] {strides = array<i32>} : memref<80x64xf32, #tpu.memory_space<vmem>>, vector<1x16xf32>,
      %get3A_328 = vector.shape_cast %get3A_327 : vector<1x16xf32> to vector<16xf32>
      %add3A_329 = arith.addf %add3A_323, %get3A_328 : vector<16xf32>
      %get3A_330 = arith.constant 8 : i32
      %get3A_331 = arith.index_cast %get3A_330 : i32 to index
      %get3A_332 = arith.constant 32 : index
      %get3A_333 = tpu.vector_load %arg6[%get3A_331, %get3A_332] {strides = array<i32>} : memref<80x64xf32, #tpu.memory_space<vmem>>, vector<1x16xf32>,
      %get3A_334 = vector.shape_cast %get3A_333 : vector<1x16xf32> to vector<16xf32>
      %add3A_335 = arith.addf %add3A_329, %get3A_334 : vector<16xf32>
      %get3A_336 = arith.constant 9 : i32
      %get3A_337 = arith.index_cast %get3A_336 : i32 to index
      %get3A_338 = arith.constant 32 : index
      %get3A_339 = tpu.vector_load %arg6[%get3A_337, %get3A_338] {strides = array<i32>} : memref<80x64xf32, #tpu.memory_space<vmem>>, vector<1x16xf32>,
      %get3A_340 = vector.shape_cast %get3A_339 : vector<1x16xf32> to vector<16xf32>
      %add3A_341 = arith.addf %add3A_335, %get3A_340 : vector<16xf32>
      %get3A_342 = arith.constant 10 : i32
      %get3A_343 = arith.index_cast %get3A_342 : i32 to index
      %get3A_344 = arith.constant 32 : index
      %get3A_345 = tpu.vector_load %arg6[%get3A_343, %get3A_344] {strides = array<i32>} : memref<80x64xf32, #tpu.memory_space<vmem>>, vector<1x16xf32>,
      %get3A_346 = vector.shape_cast %get3A_345 : vector<1x16xf32> to vector<16xf32>
      %add3A_347 = arith.addf %add3A_341, %get3A_346 : vector<16xf32>
      %get3A_348 = arith.constant 11 : i32
      %get3A_349 = arith.index_cast %get3A_348 : i32 to index
      %get3A_350 = arith.constant 32 : index
      %get3A_351 = tpu.vector_load %arg6[%get3A_349, %get3A_350] {strides = array<i32>} : memref<80x64xf32, #tpu.memory_space<vmem>>, vector<1x16xf32>,
      %get3A_352 = vector.shape_cast %get3A_351 : vector<1x16xf32> to vector<16xf32>
      %add3A_353 = arith.addf %add3A_347, %get3A_352 : vector<16xf32>
      %get3A_354 = arith.constant 12 : i32
      %get3A_355 = arith.index_cast %get3A_354 : i32 to index
      %get3A_356 = arith.constant 32 : index
      %get3A_357 = tpu.vector_load %arg6[%get3A_355, %get3A_356] {strides = array<i32>} : memref<80x64xf32, #tpu.memory_space<vmem>>, vector<1x16xf32>,
      %get3A_358 = vector.shape_cast %get3A_357 : vector<1x16xf32> to vector<16xf32>
      %add3A_359 = arith.addf %add3A_353, %get3A_358 : vector<16xf32>
      %get3A_360 = arith.constant 13 : i32
      %get3A_361 = arith.index_cast %get3A_360 : i32 to index
      %get3A_362 = arith.constant 32 : index
      %get3A_363 = tpu.vector_load %arg6[%get3A_361, %get3A_362] {strides = array<i32>} : memref<80x64xf32, #tpu.memory_space<vmem>>, vector<1x16xf32>,
      %get3A_364 = vector.shape_cast %get3A_363 : vector<1x16xf32> to vector<16xf32>
      %add3A_365 = arith.addf %add3A_359, %get3A_364 : vector<16xf32>
      %get3A_366 = arith.constant 14 : i32
      %get3A_367 = arith.index_cast %get3A_366 : i32 to index
      %get3A_368 = arith.constant 32 : index
      %get3A_369 = tpu.vector_load %arg6[%get3A_367, %get3A_368] {strides = array<i32>} : memref<80x64xf32, #tpu.memory_space<vmem>>, vector<1x16xf32>,
      %get3A_370 = vector.shape_cast %get3A_369 : vector<1x16xf32> to vector<16xf32>
      %add3A_371 = arith.addf %add3A_365, %get3A_370 : vector<16xf32>
      %get3A_372 = arith.constant 15 : i32
      %get3A_373 = arith.index_cast %get3A_372 : i32 to index
      %get3A_374 = arith.constant 32 : index
      %get3A_375 = tpu.vector_load %arg6[%get3A_373, %get3A_374] {strides = array<i32>} : memref<80x64xf32, #tpu.memory_space<vmem>>, vector<1x16xf32>,
      %get3A_376 = vector.shape_cast %get3A_375 : vector<1x16xf32> to vector<16xf32>
      %add3A_377 = arith.addf %add3A_371, %get3A_376 : vector<16xf32>
      %get3A_378 = arith.constant 16 : i32
      %get3A_379 = arith.index_cast %get3A_378 : i32 to index
      %get3A_380 = arith.constant 32 : index
      %get3A_381 = tpu.vector_load %arg6[%get3A_379, %get3A_380] {strides = array<i32>} : memref<80x64xf32, #tpu.memory_space<vmem>>, vector<1x16xf32>,
      %get3A_382 = vector.shape_cast %get3A_381 : vector<1x16xf32> to vector<16xf32>
      %add3A_383 = arith.addf %add3A_377, %get3A_382 : vector<16xf32>
      %get3A_384 = arith.constant 17 : i32
      %get3A_385 = arith.index_cast %get3A_384 : i32 to index
      %get3A_386 = arith.constant 32 : index
      %get3A_387 = tpu.vector_load %arg6[%get3A_385, %get3A_386] {strides = array<i32>} : memref<80x64xf32, #tpu.memory_space<vmem>>, vector<1x16xf32>,
      %get3A_388 = vector.shape_cast %get3A_387 : vector<1x16xf32> to vector<16xf32>
      %add3A_389 = arith.addf %add3A_383, %get3A_388 : vector<16xf32>
      %get3A_390 = arith.constant 18 : i32
      %get3A_391 = arith.index_cast %get3A_390 : i32 to index
      %get3A_392 = arith.constant 32 : index
      %get3A_393 = tpu.vector_load %arg6[%get3A_391, %get3A_392] {strides = array<i32>} : memref<80x64xf32, #tpu.memory_space<vmem>>, vector<1x16xf32>,
      %get3A_394 = vector.shape_cast %get3A_393 : vector<1x16xf32> to vector<16xf32>
      %add3A_395 = arith.addf %add3A_389, %get3A_394 : vector<16xf32>
      %get3A_396 = arith.constant 19 : i32
      %get3A_397 = arith.index_cast %get3A_396 : i32 to index
      %get3A_398 = arith.constant 32 : index
      %get3A_399 = tpu.vector_load %arg6[%get3A_397, %get3A_398] {strides = array<i32>} : memref<80x64xf32, #tpu.memory_space<vmem>>, vector<1x16xf32>,
      %get3A_400 = vector.shape_cast %get3A_399 : vector<1x16xf32> to vector<16xf32>
      %add3A_401 = arith.addf %add3A_395, %get3A_400 : vector<16xf32>
      %mul3A_402 = arith.constant 5.000000e-02 : f32
      %mul3A_403 = vector.broadcast %mul3A_402 : f32 to vector<16xf32>
      %mul3A_404 = arith.mulf %add3A_401, %mul3A_403 : vector<16xf32>
      %mul3A_405 = arith.constant 4 : i32
      %mul3A_406 = arith.muli %scan3A_11, %mul3A_405 : i32
      %add3A_407 = arith.constant 0 : i32
      %add3A_408 = arith.addi %mul3A_406, %add3A_407 : i32
      %swap3A_409 = arith.index_cast %add3A_408 : i32 to index
      %swap3A_410 = arith.constant 32 : index
      %swap3A_411 = tpu.vector_load %arg7[%swap3A_409, %swap3A_410] {strides = array<i32>} : memref<128x64xf32, #tpu.memory_space<vmem>>, vector<1x16xf32>,
      %swap3A_412 = vector.shape_cast %swap3A_411 : vector<1x16xf32> to vector<16xf32>
      %swap3A_413 = vector.shape_cast %mul3A_404 : vector<16xf32> to vector<1x16xf32>
      tpu.vector_store %arg7[%swap3A_409, %swap3A_410], %swap3A_413 {strides = array<i32>} : memref<128x64xf32, #tpu.memory_space<vmem>>, vector<1x16xf32>,
      %get3A_414 = arith.constant 0 : i32
      %get3A_415 = arith.index_cast %get3A_414 : i32 to index
      %get3A_416 = arith.constant 48 : index
      %get3A_417 = tpu.vector_load %arg6[%get3A_415, %get3A_416] {strides = array<i32>} : memref<80x64xf32, #tpu.memory_space<vmem>>, vector<1x16xf32>,
      %get3A_418 = vector.shape_cast %get3A_417 : vector<1x16xf32> to vector<16xf32>
      %get3A_419 = arith.constant 1 : i32
      %get3A_420 = arith.index_cast %get3A_419 : i32 to index
      %get3A_421 = arith.constant 48 : index
      %get3A_422 = tpu.vector_load %arg6[%get3A_420, %get3A_421] {strides = array<i32>} : memref<80x64xf32, #tpu.memory_space<vmem>>, vector<1x16xf32>,
      %get3A_423 = vector.shape_cast %get3A_422 : vector<1x16xf32> to vector<16xf32>
      %add3A_424 = arith.addf %get3A_418, %get3A_423 : vector<16xf32>
      %get3A_425 = arith.constant 2 : i32
      %get3A_426 = arith.index_cast %get3A_425 : i32 to index
      %get3A_427 = arith.constant 48 : index
      %get3A_428 = tpu.vector_load %arg6[%get3A_426, %get3A_427] {strides = array<i32>} : memref<80x64xf32, #tpu.memory_space<vmem>>, vector<1x16xf32>,
      %get3A_429 = vector.shape_cast %get3A_428 : vector<1x16xf32> to vector<16xf32>
      %add3A_430 = arith.addf %add3A_424, %get3A_429 : vector<16xf32>
      %get3A_431 = arith.constant 3 : i32
      %get3A_432 = arith.index_cast %get3A_431 : i32 to index
      %get3A_433 = arith.constant 48 : index
      %get3A_434 = tpu.vector_load %arg6[%get3A_432, %get3A_433] {strides = array<i32>} : memref<80x64xf32, #tpu.memory_space<vmem>>, vector<1x16xf32>,
      %get3A_435 = vector.shape_cast %get3A_434 : vector<1x16xf32> to vector<16xf32>
      %add3A_436 = arith.addf %add3A_430, %get3A_435 : vector<16xf32>
      %get3A_437 = arith.constant 4 : i32
      %get3A_438 = arith.index_cast %get3A_437 : i32 to index
      %get3A_439 = arith.constant 48 : index
      %get3A_440 = tpu.vector_load %arg6[%get3A_438, %get3A_439] {strides = array<i32>} : memref<80x64xf32, #tpu.memory_space<vmem>>, vector<1x16xf32>,
      %get3A_441 = vector.shape_cast %get3A_440 : vector<1x16xf32> to vector<16xf32>
      %add3A_442 = arith.addf %add3A_436, %get3A_441 : vector<16xf32>
      %get3A_443 = arith.constant 5 : i32
      %get3A_444 = arith.index_cast %get3A_443 : i32 to index
      %get3A_445 = arith.constant 48 : index
      %get3A_446 = tpu.vector_load %arg6[%get3A_444, %get3A_445] {strides = array<i32>} : memref<80x64xf32, #tpu.memory_space<vmem>>, vector<1x16xf32>,
      %get3A_447 = vector.shape_cast %get3A_446 : vector<1x16xf32> to vector<16xf32>
      %add3A_448 = arith.addf %add3A_442, %get3A_447 : vector<16xf32>
      %get3A_449 = arith.constant 6 : i32
      %get3A_450 = arith.index_cast %get3A_449 : i32 to index
      %get3A_451 = arith.constant 48 : index
      %get3A_452 = tpu.vector_load %arg6[%get3A_450, %get3A_451] {strides = array<i32>} : memref<80x64xf32, #tpu.memory_space<vmem>>, vector<1x16xf32>,
      %get3A_453 = vector.shape_cast %get3A_452 : vector<1x16xf32> to vector<16xf32>
      %add3A_454 = arith.addf %add3A_448, %get3A_453 : vector<16xf32>
      %get3A_455 = arith.constant 7 : i32
      %get3A_456 = arith.index_cast %get3A_455 : i32 to index
      %get3A_457 = arith.constant 48 : index
      %get3A_458 = tpu.vector_load %arg6[%get3A_456, %get3A_457] {strides = array<i32>} : memref<80x64xf32, #tpu.memory_space<vmem>>, vector<1x16xf32>,
      %get3A_459 = vector.shape_cast %get3A_458 : vector<1x16xf32> to vector<16xf32>
      %add3A_460 = arith.addf %add3A_454, %get3A_459 : vector<16xf32>
      %get3A_461 = arith.constant 8 : i32
      %get3A_462 = arith.index_cast %get3A_461 : i32 to index
      %get3A_463 = arith.constant 48 : index
      %get3A_464 = tpu.vector_load %arg6[%get3A_462, %get3A_463] {strides = array<i32>} : memref<80x64xf32, #tpu.memory_space<vmem>>, vector<1x16xf32>,
      %get3A_465 = vector.shape_cast %get3A_464 : vector<1x16xf32> to vector<16xf32>
      %add3A_466 = arith.addf %add3A_460, %get3A_465 : vector<16xf32>
      %get3A_467 = arith.constant 9 : i32
      %get3A_468 = arith.index_cast %get3A_467 : i32 to index
      %get3A_469 = arith.constant 48 : index
      %get3A_470 = tpu.vector_load %arg6[%get3A_468, %get3A_469] {strides = array<i32>} : memref<80x64xf32, #tpu.memory_space<vmem>>, vector<1x16xf32>,
      %get3A_471 = vector.shape_cast %get3A_470 : vector<1x16xf32> to vector<16xf32>
      %add3A_472 = arith.addf %add3A_466, %get3A_471 : vector<16xf32>
      %get3A_473 = arith.constant 10 : i32
      %get3A_474 = arith.index_cast %get3A_473 : i32 to index
      %get3A_475 = arith.constant 48 : index
      %get3A_476 = tpu.vector_load %arg6[%get3A_474, %get3A_475] {strides = array<i32>} : memref<80x64xf32, #tpu.memory_space<vmem>>, vector<1x16xf32>,
      %get3A_477 = vector.shape_cast %get3A_476 : vector<1x16xf32> to vector<16xf32>
      %add3A_478 = arith.addf %add3A_472, %get3A_477 : vector<16xf32>
      %get3A_479 = arith.constant 11 : i32
      %get3A_480 = arith.index_cast %get3A_479 : i32 to index
      %get3A_481 = arith.constant 48 : index
      %get3A_482 = tpu.vector_load %arg6[%get3A_480, %get3A_481] {strides = array<i32>} : memref<80x64xf32, #tpu.memory_space<vmem>>, vector<1x16xf32>,
      %get3A_483 = vector.shape_cast %get3A_482 : vector<1x16xf32> to vector<16xf32>
      %add3A_484 = arith.addf %add3A_478, %get3A_483 : vector<16xf32>
      %get3A_485 = arith.constant 12 : i32
      %get3A_486 = arith.index_cast %get3A_485 : i32 to index
      %get3A_487 = arith.constant 48 : index
      %get3A_488 = tpu.vector_load %arg6[%get3A_486, %get3A_487] {strides = array<i32>} : memref<80x64xf32, #tpu.memory_space<vmem>>, vector<1x16xf32>,
      %get3A_489 = vector.shape_cast %get3A_488 : vector<1x16xf32> to vector<16xf32>
      %add3A_490 = arith.addf %add3A_484, %get3A_489 : vector<16xf32>
      %get3A_491 = arith.constant 13 : i32
      %get3A_492 = arith.index_cast %get3A_491 : i32 to index
      %get3A_493 = arith.constant 48 : index
      %get3A_494 = tpu.vector_load %arg6[%get3A_492, %get3A_493] {strides = array<i32>} : memref<80x64xf32, #tpu.memory_space<vmem>>, vector<1x16xf32>,
      %get3A_495 = vector.shape_cast %get3A_494 : vector<1x16xf32> to vector<16xf32>
      %add3A_496 = arith.addf %add3A_490, %get3A_495 : vector<16xf32>
      %get3A_497 = arith.constant 14 : i32
      %get3A_498 = arith.index_cast %get3A_497 : i32 to index
      %get3A_499 = arith.constant 48 : index
      %get3A_500 = tpu.vector_load %arg6[%get3A_498, %get3A_499] {strides = array<i32>} : memref<80x64xf32, #tpu.memory_space<vmem>>, vector<1x16xf32>,
      %get3A_501 = vector.shape_cast %get3A_500 : vector<1x16xf32> to vector<16xf32>
      %add3A_502 = arith.addf %add3A_496, %get3A_501 : vector<16xf32>
      %get3A_503 = arith.constant 15 : i32
      %get3A_504 = arith.index_cast %get3A_503 : i32 to index
      %get3A_505 = arith.constant 48 : index
      %get3A_506 = tpu.vector_load %arg6[%get3A_504, %get3A_505] {strides = array<i32>} : memref<80x64xf32, #tpu.memory_space<vmem>>, vector<1x16xf32>,
      %get3A_507 = vector.shape_cast %get3A_506 : vector<1x16xf32> to vector<16xf32>
      %add3A_508 = arith.addf %add3A_502, %get3A_507 : vector<16xf32>
      %get3A_509 = arith.constant 16 : i32
      %get3A_510 = arith.index_cast %get3A_509 : i32 to index
      %get3A_511 = arith.constant 48 : index
      %get3A_512 = tpu.vector_load %arg6[%get3A_510, %get3A_511] {strides = array<i32>} : memref<80x64xf32, #tpu.memory_space<vmem>>, vector<1x16xf32>,
      %get3A_513 = vector.shape_cast %get3A_512 : vector<1x16xf32> to vector<16xf32>
      %add3A_514 = arith.addf %add3A_508, %get3A_513 : vector<16xf32>
      %get3A_515 = arith.constant 17 : i32
      %get3A_516 = arith.index_cast %get3A_515 : i32 to index
      %get3A_517 = arith.constant 48 : index
      %get3A_518 = tpu.vector_load %arg6[%get3A_516, %get3A_517] {strides = array<i32>} : memref<80x64xf32, #tpu.memory_space<vmem>>, vector<1x16xf32>,
      %get3A_519 = vector.shape_cast %get3A_518 : vector<1x16xf32> to vector<16xf32>
      %add3A_520 = arith.addf %add3A_514, %get3A_519 : vector<16xf32>
      %get3A_521 = arith.constant 18 : i32
      %get3A_522 = arith.index_cast %get3A_521 : i32 to index
      %get3A_523 = arith.constant 48 : index
      %get3A_524 = tpu.vector_load %arg6[%get3A_522, %get3A_523] {strides = array<i32>} : memref<80x64xf32, #tpu.memory_space<vmem>>, vector<1x16xf32>,
      %get3A_525 = vector.shape_cast %get3A_524 : vector<1x16xf32> to vector<16xf32>
      %add3A_526 = arith.addf %add3A_520, %get3A_525 : vector<16xf32>
      %get3A_527 = arith.constant 19 : i32
      %get3A_528 = arith.index_cast %get3A_527 : i32 to index
      %get3A_529 = arith.constant 48 : index
      %get3A_530 = tpu.vector_load %arg6[%get3A_528, %get3A_529] {strides = array<i32>} : memref<80x64xf32, #tpu.memory_space<vmem>>, vector<1x16xf32>,
      %get3A_531 = vector.shape_cast %get3A_530 : vector<1x16xf32> to vector<16xf32>
      %add3A_532 = arith.addf %add3A_526, %get3A_531 : vector<16xf32>
      %mul3A_533 = arith.constant 5.000000e-02 : f32
      %mul3A_534 = vector.broadcast %mul3A_533 : f32 to vector<16xf32>
      %mul3A_535 = arith.mulf %add3A_532, %mul3A_534 : vector<16xf32>
      %mul3A_536 = arith.constant 4 : i32
      %mul3A_537 = arith.muli %scan3A_11, %mul3A_536 : i32
      %add3A_538 = arith.constant 0 : i32
      %add3A_539 = arith.addi %mul3A_537, %add3A_538 : i32
      %swap3A_540 = arith.index_cast %add3A_539 : i32 to index
      %swap3A_541 = arith.constant 48 : index
      %swap3A_542 = tpu.vector_load %arg7[%swap3A_540, %swap3A_541] {strides = array<i32>} : memref<128x64xf32, #tpu.memory_space<vmem>>, vector<1x16xf32>,
      %swap3A_543 = vector.shape_cast %swap3A_542 : vector<1x16xf32> to vector<16xf32>
      %swap3A_544 = vector.shape_cast %mul3A_535 : vector<16xf32> to vector<1x16xf32>
      tpu.vector_store %arg7[%swap3A_540, %swap3A_541], %swap3A_544 {strides = array<i32>} : memref<128x64xf32, #tpu.memory_space<vmem>>, vector<1x16xf32>,
      %get3A_545 = arith.constant 20 : i32
      %get3A_546 = arith.index_cast %get3A_545 : i32 to index
      %get3A_547 = arith.constant 0 : index
      %get3A_548 = tpu.vector_load %arg6[%get3A_546, %get3A_547] {strides = array<i32>} : memref<80x64xf32, #tpu.memory_space<vmem>>, vector<1x16xf32>,
      %get3A_549 = vector.shape_cast %get3A_548 : vector<1x16xf32> to vector<16xf32>
      %get3A_550 = arith.constant 21 : i32
      %get3A_551 = arith.index_cast %get3A_550 : i32 to index
      %get3A_552 = arith.constant 0 : index
      %get3A_553 = tpu.vector_load %arg6[%get3A_551, %get3A_552] {strides = array<i32>} : memref<80x64xf32, #tpu.memory_space<vmem>>, vector<1x16xf32>,
      %get3A_554 = vector.shape_cast %get3A_553 : vector<1x16xf32> to vector<16xf32>
      %add3A_555 = arith.addf %get3A_549, %get3A_554 : vector<16xf32>
      %get3A_556 = arith.constant 22 : i32
      %get3A_557 = arith.index_cast %get3A_556 : i32 to index
      %get3A_558 = arith.constant 0 : index
      %get3A_559 = tpu.vector_load %arg6[%get3A_557, %get3A_558] {strides = array<i32>} : memref<80x64xf32, #tpu.memory_space<vmem>>, vector<1x16xf32>,
      %get3A_560 = vector.shape_cast %get3A_559 : vector<1x16xf32> to vector<16xf32>
      %add3A_561 = arith.addf %add3A_555, %get3A_560 : vector<16xf32>
      %get3A_562 = arith.constant 23 : i32
      %get3A_563 = arith.index_cast %get3A_562 : i32 to index
      %get3A_564 = arith.constant 0 : index
      %get3A_565 = tpu.vector_load %arg6[%get3A_563, %get3A_564] {strides = array<i32>} : memref<80x64xf32, #tpu.memory_space<vmem>>, vector<1x16xf32>,
      %get3A_566 = vector.shape_cast %get3A_565 : vector<1x16xf32> to vector<16xf32>
      %add3A_567 = arith.addf %add3A_561, %get3A_566 : vector<16xf32>
      %get3A_568 = arith.constant 24 : i32
      %get3A_569 = arith.index_cast %get3A_568 : i32 to index
      %get3A_570 = arith.constant 0 : index
      %get3A_571 = tpu.vector_load %arg6[%get3A_569, %get3A_570] {strides = array<i32>} : memref<80x64xf32, #tpu.memory_space<vmem>>, vector<1x16xf32>,
      %get3A_572 = vector.shape_cast %get3A_571 : vector<1x16xf32> to vector<16xf32>
      %add3A_573 = arith.addf %add3A_567, %get3A_572 : vector<16xf32>
      %get3A_574 = arith.constant 25 : i32
      %get3A_575 = arith.index_cast %get3A_574 : i32 to index
      %get3A_576 = arith.constant 0 : index
      %get3A_577 = tpu.vector_load %arg6[%get3A_575, %get3A_576] {strides = array<i32>} : memref<80x64xf32, #tpu.memory_space<vmem>>, vector<1x16xf32>,
      %get3A_578 = vector.shape_cast %get3A_577 : vector<1x16xf32> to vector<16xf32>
      %add3A_579 = arith.addf %add3A_573, %get3A_578 : vector<16xf32>
      %get3A_580 = arith.constant 26 : i32
      %get3A_581 = arith.index_cast %get3A_580 : i32 to index
      %get3A_582 = arith.constant 0 : index
      %get3A_583 = tpu.vector_load %arg6[%get3A_581, %get3A_582] {strides = array<i32>} : memref<80x64xf32, #tpu.memory_space<vmem>>, vector<1x16xf32>,
      %get3A_584 = vector.shape_cast %get3A_583 : vector<1x16xf32> to vector<16xf32>
      %add3A_585 = arith.addf %add3A_579, %get3A_584 : vector<16xf32>
      %get3A_586 = arith.constant 27 : i32
      %get3A_587 = arith.index_cast %get3A_586 : i32 to index
      %get3A_588 = arith.constant 0 : index
      %get3A_589 = tpu.vector_load %arg6[%get3A_587, %get3A_588] {strides = array<i32>} : memref<80x64xf32, #tpu.memory_space<vmem>>, vector<1x16xf32>,
      %get3A_590 = vector.shape_cast %get3A_589 : vector<1x16xf32> to vector<16xf32>
      %add3A_591 = arith.addf %add3A_585, %get3A_590 : vector<16xf32>
      %get3A_592 = arith.constant 28 : i32
      %get3A_593 = arith.index_cast %get3A_592 : i32 to index
      %get3A_594 = arith.constant 0 : index
      %get3A_595 = tpu.vector_load %arg6[%get3A_593, %get3A_594] {strides = array<i32>} : memref<80x64xf32, #tpu.memory_space<vmem>>, vector<1x16xf32>,
      %get3A_596 = vector.shape_cast %get3A_595 : vector<1x16xf32> to vector<16xf32>
      %add3A_597 = arith.addf %add3A_591, %get3A_596 : vector<16xf32>
      %get3A_598 = arith.constant 29 : i32
      %get3A_599 = arith.index_cast %get3A_598 : i32 to index
      %get3A_600 = arith.constant 0 : index
      %get3A_601 = tpu.vector_load %arg6[%get3A_599, %get3A_600] {strides = array<i32>} : memref<80x64xf32, #tpu.memory_space<vmem>>, vector<1x16xf32>,
      %get3A_602 = vector.shape_cast %get3A_601 : vector<1x16xf32> to vector<16xf32>
      %add3A_603 = arith.addf %add3A_597, %get3A_602 : vector<16xf32>
      %get3A_604 = arith.constant 30 : i32
      %get3A_605 = arith.index_cast %get3A_604 : i32 to index
      %get3A_606 = arith.constant 0 : index
      %get3A_607 = tpu.vector_load %arg6[%get3A_605, %get3A_606] {strides = array<i32>} : memref<80x64xf32, #tpu.memory_space<vmem>>, vector<1x16xf32>,
      %get3A_608 = vector.shape_cast %get3A_607 : vector<1x16xf32> to vector<16xf32>
      %add3A_609 = arith.addf %add3A_603, %get3A_608 : vector<16xf32>
      %get3A_610 = arith.constant 31 : i32
      %get3A_611 = arith.index_cast %get3A_610 : i32 to index
      %get3A_612 = arith.constant 0 : index
      %get3A_613 = tpu.vector_load %arg6[%get3A_611, %get3A_612] {strides = array<i32>} : memref<80x64xf32, #tpu.memory_space<vmem>>, vector<1x16xf32>,
      %get3A_614 = vector.shape_cast %get3A_613 : vector<1x16xf32> to vector<16xf32>
      %add3A_615 = arith.addf %add3A_609, %get3A_614 : vector<16xf32>
      %get3A_616 = arith.constant 32 : i32
      %get3A_617 = arith.index_cast %get3A_616 : i32 to index
      %get3A_618 = arith.constant 0 : index
      %get3A_619 = tpu.vector_load %arg6[%get3A_617, %get3A_618] {strides = array<i32>} : memref<80x64xf32, #tpu.memory_space<vmem>>, vector<1x16xf32>,
      %get3A_620 = vector.shape_cast %get3A_619 : vector<1x16xf32> to vector<16xf32>
      %add3A_621 = arith.addf %add3A_615, %get3A_620 : vector<16xf32>
      %get3A_622 = arith.constant 33 : i32
      %get3A_623 = arith.index_cast %get3A_622 : i32 to index
      %get3A_624 = arith.constant 0 : index
      %get3A_625 = tpu.vector_load %arg6[%get3A_623, %get3A_624] {strides = array<i32>} : memref<80x64xf32, #tpu.memory_space<vmem>>, vector<1x16xf32>,
      %get3A_626 = vector.shape_cast %get3A_625 : vector<1x16xf32> to vector<16xf32>
      %add3A_627 = arith.addf %add3A_621, %get3A_626 : vector<16xf32>
      %get3A_628 = arith.constant 34 : i32
      %get3A_629 = arith.index_cast %get3A_628 : i32 to index
      %get3A_630 = arith.constant 0 : index
      %get3A_631 = tpu.vector_load %arg6[%get3A_629, %get3A_630] {strides = array<i32>} : memref<80x64xf32, #tpu.memory_space<vmem>>, vector<1x16xf32>,
      %get3A_632 = vector.shape_cast %get3A_631 : vector<1x16xf32> to vector<16xf32>
      %add3A_633 = arith.addf %add3A_627, %get3A_632 : vector<16xf32>
      %get3A_634 = arith.constant 35 : i32
      %get3A_635 = arith.index_cast %get3A_634 : i32 to index
      %get3A_636 = arith.constant 0 : index
      %get3A_637 = tpu.vector_load %arg6[%get3A_635, %get3A_636] {strides = array<i32>} : memref<80x64xf32, #tpu.memory_space<vmem>>, vector<1x16xf32>,
      %get3A_638 = vector.shape_cast %get3A_637 : vector<1x16xf32> to vector<16xf32>
      %add3A_639 = arith.addf %add3A_633, %get3A_638 : vector<16xf32>
      %get3A_640 = arith.constant 36 : i32
      %get3A_641 = arith.index_cast %get3A_640 : i32 to index
      %get3A_642 = arith.constant 0 : index
      %get3A_643 = tpu.vector_load %arg6[%get3A_641, %get3A_642] {strides = array<i32>} : memref<80x64xf32, #tpu.memory_space<vmem>>, vector<1x16xf32>,
      %get3A_644 = vector.shape_cast %get3A_643 : vector<1x16xf32> to vector<16xf32>
      %add3A_645 = arith.addf %add3A_639, %get3A_644 : vector<16xf32>
      %get3A_646 = arith.constant 37 : i32
      %get3A_647 = arith.index_cast %get3A_646 : i32 to index
      %get3A_648 = arith.constant 0 : index
      %get3A_649 = tpu.vector_load %arg6[%get3A_647, %get3A_648] {strides = array<i32>} : memref<80x64xf32, #tpu.memory_space<vmem>>, vector<1x16xf32>,
      %get3A_650 = vector.shape_cast %get3A_649 : vector<1x16xf32> to vector<16xf32>
      %add3A_651 = arith.addf %add3A_645, %get3A_650 : vector<16xf32>
      %get3A_652 = arith.constant 38 : i32
      %get3A_653 = arith.index_cast %get3A_652 : i32 to index
      %get3A_654 = arith.constant 0 : index
      %get3A_655 = tpu.vector_load %arg6[%get3A_653, %get3A_654] {strides = array<i32>} : memref<80x64xf32, #tpu.memory_space<vmem>>, vector<1x16xf32>,
      %get3A_656 = vector.shape_cast %get3A_655 : vector<1x16xf32> to vector<16xf32>
      %add3A_657 = arith.addf %add3A_651, %get3A_656 : vector<16xf32>
      %get3A_658 = arith.constant 39 : i32
      %get3A_659 = arith.index_cast %get3A_658 : i32 to index
      %get3A_660 = arith.constant 0 : index
      %get3A_661 = tpu.vector_load %arg6[%get3A_659, %get3A_660] {strides = array<i32>} : memref<80x64xf32, #tpu.memory_space<vmem>>, vector<1x16xf32>,
      %get3A_662 = vector.shape_cast %get3A_661 : vector<1x16xf32> to vector<16xf32>
      %add3A_663 = arith.addf %add3A_657, %get3A_662 : vector<16xf32>
      %mul3A_664 = arith.constant 5.000000e-02 : f32
      %mul3A_665 = vector.broadcast %mul3A_664 : f32 to vector<16xf32>
      %mul3A_666 = arith.mulf %add3A_663, %mul3A_665 : vector<16xf32>
      %mul3A_667 = arith.constant 4 : i32
      %mul3A_668 = arith.muli %scan3A_11, %mul3A_667 : i32
      %add3A_669 = arith.constant 1 : i32
      %add3A_670 = arith.addi %mul3A_668, %add3A_669 : i32
      %swap3A_671 = arith.index_cast %add3A_670 : i32 to index
      %swap3A_672 = arith.constant 0 : index
      %swap3A_673 = tpu.vector_load %arg7[%swap3A_671, %swap3A_672] {strides = array<i32>} : memref<128x64xf32, #tpu.memory_space<vmem>>, vector<1x16xf32>,
      %swap3A_674 = vector.shape_cast %swap3A_673 : vector<1x16xf32> to vector<16xf32>
      %swap3A_675 = vector.shape_cast %mul3A_666 : vector<16xf32> to vector<1x16xf32>
      tpu.vector_store %arg7[%swap3A_671, %swap3A_672], %swap3A_675 {strides = array<i32>} : memref<128x64xf32, #tpu.memory_space<vmem>>, vector<1x16xf32>,
      %get3A_676 = arith.constant 20 : i32
      %get3A_677 = arith.index_cast %get3A_676 : i32 to index
      %get3A_678 = arith.constant 16 : index
      %get3A_679 = tpu.vector_load %arg6[%get3A_677, %get3A_678] {strides = array<i32>} : memref<80x64xf32, #tpu.memory_space<vmem>>, vector<1x16xf32>,
      %get3A_680 = vector.shape_cast %get3A_679 : vector<1x16xf32> to vector<16xf32>
      %get3A_681 = arith.constant 21 : i32
      %get3A_682 = arith.index_cast %get3A_681 : i32 to index
      %get3A_683 = arith.constant 16 : index
      %get3A_684 = tpu.vector_load %arg6[%get3A_682, %get3A_683] {strides = array<i32>} : memref<80x64xf32, #tpu.memory_space<vmem>>, vector<1x16xf32>,
      %get3A_685 = vector.shape_cast %get3A_684 : vector<1x16xf32> to vector<16xf32>
      %add3A_686 = arith.addf %get3A_680, %get3A_685 : vector<16xf32>
      %get3A_687 = arith.constant 22 : i32
      %get3A_688 = arith.index_cast %get3A_687 : i32 to index
      %get3A_689 = arith.constant 16 : index
      %get3A_690 = tpu.vector_load %arg6[%get3A_688, %get3A_689] {strides = array<i32>} : memref<80x64xf32, #tpu.memory_space<vmem>>, vector<1x16xf32>,
      %get3A_691 = vector.shape_cast %get3A_690 : vector<1x16xf32> to vector<16xf32>
      %add3A_692 = arith.addf %add3A_686, %get3A_691 : vector<16xf32>
      %get3A_693 = arith.constant 23 : i32
      %get3A_694 = arith.index_cast %get3A_693 : i32 to index
      %get3A_695 = arith.constant 16 : index
      %get3A_696 = tpu.vector_load %arg6[%get3A_694, %get3A_695] {strides = array<i32>} : memref<80x64xf32, #tpu.memory_space<vmem>>, vector<1x16xf32>,
      %get3A_697 = vector.shape_cast %get3A_696 : vector<1x16xf32> to vector<16xf32>
      %add3A_698 = arith.addf %add3A_692, %get3A_697 : vector<16xf32>
      %get3A_699 = arith.constant 24 : i32
      %get3A_700 = arith.index_cast %get3A_699 : i32 to index
      %get3A_701 = arith.constant 16 : index
      %get3A_702 = tpu.vector_load %arg6[%get3A_700, %get3A_701] {strides = array<i32>} : memref<80x64xf32, #tpu.memory_space<vmem>>, vector<1x16xf32>,
      %get3A_703 = vector.shape_cast %get3A_702 : vector<1x16xf32> to vector<16xf32>
      %add3A_704 = arith.addf %add3A_698, %get3A_703 : vector<16xf32>
      %get3A_705 = arith.constant 25 : i32
      %get3A_706 = arith.index_cast %get3A_705 : i32 to index
      %get3A_707 = arith.constant 16 : index
      %get3A_708 = tpu.vector_load %arg6[%get3A_706, %get3A_707] {strides = array<i32>} : memref<80x64xf32, #tpu.memory_space<vmem>>, vector<1x16xf32>,
      %get3A_709 = vector.shape_cast %get3A_708 : vector<1x16xf32> to vector<16xf32>
      %add3A_710 = arith.addf %add3A_704, %get3A_709 : vector<16xf32>
      %get3A_711 = arith.constant 26 : i32
      %get3A_712 = arith.index_cast %get3A_711 : i32 to index
      %get3A_713 = arith.constant 16 : index
      %get3A_714 = tpu.vector_load %arg6[%get3A_712, %get3A_713] {strides = array<i32>} : memref<80x64xf32, #tpu.memory_space<vmem>>, vector<1x16xf32>,
      %get3A_715 = vector.shape_cast %get3A_714 : vector<1x16xf32> to vector<16xf32>
      %add3A_716 = arith.addf %add3A_710, %get3A_715 : vector<16xf32>
      %get3A_717 = arith.constant 27 : i32
      %get3A_718 = arith.index_cast %get3A_717 : i32 to index
      %get3A_719 = arith.constant 16 : index
      %get3A_720 = tpu.vector_load %arg6[%get3A_718, %get3A_719] {strides = array<i32>} : memref<80x64xf32, #tpu.memory_space<vmem>>, vector<1x16xf32>,
      %get3A_721 = vector.shape_cast %get3A_720 : vector<1x16xf32> to vector<16xf32>
      %add3A_722 = arith.addf %add3A_716, %get3A_721 : vector<16xf32>
      %get3A_723 = arith.constant 28 : i32
      %get3A_724 = arith.index_cast %get3A_723 : i32 to index
      %get3A_725 = arith.constant 16 : index
      %get3A_726 = tpu.vector_load %arg6[%get3A_724, %get3A_725] {strides = array<i32>} : memref<80x64xf32, #tpu.memory_space<vmem>>, vector<1x16xf32>,
      %get3A_727 = vector.shape_cast %get3A_726 : vector<1x16xf32> to vector<16xf32>
      %add3A_728 = arith.addf %add3A_722, %get3A_727 : vector<16xf32>
      %get3A_729 = arith.constant 29 : i32
      %get3A_730 = arith.index_cast %get3A_729 : i32 to index
      %get3A_731 = arith.constant 16 : index
      %get3A_732 = tpu.vector_load %arg6[%get3A_730, %get3A_731] {strides = array<i32>} : memref<80x64xf32, #tpu.memory_space<vmem>>, vector<1x16xf32>,
      %get3A_733 = vector.shape_cast %get3A_732 : vector<1x16xf32> to vector<16xf32>
      %add3A_734 = arith.addf %add3A_728, %get3A_733 : vector<16xf32>
      %get3A_735 = arith.constant 30 : i32
      %get3A_736 = arith.index_cast %get3A_735 : i32 to index
      %get3A_737 = arith.constant 16 : index
      %get3A_738 = tpu.vector_load %arg6[%get3A_736, %get3A_737] {strides = array<i32>} : memref<80x64xf32, #tpu.memory_space<vmem>>, vector<1x16xf32>,
      %get3A_739 = vector.shape_cast %get3A_738 : vector<1x16xf32> to vector<16xf32>
      %add3A_740 = arith.addf %add3A_734, %get3A_739 : vector<16xf32>
      %get3A_741 = arith.constant 31 : i32
      %get3A_742 = arith.index_cast %get3A_741 : i32 to index
      %get3A_743 = arith.constant 16 : index
      %get3A_744 = tpu.vector_load %arg6[%get3A_742, %get3A_743] {strides = array<i32>} : memref<80x64xf32, #tpu.memory_space<vmem>>, vector<1x16xf32>,
      %get3A_745 = vector.shape_cast %get3A_744 : vector<1x16xf32> to vector<16xf32>
      %add3A_746 = arith.addf %add3A_740, %get3A_745 : vector<16xf32>
      %get3A_747 = arith.constant 32 : i32
      %get3A_748 = arith.index_cast %get3A_747 : i32 to index
      %get3A_749 = arith.constant 16 : index
      %get3A_750 = tpu.vector_load %arg6[%get3A_748, %get3A_749] {strides = array<i32>} : memref<80x64xf32, #tpu.memory_space<vmem>>, vector<1x16xf32>,
      %get3A_751 = vector.shape_cast %get3A_750 : vector<1x16xf32> to vector<16xf32>
      %add3A_752 = arith.addf %add3A_746, %get3A_751 : vector<16xf32>
      %get3A_753 = arith.constant 33 : i32
      %get3A_754 = arith.index_cast %get3A_753 : i32 to index
      %get3A_755 = arith.constant 16 : index
      %get3A_756 = tpu.vector_load %arg6[%get3A_754, %get3A_755] {strides = array<i32>} : memref<80x64xf32, #tpu.memory_space<vmem>>, vector<1x16xf32>,
      %get3A_757 = vector.shape_cast %get3A_756 : vector<1x16xf32> to vector<16xf32>
      %add3A_758 = arith.addf %add3A_752, %get3A_757 : vector<16xf32>
      %get3A_759 = arith.constant 34 : i32
      %get3A_760 = arith.index_cast %get3A_759 : i32 to index
      %get3A_761 = arith.constant 16 : index
      %get3A_762 = tpu.vector_load %arg6[%get3A_760, %get3A_761] {strides = array<i32>} : memref<80x64xf32, #tpu.memory_space<vmem>>, vector<1x16xf32>,
      %get3A_763 = vector.shape_cast %get3A_762 : vector<1x16xf32> to vector<16xf32>
      %add3A_764 = arith.addf %add3A_758, %get3A_763 : vector<16xf32>
      %get3A_765 = arith.constant 35 : i32
      %get3A_766 = arith.index_cast %get3A_765 : i32 to index
      %get3A_767 = arith.constant 16 : index
      %get3A_768 = tpu.vector_load %arg6[%get3A_766, %get3A_767] {strides = array<i32>} : memref<80x64xf32, #tpu.memory_space<vmem>>, vector<1x16xf32>,
      %get3A_769 = vector.shape_cast %get3A_768 : vector<1x16xf32> to vector<16xf32>
      %add3A_770 = arith.addf %add3A_764, %get3A_769 : vector<16xf32>
      %get3A_771 = arith.constant 36 : i32
      %get3A_772 = arith.index_cast %get3A_771 : i32 to index
      %get3A_773 = arith.constant 16 : index
      %get3A_774 = tpu.vector_load %arg6[%get3A_772, %get3A_773] {strides = array<i32>} : memref<80x64xf32, #tpu.memory_space<vmem>>, vector<1x16xf32>,
      %get3A_775 = vector.shape_cast %get3A_774 : vector<1x16xf32> to vector<16xf32>
      %add3A_776 = arith.addf %add3A_770, %get3A_775 : vector<16xf32>
      %get3A_777 = arith.constant 37 : i32
      %get3A_778 = arith.index_cast %get3A_777 : i32 to index
      %get3A_779 = arith.constant 16 : index
      %get3A_780 = tpu.vector_load %arg6[%get3A_778, %get3A_779] {strides = array<i32>} : memref<80x64xf32, #tpu.memory_space<vmem>>, vector<1x16xf32>,
      %get3A_781 = vector.shape_cast %get3A_780 : vector<1x16xf32> to vector<16xf32>
      %add3A_782 = arith.addf %add3A_776, %get3A_781 : vector<16xf32>
      %get3A_783 = arith.constant 38 : i32
      %get3A_784 = arith.index_cast %get3A_783 : i32 to index
      %get3A_785 = arith.constant 16 : index
      %get3A_786 = tpu.vector_load %arg6[%get3A_784, %get3A_785] {strides = array<i32>} : memref<80x64xf32, #tpu.memory_space<vmem>>, vector<1x16xf32>,
      %get3A_787 = vector.shape_cast %get3A_786 : vector<1x16xf32> to vector<16xf32>
      %add3A_788 = arith.addf %add3A_782, %get3A_787 : vector<16xf32>
      %get3A_789 = arith.constant 39 : i32
      %get3A_790 = arith.index_cast %get3A_789 : i32 to index
      %get3A_791 = arith.constant 16 : index
      %get3A_792 = tpu.vector_load %arg6[%get3A_790, %get3A_791] {strides = array<i32>} : memref<80x64xf32, #tpu.memory_space<vmem>>, vector<1x16xf32>,
      %get3A_793 = vector.shape_cast %get3A_792 : vector<1x16xf32> to vector<16xf32>
      %add3A_794 = arith.addf %add3A_788, %get3A_793 : vector<16xf32>
      %mul3A_795 = arith.constant 5.000000e-02 : f32
      %mul3A_796 = vector.broadcast %mul3A_795 : f32 to vector<16xf32>
      %mul3A_797 = arith.mulf %add3A_794, %mul3A_796 : vector<16xf32>
      %mul3A_798 = arith.constant 4 : i32
      %mul3A_799 = arith.muli %scan3A_11, %mul3A_798 : i32
      %add3A_800 = arith.constant 1 : i32
      %add3A_801 = arith.addi %mul3A_799, %add3A_800 : i32
      %swap3A_802 = arith.index_cast %add3A_801 : i32 to index
      %swap3A_803 = arith.constant 16 : index
      %swap3A_804 = tpu.vector_load %arg7[%swap3A_802, %swap3A_803] {strides = array<i32>} : memref<128x64xf32, #tpu.memory_space<vmem>>, vector<1x16xf32>,
      %swap3A_805 = vector.shape_cast %swap3A_804 : vector<1x16xf32> to vector<16xf32>
      %swap3A_806 = vector.shape_cast %mul3A_797 : vector<16xf32> to vector<1x16xf32>
      tpu.vector_store %arg7[%swap3A_802, %swap3A_803], %swap3A_806 {strides = array<i32>} : memref<128x64xf32, #tpu.memory_space<vmem>>, vector<1x16xf32>,
      %get3A_807 = arith.constant 20 : i32
      %get3A_808 = arith.index_cast %get3A_807 : i32 to index
      %get3A_809 = arith.constant 32 : index
      %get3A_810 = tpu.vector_load %arg6[%get3A_808, %get3A_809] {strides = array<i32>} : memref<80x64xf32, #tpu.memory_space<vmem>>, vector<1x16xf32>,
      %get3A_811 = vector.shape_cast %get3A_810 : vector<1x16xf32> to vector<16xf32>
      %get3A_812 = arith.constant 21 : i32
      %get3A_813 = arith.index_cast %get3A_812 : i32 to index
      %get3A_814 = arith.constant 32 : index
      %get3A_815 = tpu.vector_load %arg6[%get3A_813, %get3A_814] {strides = array<i32>} : memref<80x64xf32, #tpu.memory_space<vmem>>, vector<1x16xf32>,
      %get3A_816 = vector.shape_cast %get3A_815 : vector<1x16xf32> to vector<16xf32>
      %add3A_817 = arith.addf %get3A_811, %get3A_816 : vector<16xf32>
      %get3A_818 = arith.constant 22 : i32
      %get3A_819 = arith.index_cast %get3A_818 : i32 to index
      %get3A_820 = arith.constant 32 : index
      %get3A_821 = tpu.vector_load %arg6[%get3A_819, %get3A_820] {strides = array<i32>} : memref<80x64xf32, #tpu.memory_space<vmem>>, vector<1x16xf32>,
      %get3A_822 = vector.shape_cast %get3A_821 : vector<1x16xf32> to vector<16xf32>
      %add3A_823 = arith.addf %add3A_817, %get3A_822 : vector<16xf32>
      %get3A_824 = arith.constant 23 : i32
      %get3A_825 = arith.index_cast %get3A_824 : i32 to index
      %get3A_826 = arith.constant 32 : index
      %get3A_827 = tpu.vector_load %arg6[%get3A_825, %get3A_826] {strides = array<i32>} : memref<80x64xf32, #tpu.memory_space<vmem>>, vector<1x16xf32>,
      %get3A_828 = vector.shape_cast %get3A_827 : vector<1x16xf32> to vector<16xf32>
      %add3A_829 = arith.addf %add3A_823, %get3A_828 : vector<16xf32>
      %get3A_830 = arith.constant 24 : i32
      %get3A_831 = arith.index_cast %get3A_830 : i32 to index
      %get3A_832 = arith.constant 32 : index
      %get3A_833 = tpu.vector_load %arg6[%get3A_831, %get3A_832] {strides = array<i32>} : memref<80x64xf32, #tpu.memory_space<vmem>>, vector<1x16xf32>,
      %get3A_834 = vector.shape_cast %get3A_833 : vector<1x16xf32> to vector<16xf32>
      %add3A_835 = arith.addf %add3A_829, %get3A_834 : vector<16xf32>
      %get3A_836 = arith.constant 25 : i32
      %get3A_837 = arith.index_cast %get3A_836 : i32 to index
      %get3A_838 = arith.constant 32 : index
      %get3A_839 = tpu.vector_load %arg6[%get3A_837, %get3A_838] {strides = array<i32>} : memref<80x64xf32, #tpu.memory_space<vmem>>, vector<1x16xf32>,
      %get3A_840 = vector.shape_cast %get3A_839 : vector<1x16xf32> to vector<16xf32>
      %add3A_841 = arith.addf %add3A_835, %get3A_840 : vector<16xf32>
      %get3A_842 = arith.constant 26 : i32
      %get3A_843 = arith.index_cast %get3A_842 : i32 to index
      %get3A_844 = arith.constant 32 : index
      %get3A_845 = tpu.vector_load %arg6[%get3A_843, %get3A_844] {strides = array<i32>} : memref<80x64xf32, #tpu.memory_space<vmem>>, vector<1x16xf32>,
      %get3A_846 = vector.shape_cast %get3A_845 : vector<1x16xf32> to vector<16xf32>
      %add3A_847 = arith.addf %add3A_841, %get3A_846 : vector<16xf32>
      %get3A_848 = arith.constant 27 : i32
      %get3A_849 = arith.index_cast %get3A_848 : i32 to index
      %get3A_850 = arith.constant 32 : index
      %get3A_851 = tpu.vector_load %arg6[%get3A_849, %get3A_850] {strides = array<i32>} : memref<80x64xf32, #tpu.memory_space<vmem>>, vector<1x16xf32>,
      %get3A_852 = vector.shape_cast %get3A_851 : vector<1x16xf32> to vector<16xf32>
      %add3A_853 = arith.addf %add3A_847, %get3A_852 : vector<16xf32>
      %get3A_854 = arith.constant 28 : i32
      %get3A_855 = arith.index_cast %get3A_854 : i32 to index
      %get3A_856 = arith.constant 32 : index
      %get3A_857 = tpu.vector_load %arg6[%get3A_855, %get3A_856] {strides = array<i32>} : memref<80x64xf32, #tpu.memory_space<vmem>>, vector<1x16xf32>,
      %get3A_858 = vector.shape_cast %get3A_857 : vector<1x16xf32> to vector<16xf32>
      %add3A_859 = arith.addf %add3A_853, %get3A_858 : vector<16xf32>
      %get3A_860 = arith.constant 29 : i32
      %get3A_861 = arith.index_cast %get3A_860 : i32 to index
      %get3A_862 = arith.constant 32 : index
      %get3A_863 = tpu.vector_load %arg6[%get3A_861, %get3A_862] {strides = array<i32>} : memref<80x64xf32, #tpu.memory_space<vmem>>, vector<1x16xf32>,
      %get3A_864 = vector.shape_cast %get3A_863 : vector<1x16xf32> to vector<16xf32>
      %add3A_865 = arith.addf %add3A_859, %get3A_864 : vector<16xf32>
      %get3A_866 = arith.constant 30 : i32
      %get3A_867 = arith.index_cast %get3A_866 : i32 to index
      %get3A_868 = arith.constant 32 : index
      %get3A_869 = tpu.vector_load %arg6[%get3A_867, %get3A_868] {strides = array<i32>} : memref<80x64xf32, #tpu.memory_space<vmem>>, vector<1x16xf32>,
      %get3A_870 = vector.shape_cast %get3A_869 : vector<1x16xf32> to vector<16xf32>
      %add3A_871 = arith.addf %add3A_865, %get3A_870 : vector<16xf32>
      %get3A_872 = arith.constant 31 : i32
      %get3A_873 = arith.index_cast %get3A_872 : i32 to index
      %get3A_874 = arith.constant 32 : index
      %get3A_875 = tpu.vector_load %arg6[%get3A_873, %get3A_874] {strides = array<i32>} : memref<80x64xf32, #tpu.memory_space<vmem>>, vector<1x16xf32>,
      %get3A_876 = vector.shape_cast %get3A_875 : vector<1x16xf32> to vector<16xf32>
      %add3A_877 = arith.addf %add3A_871, %get3A_876 : vector<16xf32>
      %get3A_878 = arith.constant 32 : i32
      %get3A_879 = arith.index_cast %get3A_878 : i32 to index
      %get3A_880 = arith.constant 32 : index
      %get3A_881 = tpu.vector_load %arg6[%get3A_879, %get3A_880] {strides = array<i32>} : memref<80x64xf32, #tpu.memory_space<vmem>>, vector<1x16xf32>,
      %get3A_882 = vector.shape_cast %get3A_881 : vector<1x16xf32> to vector<16xf32>
      %add3A_883 = arith.addf %add3A_877, %get3A_882 : vector<16xf32>
      %get3A_884 = arith.constant 33 : i32
      %get3A_885 = arith.index_cast %get3A_884 : i32 to index
      %get3A_886 = arith.constant 32 : index
      %get3A_887 = tpu.vector_load %arg6[%get3A_885, %get3A_886] {strides = array<i32>} : memref<80x64xf32, #tpu.memory_space<vmem>>, vector<1x16xf32>,
      %get3A_888 = vector.shape_cast %get3A_887 : vector<1x16xf32> to vector<16xf32>
      %add3A_889 = arith.addf %add3A_883, %get3A_888 : vector<16xf32>
      %get3A_890 = arith.constant 34 : i32
      %get3A_891 = arith.index_cast %get3A_890 : i32 to index
      %get3A_892 = arith.constant 32 : index
      %get3A_893 = tpu.vector_load %arg6[%get3A_891, %get3A_892] {strides = array<i32>} : memref<80x64xf32, #tpu.memory_space<vmem>>, vector<1x16xf32>,
      %get3A_894 = vector.shape_cast %get3A_893 : vector<1x16xf32> to vector<16xf32>
      %add3A_895 = arith.addf %add3A_889, %get3A_894 : vector<16xf32>
      %get3A_896 = arith.constant 35 : i32
      %get3A_897 = arith.index_cast %get3A_896 : i32 to index
      %get3A_898 = arith.constant 32 : index
      %get3A_899 = tpu.vector_load %arg6[%get3A_897, %get3A_898] {strides = array<i32>} : memref<80x64xf32, #tpu.memory_space<vmem>>, vector<1x16xf32>,
      %get3A_900 = vector.shape_cast %get3A_899 : vector<1x16xf32> to vector<16xf32>
      %add3A_901 = arith.addf %add3A_895, %get3A_900 : vector<16xf32>
      %get3A_902 = arith.constant 36 : i32
      %get3A_903 = arith.index_cast %get3A_902 : i32 to index
      %get3A_904 = arith.constant 32 : index
      %get3A_905 = tpu.vector_load %arg6[%get3A_903, %get3A_904] {strides = array<i32>} : memref<80x64xf32, #tpu.memory_space<vmem>>, vector<1x16xf32>,
      %get3A_906 = vector.shape_cast %get3A_905 : vector<1x16xf32> to vector<16xf32>
      %add3A_907 = arith.addf %add3A_901, %get3A_906 : vector<16xf32>
      %get3A_908 = arith.constant 37 : i32
      %get3A_909 = arith.index_cast %get3A_908 : i32 to index
      %get3A_910 = arith.constant 32 : index
      %get3A_911 = tpu.vector_load %arg6[%get3A_909, %get3A_910] {strides = array<i32>} : memref<80x64xf32, #tpu.memory_space<vmem>>, vector<1x16xf32>,
      %get3A_912 = vector.shape_cast %get3A_911 : vector<1x16xf32> to vector<16xf32>
      %add3A_913 = arith.addf %add3A_907, %get3A_912 : vector<16xf32>
      %get3A_914 = arith.constant 38 : i32
      %get3A_915 = arith.index_cast %get3A_914 : i32 to index
      %get3A_916 = arith.constant 32 : index
      %get3A_917 = tpu.vector_load %arg6[%get3A_915, %get3A_916] {strides = array<i32>} : memref<80x64xf32, #tpu.memory_space<vmem>>, vector<1x16xf32>,
      %get3A_918 = vector.shape_cast %get3A_917 : vector<1x16xf32> to vector<16xf32>
      %add3A_919 = arith.addf %add3A_913, %get3A_918 : vector<16xf32>
      %get3A_920 = arith.constant 39 : i32
      %get3A_921 = arith.index_cast %get3A_920 : i32 to index
      %get3A_922 = arith.constant 32 : index
      %get3A_923 = tpu.vector_load %arg6[%get3A_921, %get3A_922] {strides = array<i32>} : memref<80x64xf32, #tpu.memory_space<vmem>>, vector<1x16xf32>,
      %get3A_924 = vector.shape_cast %get3A_923 : vector<1x16xf32> to vector<16xf32>
      %add3A_925 = arith.addf %add3A_919, %get3A_924 : vector<16xf32>
      %mul3A_926 = arith.constant 5.000000e-02 : f32
      %mul3A_927 = vector.broadcast %mul3A_926 : f32 to vector<16xf32>
      %mul3A_928 = arith.mulf %add3A_925, %mul3A_927 : vector<16xf32>
      %mul3A_929 = arith.constant 4 : i32
      %mul3A_930 = arith.muli %scan3A_11, %mul3A_929 : i32
      %add3A_931 = arith.constant 1 : i32
      %add3A_932 = arith.addi %mul3A_930, %add3A_931 : i32
      %swap3A_933 = arith.index_cast %add3A_932 : i32 to index
      %swap3A_934 = arith.constant 32 : index
      %swap3A_935 = tpu.vector_load %arg7[%swap3A_933, %swap3A_934] {strides = array<i32>} : memref<128x64xf32, #tpu.memory_space<vmem>>, vector<1x16xf32>,
      %swap3A_936 = vector.shape_cast %swap3A_935 : vector<1x16xf32> to vector<16xf32>
      %swap3A_937 = vector.shape_cast %mul3A_928 : vector<16xf32> to vector<1x16xf32>
      tpu.vector_store %arg7[%swap3A_933, %swap3A_934], %swap3A_937 {strides = array<i32>} : memref<128x64xf32, #tpu.memory_space<vmem>>, vector<1x16xf32>,
      %get3A_938 = arith.constant 20 : i32
      %get3A_939 = arith.index_cast %get3A_938 : i32 to index
      %get3A_940 = arith.constant 48 : index
      %get3A_941 = tpu.vector_load %arg6[%get3A_939, %get3A_940] {strides = array<i32>} : memref<80x64xf32, #tpu.memory_space<vmem>>, vector<1x16xf32>,
      %get3A_942 = vector.shape_cast %get3A_941 : vector<1x16xf32> to vector<16xf32>
      %get3A_943 = arith.constant 21 : i32
      %get3A_944 = arith.index_cast %get3A_943 : i32 to index
      %get3A_945 = arith.constant 48 : index
      %get3A_946 = tpu.vector_load %arg6[%get3A_944, %get3A_945] {strides = array<i32>} : memref<80x64xf32, #tpu.memory_space<vmem>>, vector<1x16xf32>,
      %get3A_947 = vector.shape_cast %get3A_946 : vector<1x16xf32> to vector<16xf32>
      %add3A_948 = arith.addf %get3A_942, %get3A_947 : vector<16xf32>
      %get3A_949 = arith.constant 22 : i32
      %get3A_950 = arith.index_cast %get3A_949 : i32 to index
      %get3A_951 = arith.constant 48 : index
      %get3A_952 = tpu.vector_load %arg6[%get3A_950, %get3A_951] {strides = array<i32>} : memref<80x64xf32, #tpu.memory_space<vmem>>, vector<1x16xf32>,
      %get3A_953 = vector.shape_cast %get3A_952 : vector<1x16xf32> to vector<16xf32>
      %add3A_954 = arith.addf %add3A_948, %get3A_953 : vector<16xf32>
      %get3A_955 = arith.constant 23 : i32
      %get3A_956 = arith.index_cast %get3A_955 : i32 to index
      %get3A_957 = arith.constant 48 : index
      %get3A_958 = tpu.vector_load %arg6[%get3A_956, %get3A_957] {strides = array<i32>} : memref<80x64xf32, #tpu.memory_space<vmem>>, vector<1x16xf32>,
      %get3A_959 = vector.shape_cast %get3A_958 : vector<1x16xf32> to vector<16xf32>
      %add3A_960 = arith.addf %add3A_954, %get3A_959 : vector<16xf32>
      %get3A_961 = arith.constant 24 : i32
      %get3A_962 = arith.index_cast %get3A_961 : i32 to index
      %get3A_963 = arith.constant 48 : index
      %get3A_964 = tpu.vector_load %arg6[%get3A_962, %get3A_963] {strides = array<i32>} : memref<80x64xf32, #tpu.memory_space<vmem>>, vector<1x16xf32>,
      %get3A_965 = vector.shape_cast %get3A_964 : vector<1x16xf32> to vector<16xf32>
      %add3A_966 = arith.addf %add3A_960, %get3A_965 : vector<16xf32>
      %get3A_967 = arith.constant 25 : i32
      %get3A_968 = arith.index_cast %get3A_967 : i32 to index
      %get3A_969 = arith.constant 48 : index
      %get3A_970 = tpu.vector_load %arg6[%get3A_968, %get3A_969] {strides = array<i32>} : memref<80x64xf32, #tpu.memory_space<vmem>>, vector<1x16xf32>,
      %get3A_971 = vector.shape_cast %get3A_970 : vector<1x16xf32> to vector<16xf32>
      %add3A_972 = arith.addf %add3A_966, %get3A_971 : vector<16xf32>
      %get3A_973 = arith.constant 26 : i32
      %get3A_974 = arith.index_cast %get3A_973 : i32 to index
      %get3A_975 = arith.constant 48 : index
      %get3A_976 = tpu.vector_load %arg6[%get3A_974, %get3A_975] {strides = array<i32>} : memref<80x64xf32, #tpu.memory_space<vmem>>, vector<1x16xf32>,
      %get3A_977 = vector.shape_cast %get3A_976 : vector<1x16xf32> to vector<16xf32>
      %add3A_978 = arith.addf %add3A_972, %get3A_977 : vector<16xf32>
      %get3A_979 = arith.constant 27 : i32
      %get3A_980 = arith.index_cast %get3A_979 : i32 to index
      %get3A_981 = arith.constant 48 : index
      %get3A_982 = tpu.vector_load %arg6[%get3A_980, %get3A_981] {strides = array<i32>} : memref<80x64xf32, #tpu.memory_space<vmem>>, vector<1x16xf32>,
      %get3A_983 = vector.shape_cast %get3A_982 : vector<1x16xf32> to vector<16xf32>
      %add3A_984 = arith.addf %add3A_978, %get3A_983 : vector<16xf32>
      %get3A_985 = arith.constant 28 : i32
      %get3A_986 = arith.index_cast %get3A_985 : i32 to index
      %get3A_987 = arith.constant 48 : index
      %get3A_988 = tpu.vector_load %arg6[%get3A_986, %get3A_987] {strides = array<i32>} : memref<80x64xf32, #tpu.memory_space<vmem>>, vector<1x16xf32>,
      %get3A_989 = vector.shape_cast %get3A_988 : vector<1x16xf32> to vector<16xf32>
      %add3A_990 = arith.addf %add3A_984, %get3A_989 : vector<16xf32>
      %get3A_991 = arith.constant 29 : i32
      %get3A_992 = arith.index_cast %get3A_991 : i32 to index
      %get3A_993 = arith.constant 48 : index
      %get3A_994 = tpu.vector_load %arg6[%get3A_992, %get3A_993] {strides = array<i32>} : memref<80x64xf32, #tpu.memory_space<vmem>>, vector<1x16xf32>,
      %get3A_995 = vector.shape_cast %get3A_994 : vector<1x16xf32> to vector<16xf32>
      %add3A_996 = arith.addf %add3A_990, %get3A_995 : vector<16xf32>
      %get3A_997 = arith.constant 30 : i32
      %get3A_998 = arith.index_cast %get3A_997 : i32 to index
      %get3A_999 = arith.constant 48 : index
      %get3A_1000 = tpu.vector_load %arg6[%get3A_998, %get3A_999] {strides = array<i32>} : memref<80x64xf32, #tpu.memory_space<vmem>>, vector<1x16xf32>,
      %get3A_1001 = vector.shape_cast %get3A_1000 : vector<1x16xf32> to vector<16xf32>
      %add3A_1002 = arith.addf %add3A_996, %get3A_1001 : vector<16xf32>
      %get3A_1003 = arith.constant 31 : i32
      %get3A_1004 = arith.index_cast %get3A_1003 : i32 to index
      %get3A_1005 = arith.constant 48 : index
      %get3A_1006 = tpu.vector_load %arg6[%get3A_1004, %get3A_1005] {strides = array<i32>} : memref<80x64xf32, #tpu.memory_space<vmem>>, vector<1x16xf32>,
      %get3A_1007 = vector.shape_cast %get3A_1006 : vector<1x16xf32> to vector<16xf32>
      %add3A_1008 = arith.addf %add3A_1002, %get3A_1007 : vector<16xf32>
      %get3A_1009 = arith.constant 32 : i32
      %get3A_1010 = arith.index_cast %get3A_1009 : i32 to index
      %get3A_1011 = arith.constant 48 : index
      %get3A_1012 = tpu.vector_load %arg6[%get3A_1010, %get3A_1011] {strides = array<i32>} : memref<80x64xf32, #tpu.memory_space<vmem>>, vector<1x16xf32>,
      %get3A_1013 = vector.shape_cast %get3A_1012 : vector<1x16xf32> to vector<16xf32>
      %add3A_1014 = arith.addf %add3A_1008, %get3A_1013 : vector<16xf32>
      %get3A_1015 = arith.constant 33 : i32
      %get3A_1016 = arith.index_cast %get3A_1015 : i32 to index
      %get3A_1017 = arith.constant 48 : index
      %get3A_1018 = tpu.vector_load %arg6[%get3A_1016, %get3A_1017] {strides = array<i32>} : memref<80x64xf32, #tpu.memory_space<vmem>>, vector<1x16xf32>,
      %get3A_1019 = vector.shape_cast %get3A_1018 : vector<1x16xf32> to vector<16xf32>
      %add3A_1020 = arith.addf %add3A_1014, %get3A_1019 : vector<16xf32>
      %get3A_1021 = arith.constant 34 : i32
      %get3A_1022 = arith.index_cast %get3A_1021 : i32 to index
      %get3A_1023 = arith.constant 48 : index
      %get3A_1024 = tpu.vector_load %arg6[%get3A_1022, %get3A_1023] {strides = array<i32>} : memref<80x64xf32, #tpu.memory_space<vmem>>, vector<1x16xf32>,
      %get3A_1025 = vector.shape_cast %get3A_1024 : vector<1x16xf32> to vector<16xf32>
      %add3A_1026 = arith.addf %add3A_1020, %get3A_1025 : vector<16xf32>
      %get3A_1027 = arith.constant 35 : i32
      %get3A_1028 = arith.index_cast %get3A_1027 : i32 to index
      %get3A_1029 = arith.constant 48 : index
      %get3A_1030 = tpu.vector_load %arg6[%get3A_1028, %get3A_1029] {strides = array<i32>} : memref<80x64xf32, #tpu.memory_space<vmem>>, vector<1x16xf32>,
      %get3A_1031 = vector.shape_cast %get3A_1030 : vector<1x16xf32> to vector<16xf32>
      %add3A_1032 = arith.addf %add3A_1026, %get3A_1031 : vector<16xf32>
      %get3A_1033 = arith.constant 36 : i32
      %get3A_1034 = arith.index_cast %get3A_1033 : i32 to index
      %get3A_1035 = arith.constant 48 : index
      %get3A_1036 = tpu.vector_load %arg6[%get3A_1034, %get3A_1035] {strides = array<i32>} : memref<80x64xf32, #tpu.memory_space<vmem>>, vector<1x16xf32>,
      %get3A_1037 = vector.shape_cast %get3A_1036 : vector<1x16xf32> to vector<16xf32>
      %add3A_1038 = arith.addf %add3A_1032, %get3A_1037 : vector<16xf32>
      %get3A_1039 = arith.constant 37 : i32
      %get3A_1040 = arith.index_cast %get3A_1039 : i32 to index
      %get3A_1041 = arith.constant 48 : index
      %get3A_1042 = tpu.vector_load %arg6[%get3A_1040, %get3A_1041] {strides = array<i32>} : memref<80x64xf32, #tpu.memory_space<vmem>>, vector<1x16xf32>,
      %get3A_1043 = vector.shape_cast %get3A_1042 : vector<1x16xf32> to vector<16xf32>
      %add3A_1044 = arith.addf %add3A_1038, %get3A_1043 : vector<16xf32>
      %get3A_1045 = arith.constant 38 : i32
      %get3A_1046 = arith.index_cast %get3A_1045 : i32 to index
      %get3A_1047 = arith.constant 48 : index
      %get3A_1048 = tpu.vector_load %arg6[%get3A_1046, %get3A_1047] {strides = array<i32>} : memref<80x64xf32, #tpu.memory_space<vmem>>, vector<1x16xf32>,
      %get3A_1049 = vector.shape_cast %get3A_1048 : vector<1x16xf32> to vector<16xf32>
      %add3A_1050 = arith.addf %add3A_1044, %get3A_1049 : vector<16xf32>
      %get3A_1051 = arith.constant 39 : i32
      %get3A_1052 = arith.index_cast %get3A_1051 : i32 to index
      %get3A_1053 = arith.constant 48 : index
      %get3A_1054 = tpu.vector_load %arg6[%get3A_1052, %get3A_1053] {strides = array<i32>} : memref<80x64xf32, #tpu.memory_space<vmem>>, vector<1x16xf32>,
      %get3A_1055 = vector.shape_cast %get3A_1054 : vector<1x16xf32> to vector<16xf32>
      %add3A_1056 = arith.addf %add3A_1050, %get3A_1055 : vector<16xf32>
      %mul3A_1057 = arith.constant 5.000000e-02 : f32
      %mul3A_1058 = vector.broadcast %mul3A_1057 : f32 to vector<16xf32>
      %mul3A_1059 = arith.mulf %add3A_1056, %mul3A_1058 : vector<16xf32>
      %mul3A_1060 = arith.constant 4 : i32
      %mul3A_1061 = arith.muli %scan3A_11, %mul3A_1060 : i32
      %add3A_1062 = arith.constant 1 : i32
      %add3A_1063 = arith.addi %mul3A_1061, %add3A_1062 : i32
      %swap3A_1064 = arith.index_cast %add3A_1063 : i32 to index
      %swap3A_1065 = arith.constant 48 : index
      %swap3A_1066 = tpu.vector_load %arg7[%swap3A_1064, %swap3A_1065] {strides = array<i32>} : memref<128x64xf32, #tpu.memory_space<vmem>>, vector<1x16xf32>,
      %swap3A_1067 = vector.shape_cast %swap3A_1066 : vector<1x16xf32> to vector<16xf32>
      %swap3A_1068 = vector.shape_cast %mul3A_1059 : vector<16xf32> to vector<1x16xf32>
      tpu.vector_store %arg7[%swap3A_1064, %swap3A_1065], %swap3A_1068 {strides = array<i32>} : memref<128x64xf32, #tpu.memory_space<vmem>>, vector<1x16xf32>,
      %get3A_1069 = arith.constant 40 : i32
      %get3A_1070 = arith.index_cast %get3A_1069 : i32 to index
      %get3A_1071 = arith.constant 0 : index
      %get3A_1072 = tpu.vector_load %arg6[%get3A_1070, %get3A_1071] {strides = array<i32>} : memref<80x64xf32, #tpu.memory_space<vmem>>, vector<1x16xf32>,
      %get3A_1073 = vector.shape_cast %get3A_1072 : vector<1x16xf32> to vector<16xf32>
      %get3A_1074 = arith.constant 41 : i32
      %get3A_1075 = arith.index_cast %get3A_1074 : i32 to index
      %get3A_1076 = arith.constant 0 : index
      %get3A_1077 = tpu.vector_load %arg6[%get3A_1075, %get3A_1076] {strides = array<i32>} : memref<80x64xf32, #tpu.memory_space<vmem>>, vector<1x16xf32>,
      %get3A_1078 = vector.shape_cast %get3A_1077 : vector<1x16xf32> to vector<16xf32>
      %add3A_1079 = arith.addf %get3A_1073, %get3A_1078 : vector<16xf32>
      %get3A_1080 = arith.constant 42 : i32
      %get3A_1081 = arith.index_cast %get3A_1080 : i32 to index
      %get3A_1082 = arith.constant 0 : index
      %get3A_1083 = tpu.vector_load %arg6[%get3A_1081, %get3A_1082] {strides = array<i32>} : memref<80x64xf32, #tpu.memory_space<vmem>>, vector<1x16xf32>,
      %get3A_1084 = vector.shape_cast %get3A_1083 : vector<1x16xf32> to vector<16xf32>
      %add3A_1085 = arith.addf %add3A_1079, %get3A_1084 : vector<16xf32>
      %get3A_1086 = arith.constant 43 : i32
      %get3A_1087 = arith.index_cast %get3A_1086 : i32 to index
      %get3A_1088 = arith.constant 0 : index
      %get3A_1089 = tpu.vector_load %arg6[%get3A_1087, %get3A_1088] {strides = array<i32>} : memref<80x64xf32, #tpu.memory_space<vmem>>, vector<1x16xf32>,
      %get3A_1090 = vector.shape_cast %get3A_1089 : vector<1x16xf32> to vector<16xf32>
      %add3A_1091 = arith.addf %add3A_1085, %get3A_1090 : vector<16xf32>
      %get3A_1092 = arith.constant 44 : i32
      %get3A_1093 = arith.index_cast %get3A_1092 : i32 to index
      %get3A_1094 = arith.constant 0 : index
      %get3A_1095 = tpu.vector_load %arg6[%get3A_1093, %get3A_1094] {strides = array<i32>} : memref<80x64xf32, #tpu.memory_space<vmem>>, vector<1x16xf32>,
      %get3A_1096 = vector.shape_cast %get3A_1095 : vector<1x16xf32> to vector<16xf32>
      %add3A_1097 = arith.addf %add3A_1091, %get3A_1096 : vector<16xf32>
      %get3A_1098 = arith.constant 45 : i32
      %get3A_1099 = arith.index_cast %get3A_1098 : i32 to index
      %get3A_1100 = arith.constant 0 : index
      %get3A_1101 = tpu.vector_load %arg6[%get3A_1099, %get3A_1100] {strides = array<i32>} : memref<80x64xf32, #tpu.memory_space<vmem>>, vector<1x16xf32>,
      %get3A_1102 = vector.shape_cast %get3A_1101 : vector<1x16xf32> to vector<16xf32>
      %add3A_1103 = arith.addf %add3A_1097, %get3A_1102 : vector<16xf32>
      %get3A_1104 = arith.constant 46 : i32
      %get3A_1105 = arith.index_cast %get3A_1104 : i32 to index
      %get3A_1106 = arith.constant 0 : index
      %get3A_1107 = tpu.vector_load %arg6[%get3A_1105, %get3A_1106] {strides = array<i32>} : memref<80x64xf32, #tpu.memory_space<vmem>>, vector<1x16xf32>,
      %get3A_1108 = vector.shape_cast %get3A_1107 : vector<1x16xf32> to vector<16xf32>
      %add3A_1109 = arith.addf %add3A_1103, %get3A_1108 : vector<16xf32>
      %get3A_1110 = arith.constant 47 : i32
      %get3A_1111 = arith.index_cast %get3A_1110 : i32 to index
      %get3A_1112 = arith.constant 0 : index
      %get3A_1113 = tpu.vector_load %arg6[%get3A_1111, %get3A_1112] {strides = array<i32>} : memref<80x64xf32, #tpu.memory_space<vmem>>, vector<1x16xf32>,
      %get3A_1114 = vector.shape_cast %get3A_1113 : vector<1x16xf32> to vector<16xf32>
      %add3A_1115 = arith.addf %add3A_1109, %get3A_1114 : vector<16xf32>
      %get3A_1116 = arith.constant 48 : i32
      %get3A_1117 = arith.index_cast %get3A_1116 : i32 to index
      %get3A_1118 = arith.constant 0 : index
      %get3A_1119 = tpu.vector_load %arg6[%get3A_1117, %get3A_1118] {strides = array<i32>} : memref<80x64xf32, #tpu.memory_space<vmem>>, vector<1x16xf32>,
      %get3A_1120 = vector.shape_cast %get3A_1119 : vector<1x16xf32> to vector<16xf32>
      %add3A_1121 = arith.addf %add3A_1115, %get3A_1120 : vector<16xf32>
      %get3A_1122 = arith.constant 49 : i32
      %get3A_1123 = arith.index_cast %get3A_1122 : i32 to index
      %get3A_1124 = arith.constant 0 : index
      %get3A_1125 = tpu.vector_load %arg6[%get3A_1123, %get3A_1124] {strides = array<i32>} : memref<80x64xf32, #tpu.memory_space<vmem>>, vector<1x16xf32>,
      %get3A_1126 = vector.shape_cast %get3A_1125 : vector<1x16xf32> to vector<16xf32>
      %add3A_1127 = arith.addf %add3A_1121, %get3A_1126 : vector<16xf32>
      %get3A_1128 = arith.constant 50 : i32
      %get3A_1129 = arith.index_cast %get3A_1128 : i32 to index
      %get3A_1130 = arith.constant 0 : index
      %get3A_1131 = tpu.vector_load %arg6[%get3A_1129, %get3A_1130] {strides = array<i32>} : memref<80x64xf32, #tpu.memory_space<vmem>>, vector<1x16xf32>,
      %get3A_1132 = vector.shape_cast %get3A_1131 : vector<1x16xf32> to vector<16xf32>
      %add3A_1133 = arith.addf %add3A_1127, %get3A_1132 : vector<16xf32>
      %get3A_1134 = arith.constant 51 : i32
      %get3A_1135 = arith.index_cast %get3A_1134 : i32 to index
      %get3A_1136 = arith.constant 0 : index
      %get3A_1137 = tpu.vector_load %arg6[%get3A_1135, %get3A_1136] {strides = array<i32>} : memref<80x64xf32, #tpu.memory_space<vmem>>, vector<1x16xf32>,
      %get3A_1138 = vector.shape_cast %get3A_1137 : vector<1x16xf32> to vector<16xf32>
      %add3A_1139 = arith.addf %add3A_1133, %get3A_1138 : vector<16xf32>
      %get3A_1140 = arith.constant 52 : i32
      %get3A_1141 = arith.index_cast %get3A_1140 : i32 to index
      %get3A_1142 = arith.constant 0 : index
      %get3A_1143 = tpu.vector_load %arg6[%get3A_1141, %get3A_1142] {strides = array<i32>} : memref<80x64xf32, #tpu.memory_space<vmem>>, vector<1x16xf32>,
      %get3A_1144 = vector.shape_cast %get3A_1143 : vector<1x16xf32> to vector<16xf32>
      %add3A_1145 = arith.addf %add3A_1139, %get3A_1144 : vector<16xf32>
      %get3A_1146 = arith.constant 53 : i32
      %get3A_1147 = arith.index_cast %get3A_1146 : i32 to index
      %get3A_1148 = arith.constant 0 : index
      %get3A_1149 = tpu.vector_load %arg6[%get3A_1147, %get3A_1148] {strides = array<i32>} : memref<80x64xf32, #tpu.memory_space<vmem>>, vector<1x16xf32>,
      %get3A_1150 = vector.shape_cast %get3A_1149 : vector<1x16xf32> to vector<16xf32>
      %add3A_1151 = arith.addf %add3A_1145, %get3A_1150 : vector<16xf32>
      %get3A_1152 = arith.constant 54 : i32
      %get3A_1153 = arith.index_cast %get3A_1152 : i32 to index
      %get3A_1154 = arith.constant 0 : index
      %get3A_1155 = tpu.vector_load %arg6[%get3A_1153, %get3A_1154] {strides = array<i32>} : memref<80x64xf32, #tpu.memory_space<vmem>>, vector<1x16xf32>,
      %get3A_1156 = vector.shape_cast %get3A_1155 : vector<1x16xf32> to vector<16xf32>
      %add3A_1157 = arith.addf %add3A_1151, %get3A_1156 : vector<16xf32>
      %get3A_1158 = arith.constant 55 : i32
      %get3A_1159 = arith.index_cast %get3A_1158 : i32 to index
      %get3A_1160 = arith.constant 0 : index
      %get3A_1161 = tpu.vector_load %arg6[%get3A_1159, %get3A_1160] {strides = array<i32>} : memref<80x64xf32, #tpu.memory_space<vmem>>, vector<1x16xf32>,
      %get3A_1162 = vector.shape_cast %get3A_1161 : vector<1x16xf32> to vector<16xf32>
      %add3A_1163 = arith.addf %add3A_1157, %get3A_1162 : vector<16xf32>
      %get3A_1164 = arith.constant 56 : i32
      %get3A_1165 = arith.index_cast %get3A_1164 : i32 to index
      %get3A_1166 = arith.constant 0 : index
      %get3A_1167 = tpu.vector_load %arg6[%get3A_1165, %get3A_1166] {strides = array<i32>} : memref<80x64xf32, #tpu.memory_space<vmem>>, vector<1x16xf32>,
      %get3A_1168 = vector.shape_cast %get3A_1167 : vector<1x16xf32> to vector<16xf32>
      %add3A_1169 = arith.addf %add3A_1163, %get3A_1168 : vector<16xf32>
      %get3A_1170 = arith.constant 57 : i32
      %get3A_1171 = arith.index_cast %get3A_1170 : i32 to index
      %get3A_1172 = arith.constant 0 : index
      %get3A_1173 = tpu.vector_load %arg6[%get3A_1171, %get3A_1172] {strides = array<i32>} : memref<80x64xf32, #tpu.memory_space<vmem>>, vector<1x16xf32>,
      %get3A_1174 = vector.shape_cast %get3A_1173 : vector<1x16xf32> to vector<16xf32>
      %add3A_1175 = arith.addf %add3A_1169, %get3A_1174 : vector<16xf32>
      %get3A_1176 = arith.constant 58 : i32
      %get3A_1177 = arith.index_cast %get3A_1176 : i32 to index
      %get3A_1178 = arith.constant 0 : index
      %get3A_1179 = tpu.vector_load %arg6[%get3A_1177, %get3A_1178] {strides = array<i32>} : memref<80x64xf32, #tpu.memory_space<vmem>>, vector<1x16xf32>,
      %get3A_1180 = vector.shape_cast %get3A_1179 : vector<1x16xf32> to vector<16xf32>
      %add3A_1181 = arith.addf %add3A_1175, %get3A_1180 : vector<16xf32>
      %get3A_1182 = arith.constant 59 : i32
      %get3A_1183 = arith.index_cast %get3A_1182 : i32 to index
      %get3A_1184 = arith.constant 0 : index
      %get3A_1185 = tpu.vector_load %arg6[%get3A_1183, %get3A_1184] {strides = array<i32>} : memref<80x64xf32, #tpu.memory_space<vmem>>, vector<1x16xf32>,
      %get3A_1186 = vector.shape_cast %get3A_1185 : vector<1x16xf32> to vector<16xf32>
      %add3A_1187 = arith.addf %add3A_1181, %get3A_1186 : vector<16xf32>
      %mul3A_1188 = arith.constant 5.000000e-02 : f32
      %mul3A_1189 = vector.broadcast %mul3A_1188 : f32 to vector<16xf32>
      %mul3A_1190 = arith.mulf %add3A_1187, %mul3A_1189 : vector<16xf32>
      %mul3A_1191 = arith.constant 4 : i32
      %mul3A_1192 = arith.muli %scan3A_11, %mul3A_1191 : i32
      %add3A_1193 = arith.constant 2 : i32
      %add3A_1194 = arith.addi %mul3A_1192, %add3A_1193 : i32
      %swap3A_1195 = arith.index_cast %add3A_1194 : i32 to index
      %swap3A_1196 = arith.constant 0 : index
      %swap3A_1197 = tpu.vector_load %arg7[%swap3A_1195, %swap3A_1196] {strides = array<i32>} : memref<128x64xf32, #tpu.memory_space<vmem>>, vector<1x16xf32>,
      %swap3A_1198 = vector.shape_cast %swap3A_1197 : vector<1x16xf32> to vector<16xf32>
      %swap3A_1199 = vector.shape_cast %mul3A_1190 : vector<16xf32> to vector<1x16xf32>
      tpu.vector_store %arg7[%swap3A_1195, %swap3A_1196], %swap3A_1199 {strides = array<i32>} : memref<128x64xf32, #tpu.memory_space<vmem>>, vector<1x16xf32>,
      %get3A_1200 = arith.constant 40 : i32
      %get3A_1201 = arith.index_cast %get3A_1200 : i32 to index
      %get3A_1202 = arith.constant 16 : index
      %get3A_1203 = tpu.vector_load %arg6[%get3A_1201, %get3A_1202] {strides = array<i32>} : memref<80x64xf32, #tpu.memory_space<vmem>>, vector<1x16xf32>,
      %get3A_1204 = vector.shape_cast %get3A_1203 : vector<1x16xf32> to vector<16xf32>
      %get3A_1205 = arith.constant 41 : i32
      %get3A_1206 = arith.index_cast %get3A_1205 : i32 to index
      %get3A_1207 = arith.constant 16 : index
      %get3A_1208 = tpu.vector_load %arg6[%get3A_1206, %get3A_1207] {strides = array<i32>} : memref<80x64xf32, #tpu.memory_space<vmem>>, vector<1x16xf32>,
      %get3A_1209 = vector.shape_cast %get3A_1208 : vector<1x16xf32> to vector<16xf32>
      %add3A_1210 = arith.addf %get3A_1204, %get3A_1209 : vector<16xf32>
      %get3A_1211 = arith.constant 42 : i32
      %get3A_1212 = arith.index_cast %get3A_1211 : i32 to index
      %get3A_1213 = arith.constant 16 : index
      %get3A_1214 = tpu.vector_load %arg6[%get3A_1212, %get3A_1213] {strides = array<i32>} : memref<80x64xf32, #tpu.memory_space<vmem>>, vector<1x16xf32>,
      %get3A_1215 = vector.shape_cast %get3A_1214 : vector<1x16xf32> to vector<16xf32>
      %add3A_1216 = arith.addf %add3A_1210, %get3A_1215 : vector<16xf32>
      %get3A_1217 = arith.constant 43 : i32
      %get3A_1218 = arith.index_cast %get3A_1217 : i32 to index
      %get3A_1219 = arith.constant 16 : index
      %get3A_1220 = tpu.vector_load %arg6[%get3A_1218, %get3A_1219] {strides = array<i32>} : memref<80x64xf32, #tpu.memory_space<vmem>>, vector<1x16xf32>,
      %get3A_1221 = vector.shape_cast %get3A_1220 : vector<1x16xf32> to vector<16xf32>
      %add3A_1222 = arith.addf %add3A_1216, %get3A_1221 : vector<16xf32>
      %get3A_1223 = arith.constant 44 : i32
      %get3A_1224 = arith.index_cast %get3A_1223 : i32 to index
      %get3A_1225 = arith.constant 16 : index
      %get3A_1226 = tpu.vector_load %arg6[%get3A_1224, %get3A_1225] {strides = array<i32>} : memref<80x64xf32, #tpu.memory_space<vmem>>, vector<1x16xf32>,
      %get3A_1227 = vector.shape_cast %get3A_1226 : vector<1x16xf32> to vector<16xf32>
      %add3A_1228 = arith.addf %add3A_1222, %get3A_1227 : vector<16xf32>
      %get3A_1229 = arith.constant 45 : i32
      %get3A_1230 = arith.index_cast %get3A_1229 : i32 to index
      %get3A_1231 = arith.constant 16 : index
      %get3A_1232 = tpu.vector_load %arg6[%get3A_1230, %get3A_1231] {strides = array<i32>} : memref<80x64xf32, #tpu.memory_space<vmem>>, vector<1x16xf32>,
      %get3A_1233 = vector.shape_cast %get3A_1232 : vector<1x16xf32> to vector<16xf32>
      %add3A_1234 = arith.addf %add3A_1228, %get3A_1233 : vector<16xf32>
      %get3A_1235 = arith.constant 46 : i32
      %get3A_1236 = arith.index_cast %get3A_1235 : i32 to index
      %get3A_1237 = arith.constant 16 : index
      %get3A_1238 = tpu.vector_load %arg6[%get3A_1236, %get3A_1237] {strides = array<i32>} : memref<80x64xf32, #tpu.memory_space<vmem>>, vector<1x16xf32>,
      %get3A_1239 = vector.shape_cast %get3A_1238 : vector<1x16xf32> to vector<16xf32>
      %add3A_1240 = arith.addf %add3A_1234, %get3A_1239 : vector<16xf32>
      %get3A_1241 = arith.constant 47 : i32
      %get3A_1242 = arith.index_cast %get3A_1241 : i32 to index
      %get3A_1243 = arith.constant 16 : index
      %get3A_1244 = tpu.vector_load %arg6[%get3A_1242, %get3A_1243] {strides = array<i32>} : memref<80x64xf32, #tpu.memory_space<vmem>>, vector<1x16xf32>,
      %get3A_1245 = vector.shape_cast %get3A_1244 : vector<1x16xf32> to vector<16xf32>
      %add3A_1246 = arith.addf %add3A_1240, %get3A_1245 : vector<16xf32>
      %get3A_1247 = arith.constant 48 : i32
      %get3A_1248 = arith.index_cast %get3A_1247 : i32 to index
      %get3A_1249 = arith.constant 16 : index
      %get3A_1250 = tpu.vector_load %arg6[%get3A_1248, %get3A_1249] {strides = array<i32>} : memref<80x64xf32, #tpu.memory_space<vmem>>, vector<1x16xf32>,
      %get3A_1251 = vector.shape_cast %get3A_1250 : vector<1x16xf32> to vector<16xf32>
      %add3A_1252 = arith.addf %add3A_1246, %get3A_1251 : vector<16xf32>
      %get3A_1253 = arith.constant 49 : i32
      %get3A_1254 = arith.index_cast %get3A_1253 : i32 to index
      %get3A_1255 = arith.constant 16 : index
      %get3A_1256 = tpu.vector_load %arg6[%get3A_1254, %get3A_1255] {strides = array<i32>} : memref<80x64xf32, #tpu.memory_space<vmem>>, vector<1x16xf32>,
      %get3A_1257 = vector.shape_cast %get3A_1256 : vector<1x16xf32> to vector<16xf32>
      %add3A_1258 = arith.addf %add3A_1252, %get3A_1257 : vector<16xf32>
      %get3A_1259 = arith.constant 50 : i32
      %get3A_1260 = arith.index_cast %get3A_1259 : i32 to index
      %get3A_1261 = arith.constant 16 : index
      %get3A_1262 = tpu.vector_load %arg6[%get3A_1260, %get3A_1261] {strides = array<i32>} : memref<80x64xf32, #tpu.memory_space<vmem>>, vector<1x16xf32>,
      %get3A_1263 = vector.shape_cast %get3A_1262 : vector<1x16xf32> to vector<16xf32>
      %add3A_1264 = arith.addf %add3A_1258, %get3A_1263 : vector<16xf32>
      %get3A_1265 = arith.constant 51 : i32
      %get3A_1266 = arith.index_cast %get3A_1265 : i32 to index
      %get3A_1267 = arith.constant 16 : index
      %get3A_1268 = tpu.vector_load %arg6[%get3A_1266, %get3A_1267] {strides = array<i32>} : memref<80x64xf32, #tpu.memory_space<vmem>>, vector<1x16xf32>,
      %get3A_1269 = vector.shape_cast %get3A_1268 : vector<1x16xf32> to vector<16xf32>
      %add3A_1270 = arith.addf %add3A_1264, %get3A_1269 : vector<16xf32>
      %get3A_1271 = arith.constant 52 : i32
      %get3A_1272 = arith.index_cast %get3A_1271 : i32 to index
      %get3A_1273 = arith.constant 16 : index
      %get3A_1274 = tpu.vector_load %arg6[%get3A_1272, %get3A_1273] {strides = array<i32>} : memref<80x64xf32, #tpu.memory_space<vmem>>, vector<1x16xf32>,
      %get3A_1275 = vector.shape_cast %get3A_1274 : vector<1x16xf32> to vector<16xf32>
      %add3A_1276 = arith.addf %add3A_1270, %get3A_1275 : vector<16xf32>
      %get3A_1277 = arith.constant 53 : i32
      %get3A_1278 = arith.index_cast %get3A_1277 : i32 to index
      %get3A_1279 = arith.constant 16 : index
      %get3A_1280 = tpu.vector_load %arg6[%get3A_1278, %get3A_1279] {strides = array<i32>} : memref<80x64xf32, #tpu.memory_space<vmem>>, vector<1x16xf32>,
      %get3A_1281 = vector.shape_cast %get3A_1280 : vector<1x16xf32> to vector<16xf32>
      %add3A_1282 = arith.addf %add3A_1276, %get3A_1281 : vector<16xf32>
      %get3A_1283 = arith.constant 54 : i32
      %get3A_1284 = arith.index_cast %get3A_1283 : i32 to index
      %get3A_1285 = arith.constant 16 : index
      %get3A_1286 = tpu.vector_load %arg6[%get3A_1284, %get3A_1285] {strides = array<i32>} : memref<80x64xf32, #tpu.memory_space<vmem>>, vector<1x16xf32>,
      %get3A_1287 = vector.shape_cast %get3A_1286 : vector<1x16xf32> to vector<16xf32>
      %add3A_1288 = arith.addf %add3A_1282, %get3A_1287 : vector<16xf32>
      %get3A_1289 = arith.constant 55 : i32
      %get3A_1290 = arith.index_cast %get3A_1289 : i32 to index
      %get3A_1291 = arith.constant 16 : index
      %get3A_1292 = tpu.vector_load %arg6[%get3A_1290, %get3A_1291] {strides = array<i32>} : memref<80x64xf32, #tpu.memory_space<vmem>>, vector<1x16xf32>,
      %get3A_1293 = vector.shape_cast %get3A_1292 : vector<1x16xf32> to vector<16xf32>
      %add3A_1294 = arith.addf %add3A_1288, %get3A_1293 : vector<16xf32>
      %get3A_1295 = arith.constant 56 : i32
      %get3A_1296 = arith.index_cast %get3A_1295 : i32 to index
      %get3A_1297 = arith.constant 16 : index
      %get3A_1298 = tpu.vector_load %arg6[%get3A_1296, %get3A_1297] {strides = array<i32>} : memref<80x64xf32, #tpu.memory_space<vmem>>, vector<1x16xf32>,
      %get3A_1299 = vector.shape_cast %get3A_1298 : vector<1x16xf32> to vector<16xf32>
      %add3A_1300 = arith.addf %add3A_1294, %get3A_1299 : vector<16xf32>
      %get3A_1301 = arith.constant 57 : i32
      %get3A_1302 = arith.index_cast %get3A_1301 : i32 to index
      %get3A_1303 = arith.constant 16 : index
      %get3A_1304 = tpu.vector_load %arg6[%get3A_1302, %get3A_1303] {strides = array<i32>} : memref<80x64xf32, #tpu.memory_space<vmem>>, vector<1x16xf32>,
      %get3A_1305 = vector.shape_cast %get3A_1304 : vector<1x16xf32> to vector<16xf32>
      %add3A_1306 = arith.addf %add3A_1300, %get3A_1305 : vector<16xf32>
      %get3A_1307 = arith.constant 58 : i32
      %get3A_1308 = arith.index_cast %get3A_1307 : i32 to index
      %get3A_1309 = arith.constant 16 : index
      %get3A_1310 = tpu.vector_load %arg6[%get3A_1308, %get3A_1309] {strides = array<i32>} : memref<80x64xf32, #tpu.memory_space<vmem>>, vector<1x16xf32>,
      %get3A_1311 = vector.shape_cast %get3A_1310 : vector<1x16xf32> to vector<16xf32>
      %add3A_1312 = arith.addf %add3A_1306, %get3A_1311 : vector<16xf32>
      %get3A_1313 = arith.constant 59 : i32
      %get3A_1314 = arith.index_cast %get3A_1313 : i32 to index
      %get3A_1315 = arith.constant 16 : index
      %get3A_1316 = tpu.vector_load %arg6[%get3A_1314, %get3A_1315] {strides = array<i32>} : memref<80x64xf32, #tpu.memory_space<vmem>>, vector<1x16xf32>,
      %get3A_1317 = vector.shape_cast %get3A_1316 : vector<1x16xf32> to vector<16xf32>
      %add3A_1318 = arith.addf %add3A_1312, %get3A_1317 : vector<16xf32>
      %mul3A_1319 = arith.constant 5.000000e-02 : f32
      %mul3A_1320 = vector.broadcast %mul3A_1319 : f32 to vector<16xf32>
      %mul3A_1321 = arith.mulf %add3A_1318, %mul3A_1320 : vector<16xf32>
      %mul3A_1322 = arith.constant 4 : i32
      %mul3A_1323 = arith.muli %scan3A_11, %mul3A_1322 : i32
      %add3A_1324 = arith.constant 2 : i32
      %add3A_1325 = arith.addi %mul3A_1323, %add3A_1324 : i32
      %swap3A_1326 = arith.index_cast %add3A_1325 : i32 to index
      %swap3A_1327 = arith.constant 16 : index
      %swap3A_1328 = tpu.vector_load %arg7[%swap3A_1326, %swap3A_1327] {strides = array<i32>} : memref<128x64xf32, #tpu.memory_space<vmem>>, vector<1x16xf32>,
      %swap3A_1329 = vector.shape_cast %swap3A_1328 : vector<1x16xf32> to vector<16xf32>
      %swap3A_1330 = vector.shape_cast %mul3A_1321 : vector<16xf32> to vector<1x16xf32>
      tpu.vector_store %arg7[%swap3A_1326, %swap3A_1327], %swap3A_1330 {strides = array<i32>} : memref<128x64xf32, #tpu.memory_space<vmem>>, vector<1x16xf32>,
      %get3A_1331 = arith.constant 40 : i32
      %get3A_1332 = arith.index_cast %get3A_1331 : i32 to index
      %get3A_1333 = arith.constant 32 : index
      %get3A_1334 = tpu.vector_load %arg6[%get3A_1332, %get3A_1333] {strides = array<i32>} : memref<80x64xf32, #tpu.memory_space<vmem>>, vector<1x16xf32>,
      %get3A_1335 = vector.shape_cast %get3A_1334 : vector<1x16xf32> to vector<16xf32>
      %get3A_1336 = arith.constant 41 : i32
      %get3A_1337 = arith.index_cast %get3A_1336 : i32 to index
      %get3A_1338 = arith.constant 32 : index
      %get3A_1339 = tpu.vector_load %arg6[%get3A_1337, %get3A_1338] {strides = array<i32>} : memref<80x64xf32, #tpu.memory_space<vmem>>, vector<1x16xf32>,
      %get3A_1340 = vector.shape_cast %get3A_1339 : vector<1x16xf32> to vector<16xf32>
      %add3A_1341 = arith.addf %get3A_1335, %get3A_1340 : vector<16xf32>
      %get3A_1342 = arith.constant 42 : i32
      %get3A_1343 = arith.index_cast %get3A_1342 : i32 to index
      %get3A_1344 = arith.constant 32 : index
      %get3A_1345 = tpu.vector_load %arg6[%get3A_1343, %get3A_1344] {strides = array<i32>} : memref<80x64xf32, #tpu.memory_space<vmem>>, vector<1x16xf32>,
      %get3A_1346 = vector.shape_cast %get3A_1345 : vector<1x16xf32> to vector<16xf32>
      %add3A_1347 = arith.addf %add3A_1341, %get3A_1346 : vector<16xf32>
      %get3A_1348 = arith.constant 43 : i32
      %get3A_1349 = arith.index_cast %get3A_1348 : i32 to index
      %get3A_1350 = arith.constant 32 : index
      %get3A_1351 = tpu.vector_load %arg6[%get3A_1349, %get3A_1350] {strides = array<i32>} : memref<80x64xf32, #tpu.memory_space<vmem>>, vector<1x16xf32>,
      %get3A_1352 = vector.shape_cast %get3A_1351 : vector<1x16xf32> to vector<16xf32>
      %add3A_1353 = arith.addf %add3A_1347, %get3A_1352 : vector<16xf32>
      %get3A_1354 = arith.constant 44 : i32
      %get3A_1355 = arith.index_cast %get3A_1354 : i32 to index
      %get3A_1356 = arith.constant 32 : index
      %get3A_1357 = tpu.vector_load %arg6[%get3A_1355, %get3A_1356] {strides = array<i32>} : memref<80x64xf32, #tpu.memory_space<vmem>>, vector<1x16xf32>,
      %get3A_1358 = vector.shape_cast %get3A_1357 : vector<1x16xf32> to vector<16xf32>
      %add3A_1359 = arith.addf %add3A_1353, %get3A_1358 : vector<16xf32>
      %get3A_1360 = arith.constant 45 : i32
      %get3A_1361 = arith.index_cast %get3A_1360 : i32 to index
      %get3A_1362 = arith.constant 32 : index
      %get3A_1363 = tpu.vector_load %arg6[%get3A_1361, %get3A_1362] {strides = array<i32>} : memref<80x64xf32, #tpu.memory_space<vmem>>, vector<1x16xf32>,
      %get3A_1364 = vector.shape_cast %get3A_1363 : vector<1x16xf32> to vector<16xf32>
      %add3A_1365 = arith.addf %add3A_1359, %get3A_1364 : vector<16xf32>
      %get3A_1366 = arith.constant 46 : i32
      %get3A_1367 = arith.index_cast %get3A_1366 : i32 to index
      %get3A_1368 = arith.constant 32 : index
      %get3A_1369 = tpu.vector_load %arg6[%get3A_1367, %get3A_1368] {strides = array<i32>} : memref<80x64xf32, #tpu.memory_space<vmem>>, vector<1x16xf32>,
      %get3A_1370 = vector.shape_cast %get3A_1369 : vector<1x16xf32> to vector<16xf32>
      %add3A_1371 = arith.addf %add3A_1365, %get3A_1370 : vector<16xf32>
      %get3A_1372 = arith.constant 47 : i32
      %get3A_1373 = arith.index_cast %get3A_1372 : i32 to index
      %get3A_1374 = arith.constant 32 : index
      %get3A_1375 = tpu.vector_load %arg6[%get3A_1373, %get3A_1374] {strides = array<i32>} : memref<80x64xf32, #tpu.memory_space<vmem>>, vector<1x16xf32>,
      %get3A_1376 = vector.shape_cast %get3A_1375 : vector<1x16xf32> to vector<16xf32>
      %add3A_1377 = arith.addf %add3A_1371, %get3A_1376 : vector<16xf32>
      %get3A_1378 = arith.constant 48 : i32
      %get3A_1379 = arith.index_cast %get3A_1378 : i32 to index
      %get3A_1380 = arith.constant 32 : index
      %get3A_1381 = tpu.vector_load %arg6[%get3A_1379, %get3A_1380] {strides = array<i32>} : memref<80x64xf32, #tpu.memory_space<vmem>>, vector<1x16xf32>,
      %get3A_1382 = vector.shape_cast %get3A_1381 : vector<1x16xf32> to vector<16xf32>
      %add3A_1383 = arith.addf %add3A_1377, %get3A_1382 : vector<16xf32>
      %get3A_1384 = arith.constant 49 : i32
      %get3A_1385 = arith.index_cast %get3A_1384 : i32 to index
      %get3A_1386 = arith.constant 32 : index
      %get3A_1387 = tpu.vector_load %arg6[%get3A_1385, %get3A_1386] {strides = array<i32>} : memref<80x64xf32, #tpu.memory_space<vmem>>, vector<1x16xf32>,
      %get3A_1388 = vector.shape_cast %get3A_1387 : vector<1x16xf32> to vector<16xf32>
      %add3A_1389 = arith.addf %add3A_1383, %get3A_1388 : vector<16xf32>
      %get3A_1390 = arith.constant 50 : i32
      %get3A_1391 = arith.index_cast %get3A_1390 : i32 to index
      %get3A_1392 = arith.constant 32 : index
      %get3A_1393 = tpu.vector_load %arg6[%get3A_1391, %get3A_1392] {strides = array<i32>} : memref<80x64xf32, #tpu.memory_space<vmem>>, vector<1x16xf32>,
      %get3A_1394 = vector.shape_cast %get3A_1393 : vector<1x16xf32> to vector<16xf32>
      %add3A_1395 = arith.addf %add3A_1389, %get3A_1394 : vector<16xf32>
      %get3A_1396 = arith.constant 51 : i32
      %get3A_1397 = arith.index_cast %get3A_1396 : i32 to index
      %get3A_1398 = arith.constant 32 : index
      %get3A_1399 = tpu.vector_load %arg6[%get3A_1397, %get3A_1398] {strides = array<i32>} : memref<80x64xf32, #tpu.memory_space<vmem>>, vector<1x16xf32>,
      %get3A_1400 = vector.shape_cast %get3A_1399 : vector<1x16xf32> to vector<16xf32>
      %add3A_1401 = arith.addf %add3A_1395, %get3A_1400 : vector<16xf32>
      %get3A_1402 = arith.constant 52 : i32
      %get3A_1403 = arith.index_cast %get3A_1402 : i32 to index
      %get3A_1404 = arith.constant 32 : index
      %get3A_1405 = tpu.vector_load %arg6[%get3A_1403, %get3A_1404] {strides = array<i32>} : memref<80x64xf32, #tpu.memory_space<vmem>>, vector<1x16xf32>,
      %get3A_1406 = vector.shape_cast %get3A_1405 : vector<1x16xf32> to vector<16xf32>
      %add3A_1407 = arith.addf %add3A_1401, %get3A_1406 : vector<16xf32>
      %get3A_1408 = arith.constant 53 : i32
      %get3A_1409 = arith.index_cast %get3A_1408 : i32 to index
      %get3A_1410 = arith.constant 32 : index
      %get3A_1411 = tpu.vector_load %arg6[%get3A_1409, %get3A_1410] {strides = array<i32>} : memref<80x64xf32, #tpu.memory_space<vmem>>, vector<1x16xf32>,
      %get3A_1412 = vector.shape_cast %get3A_1411 : vector<1x16xf32> to vector<16xf32>
      %add3A_1413 = arith.addf %add3A_1407, %get3A_1412 : vector<16xf32>
      %get3A_1414 = arith.constant 54 : i32
      %get3A_1415 = arith.index_cast %get3A_1414 : i32 to index
      %get3A_1416 = arith.constant 32 : index
      %get3A_1417 = tpu.vector_load %arg6[%get3A_1415, %get3A_1416] {strides = array<i32>} : memref<80x64xf32, #tpu.memory_space<vmem>>, vector<1x16xf32>,
      %get3A_1418 = vector.shape_cast %get3A_1417 : vector<1x16xf32> to vector<16xf32>
      %add3A_1419 = arith.addf %add3A_1413, %get3A_1418 : vector<16xf32>
      %get3A_1420 = arith.constant 55 : i32
      %get3A_1421 = arith.index_cast %get3A_1420 : i32 to index
      %get3A_1422 = arith.constant 32 : index
      %get3A_1423 = tpu.vector_load %arg6[%get3A_1421, %get3A_1422] {strides = array<i32>} : memref<80x64xf32, #tpu.memory_space<vmem>>, vector<1x16xf32>,
      %get3A_1424 = vector.shape_cast %get3A_1423 : vector<1x16xf32> to vector<16xf32>
      %add3A_1425 = arith.addf %add3A_1419, %get3A_1424 : vector<16xf32>
      %get3A_1426 = arith.constant 56 : i32
      %get3A_1427 = arith.index_cast %get3A_1426 : i32 to index
      %get3A_1428 = arith.constant 32 : index
      %get3A_1429 = tpu.vector_load %arg6[%get3A_1427, %get3A_1428] {strides = array<i32>} : memref<80x64xf32, #tpu.memory_space<vmem>>, vector<1x16xf32>,
      %get3A_1430 = vector.shape_cast %get3A_1429 : vector<1x16xf32> to vector<16xf32>
      %add3A_1431 = arith.addf %add3A_1425, %get3A_1430 : vector<16xf32>
      %get3A_1432 = arith.constant 57 : i32
      %get3A_1433 = arith.index_cast %get3A_1432 : i32 to index
      %get3A_1434 = arith.constant 32 : index
      %get3A_1435 = tpu.vector_load %arg6[%get3A_1433, %get3A_1434] {strides = array<i32>} : memref<80x64xf32, #tpu.memory_space<vmem>>, vector<1x16xf32>,
      %get3A_1436 = vector.shape_cast %get3A_1435 : vector<1x16xf32> to vector<16xf32>
      %add3A_1437 = arith.addf %add3A_1431, %get3A_1436 : vector<16xf32>
      %get3A_1438 = arith.constant 58 : i32
      %get3A_1439 = arith.index_cast %get3A_1438 : i32 to index
      %get3A_1440 = arith.constant 32 : index
      %get3A_1441 = tpu.vector_load %arg6[%get3A_1439, %get3A_1440] {strides = array<i32>} : memref<80x64xf32, #tpu.memory_space<vmem>>, vector<1x16xf32>,
      %get3A_1442 = vector.shape_cast %get3A_1441 : vector<1x16xf32> to vector<16xf32>
      %add3A_1443 = arith.addf %add3A_1437, %get3A_1442 : vector<16xf32>
      %get3A_1444 = arith.constant 59 : i32
      %get3A_1445 = arith.index_cast %get3A_1444 : i32 to index
      %get3A_1446 = arith.constant 32 : index
      %get3A_1447 = tpu.vector_load %arg6[%get3A_1445, %get3A_1446] {strides = array<i32>} : memref<80x64xf32, #tpu.memory_space<vmem>>, vector<1x16xf32>,
      %get3A_1448 = vector.shape_cast %get3A_1447 : vector<1x16xf32> to vector<16xf32>
      %add3A_1449 = arith.addf %add3A_1443, %get3A_1448 : vector<16xf32>
      %mul3A_1450 = arith.constant 5.000000e-02 : f32
      %mul3A_1451 = vector.broadcast %mul3A_1450 : f32 to vector<16xf32>
      %mul3A_1452 = arith.mulf %add3A_1449, %mul3A_1451 : vector<16xf32>
      %mul3A_1453 = arith.constant 4 : i32
      %mul3A_1454 = arith.muli %scan3A_11, %mul3A_1453 : i32
      %add3A_1455 = arith.constant 2 : i32
      %add3A_1456 = arith.addi %mul3A_1454, %add3A_1455 : i32
      %swap3A_1457 = arith.index_cast %add3A_1456 : i32 to index
      %swap3A_1458 = arith.constant 32 : index
      %swap3A_1459 = tpu.vector_load %arg7[%swap3A_1457, %swap3A_1458] {strides = array<i32>} : memref<128x64xf32, #tpu.memory_space<vmem>>, vector<1x16xf32>,
      %swap3A_1460 = vector.shape_cast %swap3A_1459 : vector<1x16xf32> to vector<16xf32>
      %swap3A_1461 = vector.shape_cast %mul3A_1452 : vector<16xf32> to vector<1x16xf32>
      tpu.vector_store %arg7[%swap3A_1457, %swap3A_1458], %swap3A_1461 {strides = array<i32>} : memref<128x64xf32, #tpu.memory_space<vmem>>, vector<1x16xf32>,
      %get3A_1462 = arith.constant 40 : i32
      %get3A_1463 = arith.index_cast %get3A_1462 : i32 to index
      %get3A_1464 = arith.constant 48 : index
      %get3A_1465 = tpu.vector_load %arg6[%get3A_1463, %get3A_1464] {strides = array<i32>} : memref<80x64xf32, #tpu.memory_space<vmem>>, vector<1x16xf32>,
      %get3A_1466 = vector.shape_cast %get3A_1465 : vector<1x16xf32> to vector<16xf32>
      %get3A_1467 = arith.constant 41 : i32
      %get3A_1468 = arith.index_cast %get3A_1467 : i32 to index
      %get3A_1469 = arith.constant 48 : index
      %get3A_1470 = tpu.vector_load %arg6[%get3A_1468, %get3A_1469] {strides = array<i32>} : memref<80x64xf32, #tpu.memory_space<vmem>>, vector<1x16xf32>,
      %get3A_1471 = vector.shape_cast %get3A_1470 : vector<1x16xf32> to vector<16xf32>
      %add3A_1472 = arith.addf %get3A_1466, %get3A_1471 : vector<16xf32>
      %get3A_1473 = arith.constant 42 : i32
      %get3A_1474 = arith.index_cast %get3A_1473 : i32 to index
      %get3A_1475 = arith.constant 48 : index
      %get3A_1476 = tpu.vector_load %arg6[%get3A_1474, %get3A_1475] {strides = array<i32>} : memref<80x64xf32, #tpu.memory_space<vmem>>, vector<1x16xf32>,
      %get3A_1477 = vector.shape_cast %get3A_1476 : vector<1x16xf32> to vector<16xf32>
      %add3A_1478 = arith.addf %add3A_1472, %get3A_1477 : vector<16xf32>
      %get3A_1479 = arith.constant 43 : i32
      %get3A_1480 = arith.index_cast %get3A_1479 : i32 to index
      %get3A_1481 = arith.constant 48 : index
      %get3A_1482 = tpu.vector_load %arg6[%get3A_1480, %get3A_1481] {strides = array<i32>} : memref<80x64xf32, #tpu.memory_space<vmem>>, vector<1x16xf32>,
      %get3A_1483 = vector.shape_cast %get3A_1482 : vector<1x16xf32> to vector<16xf32>
      %add3A_1484 = arith.addf %add3A_1478, %get3A_1483 : vector<16xf32>
      %get3A_1485 = arith.constant 44 : i32
      %get3A_1486 = arith.index_cast %get3A_1485 : i32 to index
      %get3A_1487 = arith.constant 48 : index
      %get3A_1488 = tpu.vector_load %arg6[%get3A_1486, %get3A_1487] {strides = array<i32>} : memref<80x64xf32, #tpu.memory_space<vmem>>, vector<1x16xf32>,
      %get3A_1489 = vector.shape_cast %get3A_1488 : vector<1x16xf32> to vector<16xf32>
      %add3A_1490 = arith.addf %add3A_1484, %get3A_1489 : vector<16xf32>
      %get3A_1491 = arith.constant 45 : i32
      %get3A_1492 = arith.index_cast %get3A_1491 : i32 to index
      %get3A_1493 = arith.constant 48 : index
      %get3A_1494 = tpu.vector_load %arg6[%get3A_1492, %get3A_1493] {strides = array<i32>} : memref<80x64xf32, #tpu.memory_space<vmem>>, vector<1x16xf32>,
      %get3A_1495 = vector.shape_cast %get3A_1494 : vector<1x16xf32> to vector<16xf32>
      %add3A_1496 = arith.addf %add3A_1490, %get3A_1495 : vector<16xf32>
      %get3A_1497 = arith.constant 46 : i32
      %get3A_1498 = arith.index_cast %get3A_1497 : i32 to index
      %get3A_1499 = arith.constant 48 : index
      %get3A_1500 = tpu.vector_load %arg6[%get3A_1498, %get3A_1499] {strides = array<i32>} : memref<80x64xf32, #tpu.memory_space<vmem>>, vector<1x16xf32>,
      %get3A_1501 = vector.shape_cast %get3A_1500 : vector<1x16xf32> to vector<16xf32>
      %add3A_1502 = arith.addf %add3A_1496, %get3A_1501 : vector<16xf32>
      %get3A_1503 = arith.constant 47 : i32
      %get3A_1504 = arith.index_cast %get3A_1503 : i32 to index
      %get3A_1505 = arith.constant 48 : index
      %get3A_1506 = tpu.vector_load %arg6[%get3A_1504, %get3A_1505] {strides = array<i32>} : memref<80x64xf32, #tpu.memory_space<vmem>>, vector<1x16xf32>,
      %get3A_1507 = vector.shape_cast %get3A_1506 : vector<1x16xf32> to vector<16xf32>
      %add3A_1508 = arith.addf %add3A_1502, %get3A_1507 : vector<16xf32>
      %get3A_1509 = arith.constant 48 : i32
      %get3A_1510 = arith.index_cast %get3A_1509 : i32 to index
      %get3A_1511 = arith.constant 48 : index
      %get3A_1512 = tpu.vector_load %arg6[%get3A_1510, %get3A_1511] {strides = array<i32>} : memref<80x64xf32, #tpu.memory_space<vmem>>, vector<1x16xf32>,
      %get3A_1513 = vector.shape_cast %get3A_1512 : vector<1x16xf32> to vector<16xf32>
      %add3A_1514 = arith.addf %add3A_1508, %get3A_1513 : vector<16xf32>
      %get3A_1515 = arith.constant 49 : i32
      %get3A_1516 = arith.index_cast %get3A_1515 : i32 to index
      %get3A_1517 = arith.constant 48 : index
      %get3A_1518 = tpu.vector_load %arg6[%get3A_1516, %get3A_1517] {strides = array<i32>} : memref<80x64xf32, #tpu.memory_space<vmem>>, vector<1x16xf32>,
      %get3A_1519 = vector.shape_cast %get3A_1518 : vector<1x16xf32> to vector<16xf32>
      %add3A_1520 = arith.addf %add3A_1514, %get3A_1519 : vector<16xf32>
      %get3A_1521 = arith.constant 50 : i32
      %get3A_1522 = arith.index_cast %get3A_1521 : i32 to index
      %get3A_1523 = arith.constant 48 : index
      %get3A_1524 = tpu.vector_load %arg6[%get3A_1522, %get3A_1523] {strides = array<i32>} : memref<80x64xf32, #tpu.memory_space<vmem>>, vector<1x16xf32>,
      %get3A_1525 = vector.shape_cast %get3A_1524 : vector<1x16xf32> to vector<16xf32>
      %add3A_1526 = arith.addf %add3A_1520, %get3A_1525 : vector<16xf32>
      %get3A_1527 = arith.constant 51 : i32
      %get3A_1528 = arith.index_cast %get3A_1527 : i32 to index
      %get3A_1529 = arith.constant 48 : index
      %get3A_1530 = tpu.vector_load %arg6[%get3A_1528, %get3A_1529] {strides = array<i32>} : memref<80x64xf32, #tpu.memory_space<vmem>>, vector<1x16xf32>,
      %get3A_1531 = vector.shape_cast %get3A_1530 : vector<1x16xf32> to vector<16xf32>
      %add3A_1532 = arith.addf %add3A_1526, %get3A_1531 : vector<16xf32>
      %get3A_1533 = arith.constant 52 : i32
      %get3A_1534 = arith.index_cast %get3A_1533 : i32 to index
      %get3A_1535 = arith.constant 48 : index
      %get3A_1536 = tpu.vector_load %arg6[%get3A_1534, %get3A_1535] {strides = array<i32>} : memref<80x64xf32, #tpu.memory_space<vmem>>, vector<1x16xf32>,
      %get3A_1537 = vector.shape_cast %get3A_1536 : vector<1x16xf32> to vector<16xf32>
      %add3A_1538 = arith.addf %add3A_1532, %get3A_1537 : vector<16xf32>
      %get3A_1539 = arith.constant 53 : i32
      %get3A_1540 = arith.index_cast %get3A_1539 : i32 to index
      %get3A_1541 = arith.constant 48 : index
      %get3A_1542 = tpu.vector_load %arg6[%get3A_1540, %get3A_1541] {strides = array<i32>} : memref<80x64xf32, #tpu.memory_space<vmem>>, vector<1x16xf32>,
      %get3A_1543 = vector.shape_cast %get3A_1542 : vector<1x16xf32> to vector<16xf32>
      %add3A_1544 = arith.addf %add3A_1538, %get3A_1543 : vector<16xf32>
      %get3A_1545 = arith.constant 54 : i32
      %get3A_1546 = arith.index_cast %get3A_1545 : i32 to index
      %get3A_1547 = arith.constant 48 : index
      %get3A_1548 = tpu.vector_load %arg6[%get3A_1546, %get3A_1547] {strides = array<i32>} : memref<80x64xf32, #tpu.memory_space<vmem>>, vector<1x16xf32>,
      %get3A_1549 = vector.shape_cast %get3A_1548 : vector<1x16xf32> to vector<16xf32>
      %add3A_1550 = arith.addf %add3A_1544, %get3A_1549 : vector<16xf32>
      %get3A_1551 = arith.constant 55 : i32
      %get3A_1552 = arith.index_cast %get3A_1551 : i32 to index
      %get3A_1553 = arith.constant 48 : index
      %get3A_1554 = tpu.vector_load %arg6[%get3A_1552, %get3A_1553] {strides = array<i32>} : memref<80x64xf32, #tpu.memory_space<vmem>>, vector<1x16xf32>,
      %get3A_1555 = vector.shape_cast %get3A_1554 : vector<1x16xf32> to vector<16xf32>
      %add3A_1556 = arith.addf %add3A_1550, %get3A_1555 : vector<16xf32>
      %get3A_1557 = arith.constant 56 : i32
      %get3A_1558 = arith.index_cast %get3A_1557 : i32 to index
      %get3A_1559 = arith.constant 48 : index
      %get3A_1560 = tpu.vector_load %arg6[%get3A_1558, %get3A_1559] {strides = array<i32>} : memref<80x64xf32, #tpu.memory_space<vmem>>, vector<1x16xf32>,
      %get3A_1561 = vector.shape_cast %get3A_1560 : vector<1x16xf32> to vector<16xf32>
      %add3A_1562 = arith.addf %add3A_1556, %get3A_1561 : vector<16xf32>
      %get3A_1563 = arith.constant 57 : i32
      %get3A_1564 = arith.index_cast %get3A_1563 : i32 to index
      %get3A_1565 = arith.constant 48 : index
      %get3A_1566 = tpu.vector_load %arg6[%get3A_1564, %get3A_1565] {strides = array<i32>} : memref<80x64xf32, #tpu.memory_space<vmem>>, vector<1x16xf32>,
      %get3A_1567 = vector.shape_cast %get3A_1566 : vector<1x16xf32> to vector<16xf32>
      %add3A_1568 = arith.addf %add3A_1562, %get3A_1567 : vector<16xf32>
      %get3A_1569 = arith.constant 58 : i32
      %get3A_1570 = arith.index_cast %get3A_1569 : i32 to index
      %get3A_1571 = arith.constant 48 : index
      %get3A_1572 = tpu.vector_load %arg6[%get3A_1570, %get3A_1571] {strides = array<i32>} : memref<80x64xf32, #tpu.memory_space<vmem>>, vector<1x16xf32>,
      %get3A_1573 = vector.shape_cast %get3A_1572 : vector<1x16xf32> to vector<16xf32>
      %add3A_1574 = arith.addf %add3A_1568, %get3A_1573 : vector<16xf32>
      %get3A_1575 = arith.constant 59 : i32
      %get3A_1576 = arith.index_cast %get3A_1575 : i32 to index
      %get3A_1577 = arith.constant 48 : index
      %get3A_1578 = tpu.vector_load %arg6[%get3A_1576, %get3A_1577] {strides = array<i32>} : memref<80x64xf32, #tpu.memory_space<vmem>>, vector<1x16xf32>,
      %get3A_1579 = vector.shape_cast %get3A_1578 : vector<1x16xf32> to vector<16xf32>
      %add3A_1580 = arith.addf %add3A_1574, %get3A_1579 : vector<16xf32>
      %mul3A_1581 = arith.constant 5.000000e-02 : f32
      %mul3A_1582 = vector.broadcast %mul3A_1581 : f32 to vector<16xf32>
      %mul3A_1583 = arith.mulf %add3A_1580, %mul3A_1582 : vector<16xf32>
      %mul3A_1584 = arith.constant 4 : i32
      %mul3A_1585 = arith.muli %scan3A_11, %mul3A_1584 : i32
      %add3A_1586 = arith.constant 2 : i32
      %add3A_1587 = arith.addi %mul3A_1585, %add3A_1586 : i32
      %swap3A_1588 = arith.index_cast %add3A_1587 : i32 to index
      %swap3A_1589 = arith.constant 48 : index
      %swap3A_1590 = tpu.vector_load %arg7[%swap3A_1588, %swap3A_1589] {strides = array<i32>} : memref<128x64xf32, #tpu.memory_space<vmem>>, vector<1x16xf32>,
      %swap3A_1591 = vector.shape_cast %swap3A_1590 : vector<1x16xf32> to vector<16xf32>
      %swap3A_1592 = vector.shape_cast %mul3A_1583 : vector<16xf32> to vector<1x16xf32>
      tpu.vector_store %arg7[%swap3A_1588, %swap3A_1589], %swap3A_1592 {strides = array<i32>} : memref<128x64xf32, #tpu.memory_space<vmem>>, vector<1x16xf32>,
      %get3A_1593 = arith.constant 60 : i32
      %get3A_1594 = arith.index_cast %get3A_1593 : i32 to index
      %get3A_1595 = arith.constant 0 : index
      %get3A_1596 = tpu.vector_load %arg6[%get3A_1594, %get3A_1595] {strides = array<i32>} : memref<80x64xf32, #tpu.memory_space<vmem>>, vector<1x16xf32>,
      %get3A_1597 = vector.shape_cast %get3A_1596 : vector<1x16xf32> to vector<16xf32>
      %get3A_1598 = arith.constant 61 : i32
      %get3A_1599 = arith.index_cast %get3A_1598 : i32 to index
      %get3A_1600 = arith.constant 0 : index
      %get3A_1601 = tpu.vector_load %arg6[%get3A_1599, %get3A_1600] {strides = array<i32>} : memref<80x64xf32, #tpu.memory_space<vmem>>, vector<1x16xf32>,
      %get3A_1602 = vector.shape_cast %get3A_1601 : vector<1x16xf32> to vector<16xf32>
      %add3A_1603 = arith.addf %get3A_1597, %get3A_1602 : vector<16xf32>
      %get3A_1604 = arith.constant 62 : i32
      %get3A_1605 = arith.index_cast %get3A_1604 : i32 to index
      %get3A_1606 = arith.constant 0 : index
      %get3A_1607 = tpu.vector_load %arg6[%get3A_1605, %get3A_1606] {strides = array<i32>} : memref<80x64xf32, #tpu.memory_space<vmem>>, vector<1x16xf32>,
      %get3A_1608 = vector.shape_cast %get3A_1607 : vector<1x16xf32> to vector<16xf32>
      %add3A_1609 = arith.addf %add3A_1603, %get3A_1608 : vector<16xf32>
      %get3A_1610 = arith.constant 63 : i32
      %get3A_1611 = arith.index_cast %get3A_1610 : i32 to index
      %get3A_1612 = arith.constant 0 : index
      %get3A_1613 = tpu.vector_load %arg6[%get3A_1611, %get3A_1612] {strides = array<i32>} : memref<80x64xf32, #tpu.memory_space<vmem>>, vector<1x16xf32>,
      %get3A_1614 = vector.shape_cast %get3A_1613 : vector<1x16xf32> to vector<16xf32>
      %add3A_1615 = arith.addf %add3A_1609, %get3A_1614 : vector<16xf32>
      %get3A_1616 = arith.constant 64 : i32
      %get3A_1617 = arith.index_cast %get3A_1616 : i32 to index
      %get3A_1618 = arith.constant 0 : index
      %get3A_1619 = tpu.vector_load %arg6[%get3A_1617, %get3A_1618] {strides = array<i32>} : memref<80x64xf32, #tpu.memory_space<vmem>>, vector<1x16xf32>,
      %get3A_1620 = vector.shape_cast %get3A_1619 : vector<1x16xf32> to vector<16xf32>
      %add3A_1621 = arith.addf %add3A_1615, %get3A_1620 : vector<16xf32>
      %get3A_1622 = arith.constant 65 : i32
      %get3A_1623 = arith.index_cast %get3A_1622 : i32 to index
      %get3A_1624 = arith.constant 0 : index
      %get3A_1625 = tpu.vector_load %arg6[%get3A_1623, %get3A_1624] {strides = array<i32>} : memref<80x64xf32, #tpu.memory_space<vmem>>, vector<1x16xf32>,
      %get3A_1626 = vector.shape_cast %get3A_1625 : vector<1x16xf32> to vector<16xf32>
      %add3A_1627 = arith.addf %add3A_1621, %get3A_1626 : vector<16xf32>
      %get3A_1628 = arith.constant 66 : i32
      %get3A_1629 = arith.index_cast %get3A_1628 : i32 to index
      %get3A_1630 = arith.constant 0 : index
      %get3A_1631 = tpu.vector_load %arg6[%get3A_1629, %get3A_1630] {strides = array<i32>} : memref<80x64xf32, #tpu.memory_space<vmem>>, vector<1x16xf32>,
      %get3A_1632 = vector.shape_cast %get3A_1631 : vector<1x16xf32> to vector<16xf32>
      %add3A_1633 = arith.addf %add3A_1627, %get3A_1632 : vector<16xf32>
      %get3A_1634 = arith.constant 67 : i32
      %get3A_1635 = arith.index_cast %get3A_1634 : i32 to index
      %get3A_1636 = arith.constant 0 : index
      %get3A_1637 = tpu.vector_load %arg6[%get3A_1635, %get3A_1636] {strides = array<i32>} : memref<80x64xf32, #tpu.memory_space<vmem>>, vector<1x16xf32>,
      %get3A_1638 = vector.shape_cast %get3A_1637 : vector<1x16xf32> to vector<16xf32>
      %add3A_1639 = arith.addf %add3A_1633, %get3A_1638 : vector<16xf32>
      %get3A_1640 = arith.constant 68 : i32
      %get3A_1641 = arith.index_cast %get3A_1640 : i32 to index
      %get3A_1642 = arith.constant 0 : index
      %get3A_1643 = tpu.vector_load %arg6[%get3A_1641, %get3A_1642] {strides = array<i32>} : memref<80x64xf32, #tpu.memory_space<vmem>>, vector<1x16xf32>,
      %get3A_1644 = vector.shape_cast %get3A_1643 : vector<1x16xf32> to vector<16xf32>
      %add3A_1645 = arith.addf %add3A_1639, %get3A_1644 : vector<16xf32>
      %get3A_1646 = arith.constant 69 : i32
      %get3A_1647 = arith.index_cast %get3A_1646 : i32 to index
      %get3A_1648 = arith.constant 0 : index
      %get3A_1649 = tpu.vector_load %arg6[%get3A_1647, %get3A_1648] {strides = array<i32>} : memref<80x64xf32, #tpu.memory_space<vmem>>, vector<1x16xf32>,
      %get3A_1650 = vector.shape_cast %get3A_1649 : vector<1x16xf32> to vector<16xf32>
      %add3A_1651 = arith.addf %add3A_1645, %get3A_1650 : vector<16xf32>
      %get3A_1652 = arith.constant 70 : i32
      %get3A_1653 = arith.index_cast %get3A_1652 : i32 to index
      %get3A_1654 = arith.constant 0 : index
      %get3A_1655 = tpu.vector_load %arg6[%get3A_1653, %get3A_1654] {strides = array<i32>} : memref<80x64xf32, #tpu.memory_space<vmem>>, vector<1x16xf32>,
      %get3A_1656 = vector.shape_cast %get3A_1655 : vector<1x16xf32> to vector<16xf32>
      %add3A_1657 = arith.addf %add3A_1651, %get3A_1656 : vector<16xf32>
      %get3A_1658 = arith.constant 71 : i32
      %get3A_1659 = arith.index_cast %get3A_1658 : i32 to index
      %get3A_1660 = arith.constant 0 : index
      %get3A_1661 = tpu.vector_load %arg6[%get3A_1659, %get3A_1660] {strides = array<i32>} : memref<80x64xf32, #tpu.memory_space<vmem>>, vector<1x16xf32>,
      %get3A_1662 = vector.shape_cast %get3A_1661 : vector<1x16xf32> to vector<16xf32>
      %add3A_1663 = arith.addf %add3A_1657, %get3A_1662 : vector<16xf32>
      %get3A_1664 = arith.constant 72 : i32
      %get3A_1665 = arith.index_cast %get3A_1664 : i32 to index
      %get3A_1666 = arith.constant 0 : index
      %get3A_1667 = tpu.vector_load %arg6[%get3A_1665, %get3A_1666] {strides = array<i32>} : memref<80x64xf32, #tpu.memory_space<vmem>>, vector<1x16xf32>,
      %get3A_1668 = vector.shape_cast %get3A_1667 : vector<1x16xf32> to vector<16xf32>
      %add3A_1669 = arith.addf %add3A_1663, %get3A_1668 : vector<16xf32>
      %get3A_1670 = arith.constant 73 : i32
      %get3A_1671 = arith.index_cast %get3A_1670 : i32 to index
      %get3A_1672 = arith.constant 0 : index
      %get3A_1673 = tpu.vector_load %arg6[%get3A_1671, %get3A_1672] {strides = array<i32>} : memref<80x64xf32, #tpu.memory_space<vmem>>, vector<1x16xf32>,
      %get3A_1674 = vector.shape_cast %get3A_1673 : vector<1x16xf32> to vector<16xf32>
      %add3A_1675 = arith.addf %add3A_1669, %get3A_1674 : vector<16xf32>
      %get3A_1676 = arith.constant 74 : i32
      %get3A_1677 = arith.index_cast %get3A_1676 : i32 to index
      %get3A_1678 = arith.constant 0 : index
      %get3A_1679 = tpu.vector_load %arg6[%get3A_1677, %get3A_1678] {strides = array<i32>} : memref<80x64xf32, #tpu.memory_space<vmem>>, vector<1x16xf32>,
      %get3A_1680 = vector.shape_cast %get3A_1679 : vector<1x16xf32> to vector<16xf32>
      %add3A_1681 = arith.addf %add3A_1675, %get3A_1680 : vector<16xf32>
      %get3A_1682 = arith.constant 75 : i32
      %get3A_1683 = arith.index_cast %get3A_1682 : i32 to index
      %get3A_1684 = arith.constant 0 : index
      %get3A_1685 = tpu.vector_load %arg6[%get3A_1683, %get3A_1684] {strides = array<i32>} : memref<80x64xf32, #tpu.memory_space<vmem>>, vector<1x16xf32>,
      %get3A_1686 = vector.shape_cast %get3A_1685 : vector<1x16xf32> to vector<16xf32>
      %add3A_1687 = arith.addf %add3A_1681, %get3A_1686 : vector<16xf32>
      %get3A_1688 = arith.constant 76 : i32
      %get3A_1689 = arith.index_cast %get3A_1688 : i32 to index
      %get3A_1690 = arith.constant 0 : index
      %get3A_1691 = tpu.vector_load %arg6[%get3A_1689, %get3A_1690] {strides = array<i32>} : memref<80x64xf32, #tpu.memory_space<vmem>>, vector<1x16xf32>,
      %get3A_1692 = vector.shape_cast %get3A_1691 : vector<1x16xf32> to vector<16xf32>
      %add3A_1693 = arith.addf %add3A_1687, %get3A_1692 : vector<16xf32>
      %get3A_1694 = arith.constant 77 : i32
      %get3A_1695 = arith.index_cast %get3A_1694 : i32 to index
      %get3A_1696 = arith.constant 0 : index
      %get3A_1697 = tpu.vector_load %arg6[%get3A_1695, %get3A_1696] {strides = array<i32>} : memref<80x64xf32, #tpu.memory_space<vmem>>, vector<1x16xf32>,
      %get3A_1698 = vector.shape_cast %get3A_1697 : vector<1x16xf32> to vector<16xf32>
      %add3A_1699 = arith.addf %add3A_1693, %get3A_1698 : vector<16xf32>
      %get3A_1700 = arith.constant 78 : i32
      %get3A_1701 = arith.index_cast %get3A_1700 : i32 to index
      %get3A_1702 = arith.constant 0 : index
      %get3A_1703 = tpu.vector_load %arg6[%get3A_1701, %get3A_1702] {strides = array<i32>} : memref<80x64xf32, #tpu.memory_space<vmem>>, vector<1x16xf32>,
      %get3A_1704 = vector.shape_cast %get3A_1703 : vector<1x16xf32> to vector<16xf32>
      %add3A_1705 = arith.addf %add3A_1699, %get3A_1704 : vector<16xf32>
      %get3A_1706 = arith.constant 79 : i32
      %get3A_1707 = arith.index_cast %get3A_1706 : i32 to index
      %get3A_1708 = arith.constant 0 : index
      %get3A_1709 = tpu.vector_load %arg6[%get3A_1707, %get3A_1708] {strides = array<i32>} : memref<80x64xf32, #tpu.memory_space<vmem>>, vector<1x16xf32>,
      %get3A_1710 = vector.shape_cast %get3A_1709 : vector<1x16xf32> to vector<16xf32>
      %add3A_1711 = arith.addf %add3A_1705, %get3A_1710 : vector<16xf32>
      %mul3A_1712 = arith.constant 5.000000e-02 : f32
      %mul3A_1713 = vector.broadcast %mul3A_1712 : f32 to vector<16xf32>
      %mul3A_1714 = arith.mulf %add3A_1711, %mul3A_1713 : vector<16xf32>
      %mul3A_1715 = arith.constant 4 : i32
      %mul3A_1716 = arith.muli %scan3A_11, %mul3A_1715 : i32
      %add3A_1717 = arith.constant 3 : i32
      %add3A_1718 = arith.addi %mul3A_1716, %add3A_1717 : i32
      %swap3A_1719 = arith.index_cast %add3A_1718 : i32 to index
      %swap3A_1720 = arith.constant 0 : index
      %swap3A_1721 = tpu.vector_load %arg7[%swap3A_1719, %swap3A_1720] {strides = array<i32>} : memref<128x64xf32, #tpu.memory_space<vmem>>, vector<1x16xf32>,
      %swap3A_1722 = vector.shape_cast %swap3A_1721 : vector<1x16xf32> to vector<16xf32>
      %swap3A_1723 = vector.shape_cast %mul3A_1714 : vector<16xf32> to vector<1x16xf32>
      tpu.vector_store %arg7[%swap3A_1719, %swap3A_1720], %swap3A_1723 {strides = array<i32>} : memref<128x64xf32, #tpu.memory_space<vmem>>, vector<1x16xf32>,
      %get3A_1724 = arith.constant 60 : i32
      %get3A_1725 = arith.index_cast %get3A_1724 : i32 to index
      %get3A_1726 = arith.constant 16 : index
      %get3A_1727 = tpu.vector_load %arg6[%get3A_1725, %get3A_1726] {strides = array<i32>} : memref<80x64xf32, #tpu.memory_space<vmem>>, vector<1x16xf32>,
      %get3A_1728 = vector.shape_cast %get3A_1727 : vector<1x16xf32> to vector<16xf32>
      %get3A_1729 = arith.constant 61 : i32
      %get3A_1730 = arith.index_cast %get3A_1729 : i32 to index
      %get3A_1731 = arith.constant 16 : index
      %get3A_1732 = tpu.vector_load %arg6[%get3A_1730, %get3A_1731] {strides = array<i32>} : memref<80x64xf32, #tpu.memory_space<vmem>>, vector<1x16xf32>,
      %get3A_1733 = vector.shape_cast %get3A_1732 : vector<1x16xf32> to vector<16xf32>
      %add3A_1734 = arith.addf %get3A_1728, %get3A_1733 : vector<16xf32>
      %get3A_1735 = arith.constant 62 : i32
      %get3A_1736 = arith.index_cast %get3A_1735 : i32 to index
      %get3A_1737 = arith.constant 16 : index
      %get3A_1738 = tpu.vector_load %arg6[%get3A_1736, %get3A_1737] {strides = array<i32>} : memref<80x64xf32, #tpu.memory_space<vmem>>, vector<1x16xf32>,
      %get3A_1739 = vector.shape_cast %get3A_1738 : vector<1x16xf32> to vector<16xf32>
      %add3A_1740 = arith.addf %add3A_1734, %get3A_1739 : vector<16xf32>
      %get3A_1741 = arith.constant 63 : i32
      %get3A_1742 = arith.index_cast %get3A_1741 : i32 to index
      %get3A_1743 = arith.constant 16 : index
      %get3A_1744 = tpu.vector_load %arg6[%get3A_1742, %get3A_1743] {strides = array<i32>} : memref<80x64xf32, #tpu.memory_space<vmem>>, vector<1x16xf32>,
      %get3A_1745 = vector.shape_cast %get3A_1744 : vector<1x16xf32> to vector<16xf32>
      %add3A_1746 = arith.addf %add3A_1740, %get3A_1745 : vector<16xf32>
      %get3A_1747 = arith.constant 64 : i32
      %get3A_1748 = arith.index_cast %get3A_1747 : i32 to index
      %get3A_1749 = arith.constant 16 : index
      %get3A_1750 = tpu.vector_load %arg6[%get3A_1748, %get3A_1749] {strides = array<i32>} : memref<80x64xf32, #tpu.memory_space<vmem>>, vector<1x16xf32>,
      %get3A_1751 = vector.shape_cast %get3A_1750 : vector<1x16xf32> to vector<16xf32>
      %add3A_1752 = arith.addf %add3A_1746, %get3A_1751 : vector<16xf32>
      %get3A_1753 = arith.constant 65 : i32
      %get3A_1754 = arith.index_cast %get3A_1753 : i32 to index
      %get3A_1755 = arith.constant 16 : index
      %get3A_1756 = tpu.vector_load %arg6[%get3A_1754, %get3A_1755] {strides = array<i32>} : memref<80x64xf32, #tpu.memory_space<vmem>>, vector<1x16xf32>,
      %get3A_1757 = vector.shape_cast %get3A_1756 : vector<1x16xf32> to vector<16xf32>
      %add3A_1758 = arith.addf %add3A_1752, %get3A_1757 : vector<16xf32>
      %get3A_1759 = arith.constant 66 : i32
      %get3A_1760 = arith.index_cast %get3A_1759 : i32 to index
      %get3A_1761 = arith.constant 16 : index
      %get3A_1762 = tpu.vector_load %arg6[%get3A_1760, %get3A_1761] {strides = array<i32>} : memref<80x64xf32, #tpu.memory_space<vmem>>, vector<1x16xf32>,
      %get3A_1763 = vector.shape_cast %get3A_1762 : vector<1x16xf32> to vector<16xf32>
      %add3A_1764 = arith.addf %add3A_1758, %get3A_1763 : vector<16xf32>
      %get3A_1765 = arith.constant 67 : i32
      %get3A_1766 = arith.index_cast %get3A_1765 : i32 to index
      %get3A_1767 = arith.constant 16 : index
      %get3A_1768 = tpu.vector_load %arg6[%get3A_1766, %get3A_1767] {strides = array<i32>} : memref<80x64xf32, #tpu.memory_space<vmem>>, vector<1x16xf32>,
      %get3A_1769 = vector.shape_cast %get3A_1768 : vector<1x16xf32> to vector<16xf32>
      %add3A_1770 = arith.addf %add3A_1764, %get3A_1769 : vector<16xf32>
      %get3A_1771 = arith.constant 68 : i32
      %get3A_1772 = arith.index_cast %get3A_1771 : i32 to index
      %get3A_1773 = arith.constant 16 : index
      %get3A_1774 = tpu.vector_load %arg6[%get3A_1772, %get3A_1773] {strides = array<i32>} : memref<80x64xf32, #tpu.memory_space<vmem>>, vector<1x16xf32>,
      %get3A_1775 = vector.shape_cast %get3A_1774 : vector<1x16xf32> to vector<16xf32>
      %add3A_1776 = arith.addf %add3A_1770, %get3A_1775 : vector<16xf32>
      %get3A_1777 = arith.constant 69 : i32
      %get3A_1778 = arith.index_cast %get3A_1777 : i32 to index
      %get3A_1779 = arith.constant 16 : index
      %get3A_1780 = tpu.vector_load %arg6[%get3A_1778, %get3A_1779] {strides = array<i32>} : memref<80x64xf32, #tpu.memory_space<vmem>>, vector<1x16xf32>,
      %get3A_1781 = vector.shape_cast %get3A_1780 : vector<1x16xf32> to vector<16xf32>
      %add3A_1782 = arith.addf %add3A_1776, %get3A_1781 : vector<16xf32>
      %get3A_1783 = arith.constant 70 : i32
      %get3A_1784 = arith.index_cast %get3A_1783 : i32 to index
      %get3A_1785 = arith.constant 16 : index
      %get3A_1786 = tpu.vector_load %arg6[%get3A_1784, %get3A_1785] {strides = array<i32>} : memref<80x64xf32, #tpu.memory_space<vmem>>, vector<1x16xf32>,
      %get3A_1787 = vector.shape_cast %get3A_1786 : vector<1x16xf32> to vector<16xf32>
      %add3A_1788 = arith.addf %add3A_1782, %get3A_1787 : vector<16xf32>
      %get3A_1789 = arith.constant 71 : i32
      %get3A_1790 = arith.index_cast %get3A_1789 : i32 to index
      %get3A_1791 = arith.constant 16 : index
      %get3A_1792 = tpu.vector_load %arg6[%get3A_1790, %get3A_1791] {strides = array<i32>} : memref<80x64xf32, #tpu.memory_space<vmem>>, vector<1x16xf32>,
      %get3A_1793 = vector.shape_cast %get3A_1792 : vector<1x16xf32> to vector<16xf32>
      %add3A_1794 = arith.addf %add3A_1788, %get3A_1793 : vector<16xf32>
      %get3A_1795 = arith.constant 72 : i32
      %get3A_1796 = arith.index_cast %get3A_1795 : i32 to index
      %get3A_1797 = arith.constant 16 : index
      %get3A_1798 = tpu.vector_load %arg6[%get3A_1796, %get3A_1797] {strides = array<i32>} : memref<80x64xf32, #tpu.memory_space<vmem>>, vector<1x16xf32>,
      %get3A_1799 = vector.shape_cast %get3A_1798 : vector<1x16xf32> to vector<16xf32>
      %add3A_1800 = arith.addf %add3A_1794, %get3A_1799 : vector<16xf32>
      %get3A_1801 = arith.constant 73 : i32
      %get3A_1802 = arith.index_cast %get3A_1801 : i32 to index
      %get3A_1803 = arith.constant 16 : index
      %get3A_1804 = tpu.vector_load %arg6[%get3A_1802, %get3A_1803] {strides = array<i32>} : memref<80x64xf32, #tpu.memory_space<vmem>>, vector<1x16xf32>,
      %get3A_1805 = vector.shape_cast %get3A_1804 : vector<1x16xf32> to vector<16xf32>
      %add3A_1806 = arith.addf %add3A_1800, %get3A_1805 : vector<16xf32>
      %get3A_1807 = arith.constant 74 : i32
      %get3A_1808 = arith.index_cast %get3A_1807 : i32 to index
      %get3A_1809 = arith.constant 16 : index
      %get3A_1810 = tpu.vector_load %arg6[%get3A_1808, %get3A_1809] {strides = array<i32>} : memref<80x64xf32, #tpu.memory_space<vmem>>, vector<1x16xf32>,
      %get3A_1811 = vector.shape_cast %get3A_1810 : vector<1x16xf32> to vector<16xf32>
      %add3A_1812 = arith.addf %add3A_1806, %get3A_1811 : vector<16xf32>
      %get3A_1813 = arith.constant 75 : i32
      %get3A_1814 = arith.index_cast %get3A_1813 : i32 to index
      %get3A_1815 = arith.constant 16 : index
      %get3A_1816 = tpu.vector_load %arg6[%get3A_1814, %get3A_1815] {strides = array<i32>} : memref<80x64xf32, #tpu.memory_space<vmem>>, vector<1x16xf32>,
      %get3A_1817 = vector.shape_cast %get3A_1816 : vector<1x16xf32> to vector<16xf32>
      %add3A_1818 = arith.addf %add3A_1812, %get3A_1817 : vector<16xf32>
      %get3A_1819 = arith.constant 76 : i32
      %get3A_1820 = arith.index_cast %get3A_1819 : i32 to index
      %get3A_1821 = arith.constant 16 : index
      %get3A_1822 = tpu.vector_load %arg6[%get3A_1820, %get3A_1821] {strides = array<i32>} : memref<80x64xf32, #tpu.memory_space<vmem>>, vector<1x16xf32>,
      %get3A_1823 = vector.shape_cast %get3A_1822 : vector<1x16xf32> to vector<16xf32>
      %add3A_1824 = arith.addf %add3A_1818, %get3A_1823 : vector<16xf32>
      %get3A_1825 = arith.constant 77 : i32
      %get3A_1826 = arith.index_cast %get3A_1825 : i32 to index
      %get3A_1827 = arith.constant 16 : index
      %get3A_1828 = tpu.vector_load %arg6[%get3A_1826, %get3A_1827] {strides = array<i32>} : memref<80x64xf32, #tpu.memory_space<vmem>>, vector<1x16xf32>,
      %get3A_1829 = vector.shape_cast %get3A_1828 : vector<1x16xf32> to vector<16xf32>
      %add3A_1830 = arith.addf %add3A_1824, %get3A_1829 : vector<16xf32>
      %get3A_1831 = arith.constant 78 : i32
      %get3A_1832 = arith.index_cast %get3A_1831 : i32 to index
      %get3A_1833 = arith.constant 16 : index
      %get3A_1834 = tpu.vector_load %arg6[%get3A_1832, %get3A_1833] {strides = array<i32>} : memref<80x64xf32, #tpu.memory_space<vmem>>, vector<1x16xf32>,
      %get3A_1835 = vector.shape_cast %get3A_1834 : vector<1x16xf32> to vector<16xf32>
      %add3A_1836 = arith.addf %add3A_1830, %get3A_1835 : vector<16xf32>
      %get3A_1837 = arith.constant 79 : i32
      %get3A_1838 = arith.index_cast %get3A_1837 : i32 to index
      %get3A_1839 = arith.constant 16 : index
      %get3A_1840 = tpu.vector_load %arg6[%get3A_1838, %get3A_1839] {strides = array<i32>} : memref<80x64xf32, #tpu.memory_space<vmem>>, vector<1x16xf32>,
      %get3A_1841 = vector.shape_cast %get3A_1840 : vector<1x16xf32> to vector<16xf32>
      %add3A_1842 = arith.addf %add3A_1836, %get3A_1841 : vector<16xf32>
      %mul3A_1843 = arith.constant 5.000000e-02 : f32
      %mul3A_1844 = vector.broadcast %mul3A_1843 : f32 to vector<16xf32>
      %mul3A_1845 = arith.mulf %add3A_1842, %mul3A_1844 : vector<16xf32>
      %mul3A_1846 = arith.constant 4 : i32
      %mul3A_1847 = arith.muli %scan3A_11, %mul3A_1846 : i32
      %add3A_1848 = arith.constant 3 : i32
      %add3A_1849 = arith.addi %mul3A_1847, %add3A_1848 : i32
      %swap3A_1850 = arith.index_cast %add3A_1849 : i32 to index
      %swap3A_1851 = arith.constant 16 : index
      %swap3A_1852 = tpu.vector_load %arg7[%swap3A_1850, %swap3A_1851] {strides = array<i32>} : memref<128x64xf32, #tpu.memory_space<vmem>>, vector<1x16xf32>,
      %swap3A_1853 = vector.shape_cast %swap3A_1852 : vector<1x16xf32> to vector<16xf32>
      %swap3A_1854 = vector.shape_cast %mul3A_1845 : vector<16xf32> to vector<1x16xf32>
      tpu.vector_store %arg7[%swap3A_1850, %swap3A_1851], %swap3A_1854 {strides = array<i32>} : memref<128x64xf32, #tpu.memory_space<vmem>>, vector<1x16xf32>,
      %get3A_1855 = arith.constant 60 : i32
      %get3A_1856 = arith.index_cast %get3A_1855 : i32 to index
      %get3A_1857 = arith.constant 32 : index
      %get3A_1858 = tpu.vector_load %arg6[%get3A_1856, %get3A_1857] {strides = array<i32>} : memref<80x64xf32, #tpu.memory_space<vmem>>, vector<1x16xf32>,
      %get3A_1859 = vector.shape_cast %get3A_1858 : vector<1x16xf32> to vector<16xf32>
      %get3A_1860 = arith.constant 61 : i32
      %get3A_1861 = arith.index_cast %get3A_1860 : i32 to index
      %get3A_1862 = arith.constant 32 : index
      %get3A_1863 = tpu.vector_load %arg6[%get3A_1861, %get3A_1862] {strides = array<i32>} : memref<80x64xf32, #tpu.memory_space<vmem>>, vector<1x16xf32>,
      %get3A_1864 = vector.shape_cast %get3A_1863 : vector<1x16xf32> to vector<16xf32>
      %add3A_1865 = arith.addf %get3A_1859, %get3A_1864 : vector<16xf32>
      %get3A_1866 = arith.constant 62 : i32
      %get3A_1867 = arith.index_cast %get3A_1866 : i32 to index
      %get3A_1868 = arith.constant 32 : index
      %get3A_1869 = tpu.vector_load %arg6[%get3A_1867, %get3A_1868] {strides = array<i32>} : memref<80x64xf32, #tpu.memory_space<vmem>>, vector<1x16xf32>,
      %get3A_1870 = vector.shape_cast %get3A_1869 : vector<1x16xf32> to vector<16xf32>
      %add3A_1871 = arith.addf %add3A_1865, %get3A_1870 : vector<16xf32>
      %get3A_1872 = arith.constant 63 : i32
      %get3A_1873 = arith.index_cast %get3A_1872 : i32 to index
      %get3A_1874 = arith.constant 32 : index
      %get3A_1875 = tpu.vector_load %arg6[%get3A_1873, %get3A_1874] {strides = array<i32>} : memref<80x64xf32, #tpu.memory_space<vmem>>, vector<1x16xf32>,
      %get3A_1876 = vector.shape_cast %get3A_1875 : vector<1x16xf32> to vector<16xf32>
      %add3A_1877 = arith.addf %add3A_1871, %get3A_1876 : vector<16xf32>
      %get3A_1878 = arith.constant 64 : i32
      %get3A_1879 = arith.index_cast %get3A_1878 : i32 to index
      %get3A_1880 = arith.constant 32 : index
      %get3A_1881 = tpu.vector_load %arg6[%get3A_1879, %get3A_1880] {strides = array<i32>} : memref<80x64xf32, #tpu.memory_space<vmem>>, vector<1x16xf32>,
      %get3A_1882 = vector.shape_cast %get3A_1881 : vector<1x16xf32> to vector<16xf32>
      %add3A_1883 = arith.addf %add3A_1877, %get3A_1882 : vector<16xf32>
      %get3A_1884 = arith.constant 65 : i32
      %get3A_1885 = arith.index_cast %get3A_1884 : i32 to index
      %get3A_1886 = arith.constant 32 : index
      %get3A_1887 = tpu.vector_load %arg6[%get3A_1885, %get3A_1886] {strides = array<i32>} : memref<80x64xf32, #tpu.memory_space<vmem>>, vector<1x16xf32>,
      %get3A_1888 = vector.shape_cast %get3A_1887 : vector<1x16xf32> to vector<16xf32>
      %add3A_1889 = arith.addf %add3A_1883, %get3A_1888 : vector<16xf32>
      %get3A_1890 = arith.constant 66 : i32
      %get3A_1891 = arith.index_cast %get3A_1890 : i32 to index
      %get3A_1892 = arith.constant 32 : index
      %get3A_1893 = tpu.vector_load %arg6[%get3A_1891, %get3A_1892] {strides = array<i32>} : memref<80x64xf32, #tpu.memory_space<vmem>>, vector<1x16xf32>,
      %get3A_1894 = vector.shape_cast %get3A_1893 : vector<1x16xf32> to vector<16xf32>
      %add3A_1895 = arith.addf %add3A_1889, %get3A_1894 : vector<16xf32>
      %get3A_1896 = arith.constant 67 : i32
      %get3A_1897 = arith.index_cast %get3A_1896 : i32 to index
      %get3A_1898 = arith.constant 32 : index
      %get3A_1899 = tpu.vector_load %arg6[%get3A_1897, %get3A_1898] {strides = array<i32>} : memref<80x64xf32, #tpu.memory_space<vmem>>, vector<1x16xf32>,
      %get3A_1900 = vector.shape_cast %get3A_1899 : vector<1x16xf32> to vector<16xf32>
      %add3A_1901 = arith.addf %add3A_1895, %get3A_1900 : vector<16xf32>
      %get3A_1902 = arith.constant 68 : i32
      %get3A_1903 = arith.index_cast %get3A_1902 : i32 to index
      %get3A_1904 = arith.constant 32 : index
      %get3A_1905 = tpu.vector_load %arg6[%get3A_1903, %get3A_1904] {strides = array<i32>} : memref<80x64xf32, #tpu.memory_space<vmem>>, vector<1x16xf32>,
      %get3A_1906 = vector.shape_cast %get3A_1905 : vector<1x16xf32> to vector<16xf32>
      %add3A_1907 = arith.addf %add3A_1901, %get3A_1906 : vector<16xf32>
      %get3A_1908 = arith.constant 69 : i32
      %get3A_1909 = arith.index_cast %get3A_1908 : i32 to index
      %get3A_1910 = arith.constant 32 : index
      %get3A_1911 = tpu.vector_load %arg6[%get3A_1909, %get3A_1910] {strides = array<i32>} : memref<80x64xf32, #tpu.memory_space<vmem>>, vector<1x16xf32>,
      %get3A_1912 = vector.shape_cast %get3A_1911 : vector<1x16xf32> to vector<16xf32>
      %add3A_1913 = arith.addf %add3A_1907, %get3A_1912 : vector<16xf32>
      %get3A_1914 = arith.constant 70 : i32
      %get3A_1915 = arith.index_cast %get3A_1914 : i32 to index
      %get3A_1916 = arith.constant 32 : index
      %get3A_1917 = tpu.vector_load %arg6[%get3A_1915, %get3A_1916] {strides = array<i32>} : memref<80x64xf32, #tpu.memory_space<vmem>>, vector<1x16xf32>,
      %get3A_1918 = vector.shape_cast %get3A_1917 : vector<1x16xf32> to vector<16xf32>
      %add3A_1919 = arith.addf %add3A_1913, %get3A_1918 : vector<16xf32>
      %get3A_1920 = arith.constant 71 : i32
      %get3A_1921 = arith.index_cast %get3A_1920 : i32 to index
      %get3A_1922 = arith.constant 32 : index
      %get3A_1923 = tpu.vector_load %arg6[%get3A_1921, %get3A_1922] {strides = array<i32>} : memref<80x64xf32, #tpu.memory_space<vmem>>, vector<1x16xf32>,
      %get3A_1924 = vector.shape_cast %get3A_1923 : vector<1x16xf32> to vector<16xf32>
      %add3A_1925 = arith.addf %add3A_1919, %get3A_1924 : vector<16xf32>
      %get3A_1926 = arith.constant 72 : i32
      %get3A_1927 = arith.index_cast %get3A_1926 : i32 to index
      %get3A_1928 = arith.constant 32 : index
      %get3A_1929 = tpu.vector_load %arg6[%get3A_1927, %get3A_1928] {strides = array<i32>} : memref<80x64xf32, #tpu.memory_space<vmem>>, vector<1x16xf32>,
      %get3A_1930 = vector.shape_cast %get3A_1929 : vector<1x16xf32> to vector<16xf32>
      %add3A_1931 = arith.addf %add3A_1925, %get3A_1930 : vector<16xf32>
      %get3A_1932 = arith.constant 73 : i32
      %get3A_1933 = arith.index_cast %get3A_1932 : i32 to index
      %get3A_1934 = arith.constant 32 : index
      %get3A_1935 = tpu.vector_load %arg6[%get3A_1933, %get3A_1934] {strides = array<i32>} : memref<80x64xf32, #tpu.memory_space<vmem>>, vector<1x16xf32>,
      %get3A_1936 = vector.shape_cast %get3A_1935 : vector<1x16xf32> to vector<16xf32>
      %add3A_1937 = arith.addf %add3A_1931, %get3A_1936 : vector<16xf32>
      %get3A_1938 = arith.constant 74 : i32
      %get3A_1939 = arith.index_cast %get3A_1938 : i32 to index
      %get3A_1940 = arith.constant 32 : index
      %get3A_1941 = tpu.vector_load %arg6[%get3A_1939, %get3A_1940] {strides = array<i32>} : memref<80x64xf32, #tpu.memory_space<vmem>>, vector<1x16xf32>,
      %get3A_1942 = vector.shape_cast %get3A_1941 : vector<1x16xf32> to vector<16xf32>
      %add3A_1943 = arith.addf %add3A_1937, %get3A_1942 : vector<16xf32>
      %get3A_1944 = arith.constant 75 : i32
      %get3A_1945 = arith.index_cast %get3A_1944 : i32 to index
      %get3A_1946 = arith.constant 32 : index
      %get3A_1947 = tpu.vector_load %arg6[%get3A_1945, %get3A_1946] {strides = array<i32>} : memref<80x64xf32, #tpu.memory_space<vmem>>, vector<1x16xf32>,
      %get3A_1948 = vector.shape_cast %get3A_1947 : vector<1x16xf32> to vector<16xf32>
      %add3A_1949 = arith.addf %add3A_1943, %get3A_1948 : vector<16xf32>
      %get3A_1950 = arith.constant 76 : i32
      %get3A_1951 = arith.index_cast %get3A_1950 : i32 to index
      %get3A_1952 = arith.constant 32 : index
      %get3A_1953 = tpu.vector_load %arg6[%get3A_1951, %get3A_1952] {strides = array<i32>} : memref<80x64xf32, #tpu.memory_space<vmem>>, vector<1x16xf32>,
      %get3A_1954 = vector.shape_cast %get3A_1953 : vector<1x16xf32> to vector<16xf32>
      %add3A_1955 = arith.addf %add3A_1949, %get3A_1954 : vector<16xf32>
      %get3A_1956 = arith.constant 77 : i32
      %get3A_1957 = arith.index_cast %get3A_1956 : i32 to index
      %get3A_1958 = arith.constant 32 : index
      %get3A_1959 = tpu.vector_load %arg6[%get3A_1957, %get3A_1958] {strides = array<i32>} : memref<80x64xf32, #tpu.memory_space<vmem>>, vector<1x16xf32>,
      %get3A_1960 = vector.shape_cast %get3A_1959 : vector<1x16xf32> to vector<16xf32>
      %add3A_1961 = arith.addf %add3A_1955, %get3A_1960 : vector<16xf32>
      %get3A_1962 = arith.constant 78 : i32
      %get3A_1963 = arith.index_cast %get3A_1962 : i32 to index
      %get3A_1964 = arith.constant 32 : index
      %get3A_1965 = tpu.vector_load %arg6[%get3A_1963, %get3A_1964] {strides = array<i32>} : memref<80x64xf32, #tpu.memory_space<vmem>>, vector<1x16xf32>,
      %get3A_1966 = vector.shape_cast %get3A_1965 : vector<1x16xf32> to vector<16xf32>
      %add3A_1967 = arith.addf %add3A_1961, %get3A_1966 : vector<16xf32>
      %get3A_1968 = arith.constant 79 : i32
      %get3A_1969 = arith.index_cast %get3A_1968 : i32 to index
      %get3A_1970 = arith.constant 32 : index
      %get3A_1971 = tpu.vector_load %arg6[%get3A_1969, %get3A_1970] {strides = array<i32>} : memref<80x64xf32, #tpu.memory_space<vmem>>, vector<1x16xf32>,
      %get3A_1972 = vector.shape_cast %get3A_1971 : vector<1x16xf32> to vector<16xf32>
      %add3A_1973 = arith.addf %add3A_1967, %get3A_1972 : vector<16xf32>
      %mul3A_1974 = arith.constant 5.000000e-02 : f32
      %mul3A_1975 = vector.broadcast %mul3A_1974 : f32 to vector<16xf32>
      %mul3A_1976 = arith.mulf %add3A_1973, %mul3A_1975 : vector<16xf32>
      %mul3A_1977 = arith.constant 4 : i32
      %mul3A_1978 = arith.muli %scan3A_11, %mul3A_1977 : i32
      %add3A_1979 = arith.constant 3 : i32
      %add3A_1980 = arith.addi %mul3A_1978, %add3A_1979 : i32
      %swap3A_1981 = arith.index_cast %add3A_1980 : i32 to index
      %swap3A_1982 = arith.constant 32 : index
      %swap3A_1983 = tpu.vector_load %arg7[%swap3A_1981, %swap3A_1982] {strides = array<i32>} : memref<128x64xf32, #tpu.memory_space<vmem>>, vector<1x16xf32>,
      %swap3A_1984 = vector.shape_cast %swap3A_1983 : vector<1x16xf32> to vector<16xf32>
      %swap3A_1985 = vector.shape_cast %mul3A_1976 : vector<16xf32> to vector<1x16xf32>
      tpu.vector_store %arg7[%swap3A_1981, %swap3A_1982], %swap3A_1985 {strides = array<i32>} : memref<128x64xf32, #tpu.memory_space<vmem>>, vector<1x16xf32>,
      %get3A_1986 = arith.constant 60 : i32
      %get3A_1987 = arith.index_cast %get3A_1986 : i32 to index
      %get3A_1988 = arith.constant 48 : index
      %get3A_1989 = tpu.vector_load %arg6[%get3A_1987, %get3A_1988] {strides = array<i32>} : memref<80x64xf32, #tpu.memory_space<vmem>>, vector<1x16xf32>,
      %get3A_1990 = vector.shape_cast %get3A_1989 : vector<1x16xf32> to vector<16xf32>
      %get3A_1991 = arith.constant 61 : i32
      %get3A_1992 = arith.index_cast %get3A_1991 : i32 to index
      %get3A_1993 = arith.constant 48 : index
      %get3A_1994 = tpu.vector_load %arg6[%get3A_1992, %get3A_1993] {strides = array<i32>} : memref<80x64xf32, #tpu.memory_space<vmem>>, vector<1x16xf32>,
      %get3A_1995 = vector.shape_cast %get3A_1994 : vector<1x16xf32> to vector<16xf32>
      %add3A_1996 = arith.addf %get3A_1990, %get3A_1995 : vector<16xf32>
      %get3A_1997 = arith.constant 62 : i32
      %get3A_1998 = arith.index_cast %get3A_1997 : i32 to index
      %get3A_1999 = arith.constant 48 : index
      %get3A_2000 = tpu.vector_load %arg6[%get3A_1998, %get3A_1999] {strides = array<i32>} : memref<80x64xf32, #tpu.memory_space<vmem>>, vector<1x16xf32>,
      %get3A_2001 = vector.shape_cast %get3A_2000 : vector<1x16xf32> to vector<16xf32>
      %add3A_2002 = arith.addf %add3A_1996, %get3A_2001 : vector<16xf32>
      %get3A_2003 = arith.constant 63 : i32
      %get3A_2004 = arith.index_cast %get3A_2003 : i32 to index
      %get3A_2005 = arith.constant 48 : index
      %get3A_2006 = tpu.vector_load %arg6[%get3A_2004, %get3A_2005] {strides = array<i32>} : memref<80x64xf32, #tpu.memory_space<vmem>>, vector<1x16xf32>,
      %get3A_2007 = vector.shape_cast %get3A_2006 : vector<1x16xf32> to vector<16xf32>
      %add3A_2008 = arith.addf %add3A_2002, %get3A_2007 : vector<16xf32>
      %get3A_2009 = arith.constant 64 : i32
      %get3A_2010 = arith.index_cast %get3A_2009 : i32 to index
      %get3A_2011 = arith.constant 48 : index
      %get3A_2012 = tpu.vector_load %arg6[%get3A_2010, %get3A_2011] {strides = array<i32>} : memref<80x64xf32, #tpu.memory_space<vmem>>, vector<1x16xf32>,
      %get3A_2013 = vector.shape_cast %get3A_2012 : vector<1x16xf32> to vector<16xf32>
      %add3A_2014 = arith.addf %add3A_2008, %get3A_2013 : vector<16xf32>
      %get3A_2015 = arith.constant 65 : i32
      %get3A_2016 = arith.index_cast %get3A_2015 : i32 to index
      %get3A_2017 = arith.constant 48 : index
      %get3A_2018 = tpu.vector_load %arg6[%get3A_2016, %get3A_2017] {strides = array<i32>} : memref<80x64xf32, #tpu.memory_space<vmem>>, vector<1x16xf32>,
      %get3A_2019 = vector.shape_cast %get3A_2018 : vector<1x16xf32> to vector<16xf32>
      %add3A_2020 = arith.addf %add3A_2014, %get3A_2019 : vector<16xf32>
      %get3A_2021 = arith.constant 66 : i32
      %get3A_2022 = arith.index_cast %get3A_2021 : i32 to index
      %get3A_2023 = arith.constant 48 : index
      %get3A_2024 = tpu.vector_load %arg6[%get3A_2022, %get3A_2023] {strides = array<i32>} : memref<80x64xf32, #tpu.memory_space<vmem>>, vector<1x16xf32>,
      %get3A_2025 = vector.shape_cast %get3A_2024 : vector<1x16xf32> to vector<16xf32>
      %add3A_2026 = arith.addf %add3A_2020, %get3A_2025 : vector<16xf32>
      %get3A_2027 = arith.constant 67 : i32
      %get3A_2028 = arith.index_cast %get3A_2027 : i32 to index
      %get3A_2029 = arith.constant 48 : index
      %get3A_2030 = tpu.vector_load %arg6[%get3A_2028, %get3A_2029] {strides = array<i32>} : memref<80x64xf32, #tpu.memory_space<vmem>>, vector<1x16xf32>,
      %get3A_2031 = vector.shape_cast %get3A_2030 : vector<1x16xf32> to vector<16xf32>
      %add3A_2032 = arith.addf %add3A_2026, %get3A_2031 : vector<16xf32>
      %get3A_2033 = arith.constant 68 : i32
      %get3A_2034 = arith.index_cast %get3A_2033 : i32 to index
      %get3A_2035 = arith.constant 48 : index
      %get3A_2036 = tpu.vector_load %arg6[%get3A_2034, %get3A_2035] {strides = array<i32>} : memref<80x64xf32, #tpu.memory_space<vmem>>, vector<1x16xf32>,
      %get3A_2037 = vector.shape_cast %get3A_2036 : vector<1x16xf32> to vector<16xf32>
      %add3A_2038 = arith.addf %add3A_2032, %get3A_2037 : vector<16xf32>
      %get3A_2039 = arith.constant 69 : i32
      %get3A_2040 = arith.index_cast %get3A_2039 : i32 to index
      %get3A_2041 = arith.constant 48 : index
      %get3A_2042 = tpu.vector_load %arg6[%get3A_2040, %get3A_2041] {strides = array<i32>} : memref<80x64xf32, #tpu.memory_space<vmem>>, vector<1x16xf32>,
      %get3A_2043 = vector.shape_cast %get3A_2042 : vector<1x16xf32> to vector<16xf32>
      %add3A_2044 = arith.addf %add3A_2038, %get3A_2043 : vector<16xf32>
      %get3A_2045 = arith.constant 70 : i32
      %get3A_2046 = arith.index_cast %get3A_2045 : i32 to index
      %get3A_2047 = arith.constant 48 : index
      %get3A_2048 = tpu.vector_load %arg6[%get3A_2046, %get3A_2047] {strides = array<i32>} : memref<80x64xf32, #tpu.memory_space<vmem>>, vector<1x16xf32>,
      %get3A_2049 = vector.shape_cast %get3A_2048 : vector<1x16xf32> to vector<16xf32>
      %add3A_2050 = arith.addf %add3A_2044, %get3A_2049 : vector<16xf32>
      %get3A_2051 = arith.constant 71 : i32
      %get3A_2052 = arith.index_cast %get3A_2051 : i32 to index
      %get3A_2053 = arith.constant 48 : index
      %get3A_2054 = tpu.vector_load %arg6[%get3A_2052, %get3A_2053] {strides = array<i32>} : memref<80x64xf32, #tpu.memory_space<vmem>>, vector<1x16xf32>,
      %get3A_2055 = vector.shape_cast %get3A_2054 : vector<1x16xf32> to vector<16xf32>
      %add3A_2056 = arith.addf %add3A_2050, %get3A_2055 : vector<16xf32>
      %get3A_2057 = arith.constant 72 : i32
      %get3A_2058 = arith.index_cast %get3A_2057 : i32 to index
      %get3A_2059 = arith.constant 48 : index
      %get3A_2060 = tpu.vector_load %arg6[%get3A_2058, %get3A_2059] {strides = array<i32>} : memref<80x64xf32, #tpu.memory_space<vmem>>, vector<1x16xf32>,
      %get3A_2061 = vector.shape_cast %get3A_2060 : vector<1x16xf32> to vector<16xf32>
      %add3A_2062 = arith.addf %add3A_2056, %get3A_2061 : vector<16xf32>
      %get3A_2063 = arith.constant 73 : i32
      %get3A_2064 = arith.index_cast %get3A_2063 : i32 to index
      %get3A_2065 = arith.constant 48 : index
      %get3A_2066 = tpu.vector_load %arg6[%get3A_2064, %get3A_2065] {strides = array<i32>} : memref<80x64xf32, #tpu.memory_space<vmem>>, vector<1x16xf32>,
      %get3A_2067 = vector.shape_cast %get3A_2066 : vector<1x16xf32> to vector<16xf32>
      %add3A_2068 = arith.addf %add3A_2062, %get3A_2067 : vector<16xf32>
      %get3A_2069 = arith.constant 74 : i32
      %get3A_2070 = arith.index_cast %get3A_2069 : i32 to index
      %get3A_2071 = arith.constant 48 : index
      %get3A_2072 = tpu.vector_load %arg6[%get3A_2070, %get3A_2071] {strides = array<i32>} : memref<80x64xf32, #tpu.memory_space<vmem>>, vector<1x16xf32>,
      %get3A_2073 = vector.shape_cast %get3A_2072 : vector<1x16xf32> to vector<16xf32>
      %add3A_2074 = arith.addf %add3A_2068, %get3A_2073 : vector<16xf32>
      %get3A_2075 = arith.constant 75 : i32
      %get3A_2076 = arith.index_cast %get3A_2075 : i32 to index
      %get3A_2077 = arith.constant 48 : index
      %get3A_2078 = tpu.vector_load %arg6[%get3A_2076, %get3A_2077] {strides = array<i32>} : memref<80x64xf32, #tpu.memory_space<vmem>>, vector<1x16xf32>,
      %get3A_2079 = vector.shape_cast %get3A_2078 : vector<1x16xf32> to vector<16xf32>
      %add3A_2080 = arith.addf %add3A_2074, %get3A_2079 : vector<16xf32>
      %get3A_2081 = arith.constant 76 : i32
      %get3A_2082 = arith.index_cast %get3A_2081 : i32 to index
      %get3A_2083 = arith.constant 48 : index
      %get3A_2084 = tpu.vector_load %arg6[%get3A_2082, %get3A_2083] {strides = array<i32>} : memref<80x64xf32, #tpu.memory_space<vmem>>, vector<1x16xf32>,
      %get3A_2085 = vector.shape_cast %get3A_2084 : vector<1x16xf32> to vector<16xf32>
      %add3A_2086 = arith.addf %add3A_2080, %get3A_2085 : vector<16xf32>
      %get3A_2087 = arith.constant 77 : i32
      %get3A_2088 = arith.index_cast %get3A_2087 : i32 to index
      %get3A_2089 = arith.constant 48 : index
      %get3A_2090 = tpu.vector_load %arg6[%get3A_2088, %get3A_2089] {strides = array<i32>} : memref<80x64xf32, #tpu.memory_space<vmem>>, vector<1x16xf32>,
      %get3A_2091 = vector.shape_cast %get3A_2090 : vector<1x16xf32> to vector<16xf32>
      %add3A_2092 = arith.addf %add3A_2086, %get3A_2091 : vector<16xf32>
      %get3A_2093 = arith.constant 78 : i32
      %get3A_2094 = arith.index_cast %get3A_2093 : i32 to index
      %get3A_2095 = arith.constant 48 : index
      %get3A_2096 = tpu.vector_load %arg6[%get3A_2094, %get3A_2095] {strides = array<i32>} : memref<80x64xf32, #tpu.memory_space<vmem>>, vector<1x16xf32>,
      %get3A_2097 = vector.shape_cast %get3A_2096 : vector<1x16xf32> to vector<16xf32>
      %add3A_2098 = arith.addf %add3A_2092, %get3A_2097 : vector<16xf32>
      %get3A_2099 = arith.constant 79 : i32
      %get3A_2100 = arith.index_cast %get3A_2099 : i32 to index
      %get3A_2101 = arith.constant 48 : index
      %get3A_2102 = tpu.vector_load %arg6[%get3A_2100, %get3A_2101] {strides = array<i32>} : memref<80x64xf32, #tpu.memory_space<vmem>>, vector<1x16xf32>,
      %get3A_2103 = vector.shape_cast %get3A_2102 : vector<1x16xf32> to vector<16xf32>
      %add3A_2104 = arith.addf %add3A_2098, %get3A_2103 : vector<16xf32>
      %mul3A_2105 = arith.constant 5.000000e-02 : f32
      %mul3A_2106 = vector.broadcast %mul3A_2105 : f32 to vector<16xf32>
      %mul3A_2107 = arith.mulf %add3A_2104, %mul3A_2106 : vector<16xf32>
      %mul3A_2108 = arith.constant 4 : i32
      %mul3A_2109 = arith.muli %scan3A_11, %mul3A_2108 : i32
      %add3A_2110 = arith.constant 3 : i32
      %add3A_2111 = arith.addi %mul3A_2109, %add3A_2110 : i32
      %swap3A_2112 = arith.index_cast %add3A_2111 : i32 to index
      %swap3A_2113 = arith.constant 48 : index
      %swap3A_2114 = tpu.vector_load %arg7[%swap3A_2112, %swap3A_2113] {strides = array<i32>} : memref<128x64xf32, #tpu.memory_space<vmem>>, vector<1x16xf32>,
      %swap3A_2115 = vector.shape_cast %swap3A_2114 : vector<1x16xf32> to vector<16xf32>
      %swap3A_2116 = vector.shape_cast %mul3A_2107 : vector<16xf32> to vector<1x16xf32>
      tpu.vector_store %arg7[%swap3A_2112, %swap3A_2113], %swap3A_2116 {strides = array<i32>} : memref<128x64xf32, #tpu.memory_space<vmem>>, vector<1x16xf32>,
      %scan3A_2117 = arith.constant 0 : i32
      scf.yield %scan3A_2117 : i32
    }
    %scan3A_8 = arith.constant 32 : i32
    %mul3A_9 = arith.constant 128 : i32
    %mul3A_10 = arith.muli %add3A, %mul3A_9 : i32
    "tpu.region"() ({
      %run_scoped3A = tpu.sem_alloc : memref<!tpu.dma_semaphore, #tpu.memory_space<semaphore_mem>>
      %dma_start3A = arith.constant 0 : i32
      %dma_start3A_11 = tpu.memref_slice %arg4[%mul3A_10, %dma_start3A] : memref<4096x64xf32, #tpu.memory_space<hbm>> -> memref<128x64xf32, #tpu.memory_space<hbm>>
      %dma_start3A_12 = arith.constant 0 : i32
      %dma_start3A_13 = tpu.memref_slice %arg4[%mul3A_10, %dma_start3A_12] : memref<4096x64xf32, #tpu.memory_space<hbm>> -> memref<128x64xf32, #tpu.memory_space<hbm>>
      tpu.enqueue_dma source(%arg7 : memref<128x64xf32, #tpu.memory_space<vmem>>) target(%dma_start3A_13 : memref<128x64xf32, #tpu.memory_space<hbm>>) target_semaphore(%run_scoped3A : memref<!tpu.dma_semaphore, #tpu.memory_space<semaphore_mem>>)
      %dma_wait3A = arith.constant 0 : i32
      %dma_wait3A_14 = tpu.memref_slice %arg4[%mul3A_10, %dma_wait3A] : memref<4096x64xf32, #tpu.memory_space<hbm>> -> memref<128x64xf32, #tpu.memory_space<hbm>>
      %dma_wait3A_15 = arith.constant 0 : i32
      %dma_wait3A_16 = tpu.memref_slice %arg4[%mul3A_10, %dma_wait3A_15] : memref<4096x64xf32, #tpu.memory_space<hbm>> -> memref<128x64xf32, #tpu.memory_space<hbm>>
      tpu.wait_dma2 semaphore(%run_scoped3A : memref<!tpu.dma_semaphore, #tpu.memory_space<semaphore_mem>>) src(%arg7 : memref<128x64xf32, #tpu.memory_space<vmem>>) dst(%dma_wait3A_16 : memref<128x64xf32, #tpu.memory_space<hbm>>)
      tpu.yield
    }) : () -> ()
    return
  }
}

module attributes {stable_mosaic.version = 14 : i64} {
  func.func @body(%arg0: i32, %arg1: memref<4096x64xf32, #tpu.memory_space<vmem>>, %arg2: memref<512x64xf32, #tpu.memory_space<vmem>>, %arg3: memref<1x512xf32, #tpu.memory_space<vmem>>, %arg4: memref<4096x512xf32, #tpu.memory_space<vmem>>) attributes {dimension_semantics = [#tpu.dimension_semantics<arbitrary>], iteration_bounds = array<i64: 196>, scalar_prefetch = 0 : i64, scratch_operands = 0 : i64, tpu.core_type = #tpu.core_type<tc>, window_params = [{pipeline_mode = #tpu.pipeline_mode<synchronous>, transform_indices = @transform_0, window_bounds = array<i64: 4096, 64>}, {transform_indices = @transform_1, window_bounds = array<i64: 512, 64>}, {transform_indices = @transform_2, window_bounds = array<i64: 1, 512>}, {transform_indices = @transform_3, window_bounds = array<i64: 4096, 512>}]} {
    %get3A = arith.constant 0 : index
    %get3A_0 = arith.constant 0 : index
    %get3A_1 = vector.load %arg1[%get3A, %get3A_0] : memref<4096x64xf32, #tpu.memory_space<vmem>>, vector<4096x64xf32>
    %get3A_2 = arith.constant 0 : index
    %get3A_3 = arith.constant 0 : index
    %get3A_4 = vector.load %arg2[%get3A_2, %get3A_3] : memref<512x64xf32, #tpu.memory_space<vmem>>, vector<512x64xf32>
    %dot_general3A = arith.constant dense<0.000000e+00> : vector<4096x512xf32>
    %dot_general3A_5 = tpu.matmul %get3A_1, %get3A_4, %dot_general3A {dimension_numbers = #tpu.dot_dimension_numbers<[1], [1], [0], [0], [0, 0, 1, 0], [], []>, precision = #tpu.contract_precision<fp32>, transpose_lhs_hint = false} : vector<4096x64xf32>, vector<512x64xf32>, vector<4096x512xf32> -> vector<4096x512xf32>
    %get3A_6 = arith.constant 0 : index
    %get3A_7 = arith.constant 0 : index
    %get3A_8 = vector.load %arg3[%get3A_6, %get3A_7] : memref<1x512xf32, #tpu.memory_space<vmem>>, vector<1x512xf32>
    %add3A = vector.broadcast %get3A_8 : vector<1x512xf32> to vector<4096x512xf32>
    %add3A_9 = arith.addf %dot_general3A_5, %add3A : vector<4096x512xf32>
    %swap3A = arith.constant 0 : index
    %swap3A_10 = arith.constant 0 : index
    %swap3A_11 = vector.load %arg4[%swap3A, %swap3A_10] : memref<4096x512xf32, #tpu.memory_space<vmem>>, vector<4096x512xf32>
    tpu.vector_store %arg4[%swap3A, %swap3A_10], %add3A_9 {strides = array<i32>} : memref<4096x512xf32, #tpu.memory_space<vmem>>, vector<4096x512xf32>,
    return
  }
  func.func @transform_0(%arg0: i32) -> (i32, i32) {
    %c0_i32 = arith.constant 0 : i32
    %c0_i32_0 = arith.constant 0 : i32
    %c0_i32_1 = arith.constant 0 : i32
    return %c0_i32, %c0_i32_0 : i32, i32
  }
  func.func @transform_1(%arg0: i32) -> (i32, i32) {
    %c0_i32 = arith.constant 0 : i32
    %c0_i32_0 = arith.constant 0 : i32
    return %arg0, %c0_i32 : i32, i32
  }
  func.func @transform_2(%arg0: i32) -> (i32, i32) {
    %c0_i32 = arith.constant 0 : i32
    %c0_i32_0 = arith.constant 0 : i32
    return %c0_i32, %arg0 : i32, i32
  }
  func.func @transform_3(%arg0: i32) -> (i32, i32) {
    %c0_i32 = arith.constant 0 : i32
    %c0_i32_0 = arith.constant 0 : i32
    return %c0_i32, %arg0 : i32, i32
  }
}

</mosaic_0001>

<sc_bundles>
// kernel: kernel.4.cloned.1.call-start
scs
__scs_entry_jumppad:
0x0: {  	(pc) =	sbr.rel $0x88, $3  }
0x1: {  	(tag) =	ssettag $0x0;
	lr =	simm.s32 $0x1  }
0x2: {  	[smem:$0x3F9D] =	sst lr;
	_ =	strace $0xD0000000  }
0x3: {  	_ = 	snop  }
0x4: {  	_ = 	snop  }
0x5: {  	_ = 	snop  }
0x6: {  	_ = 	snop  }
0x7: {  	_ = 	snop  }
__scs_overlays_trampoline_lowered:
0x8: {  	[smem:$0x3FAC] =	sst s0  }
0x9: {  	[smem:$0x3FAD] =	sst s1  }
0xa: {  	[smem:$0x3FAE] =	sst s2  }
0xb: {  	[smem:$0x3FAF] =	sst s3  }
0xc: {  	[smem:$0x3FB0] =	sst s4  }
0xd: {  	[smem:$0x3FB1] =	sst s5  }
0xe: {  	[smem:$0x3FB2] =	sst s6  }
0xf: {  	[smem:$0x3FB3] =	sst s7  }
0x10: {  	[smem:$0x3FB4] =	sst s8  }
0x11: {  	[smem:$0x3FB5] =	sst s9;
	s0 =	simm.s32 @!p0 $0x0  }
0x12: {  	s1 =	sld [smem:$0x3F9B];
	s0 =	simm.s32 @p0 $0x1  }
0x13: {  	[smem:$0x3FB6] =	sst s0;
	s0 =	simm.s32 @!p1 $0x0  }
0x14: {  	s2 =	sld [smem:$0x3F9A];
	s0 =	simm.s32 @p1 $0x1  }
0x15: {  	[smem:$0x3FB7] =	sst s0;
	s0 =	simm.s32 @!p2 $0x0  }
0x16: {  	s3 =	sld [smem:$0x3FDB];
	s0 =	simm.s32 @p2 $0x1  }
0x17: {  	s4 =	simm.s32 $0x1BF5;
	[smem:$0x3FB9] =	sst s0  }
0x18: {  	s0 =	sld [smem:$0x3F9C];
	_ =	swait.ge [sflag:s4], $0x0  }
0x19: {  	s7 =	sld [smem:$0x3F9D]  }
0x1a: {  	s8 =	sadd.s32 $0xFFFFE003, lr  }
0x1b: {  	s9 =	sadd.s32 $0xFFFFFEF7, lr;
	s5 =	simm.s32 $0xFFFFFFFF;
	p2 =	slt.u32 s8, $0xFFFFF086  }
0x1c: {  	p1 =	slt.u32 s9, $0xF7A;
	s5 =	simm.s32 @!p2 $0x0  }
0x1d: {  	s5 =	simm.s32 @p1 $0x1;
	p0 =	seq.s32 s7, s2  }
0x1e: {  	s7 =	smul.u32 @!p0 $0xF7A, s2;
	p2 =	seq.s32 @!p0 s5, $0x0  }
0x1f: {  	s9 =	smul.u32 $0xF7A, s1;
	s8 =	simm.s32 @!p0 $0x1BF5;
	p2 =	por !p2, p0  }
0x20: {  	[sflag:s8] =	ssyncset.s32 @!p0 $0xFFFFF086;
	s6 =	sadd.s32 @!p0 s3, s7;
	s7 =	simm.s32 @!p0 $0x108  }
0x21: {  	s3 =	sadd.s32 s3, s9;
	s6 =	sadd.s32 @!p0 $0x88, s6;
	s7 =	simm.s32 @p2 $0x1082  }
0x22: {  	[simem:s7], [sflag:s8] =	dma.local @!p0 [hbm:s6], $0xF7A  }
0x23: {  	s9 =	sor.u32 $0xD0000000, s2;
	s6 =	simm.s32 $0x108;
	_ =	swait.ge @!p0 [sflag:s8], $0x0  }
0x24: {  	s3 =	sadd.s32 $0x88, s3;
	s6 =	simm.s32 @!p1 $0x1082;
	[sflag:s4] =	ssyncset.s32 $0xFFFFF086  }
0x25: {  	[simem:s6], [sflag:s4] =	dma.local [hbm:s3], $0xF7A  }
0x26: {  	[smem:$0x3F9D] =	sst s1;
	(tag) =	ssettag s2;
	_ =	strace s9  }
0x27: {  	s1 =	sld [smem:$0x3FAD]  }
0x28: {  	s2 =	sld [smem:$0x3FAE]  }
0x29: {  	s4 =	sld [smem:$0x3FB0]  }
0x2a: {  	p0 =	seq.s32 s5, $0x0;
	s5 =	sld [smem:$0x3FB1]  }
0x2b: {  	s6 =	sld [smem:$0x3FB2]  }
0x2c: {  	s7 =	sld [smem:$0x3FB3]  }
0x2d: {  	s3 =	simm.s32 $0x108;
	s8 =	sld [smem:$0x3FB4]  }
0x2e: {  	s3 =	simm.s32 @!p0 $0x1082;
	s9 =	sld [smem:$0x3FB5]  }
0x2f: {  	lr =	sadd.s32 s0, s3;
	s0 =	sld [smem:$0x3FAC]  }
0x30: {  	s3 =	sld [smem:$0x3FAF]  }
0x31: {  	[smem:$0x3FB8] =	sst s10  }
0x32: {  	s10 =	sld [smem:$0x3FB6];
	_ =	sdelay $0x3  }
0x33: {  	p0 =	seq.s32 s10, $0x1;
	s10 =	sld [smem:$0x3FB8];
	_ =	sdelay $0x3  }
0x34: {  	[smem:$0x3FB8] =	sst s10  }
0x35: {  	s10 =	sld [smem:$0x3FB7];
	_ =	sdelay $0x3  }
0x36: {  	p1 =	seq.s32 s10, $0x1;
	s10 =	sld [smem:$0x3FB8];
	_ =	sdelay $0x3  }
0x37: {  	[smem:$0x3FB8] =	sst s10  }
0x38: {  	s10 =	sld [smem:$0x3FB9]  }
0x39: {  	_ = 	snop;
	(pc) =	sbr.ind lr, $3  }
0x3a: {  	_ = 	snop  }
0x3b: {  	_ = 	snop  }
0x3c: {  	p2 =	seq.s32 s10, $0x1;
	s10 =	sld [smem:$0x3FB8]  }
0x3d: {  	_ =	shalt  }
0x3e: {  	_ =	shalt  }
0x3f: {  	_ =	shalt  }
0x40: {  	_ =	shalt  }
0x41: {  	_ =	shalt  }
0x42: {  	_ =	shalt  }
0x43: {  	_ =	shalt  }
0x44: {  	_ =	shalt  }
0x45: {  	_ =	shalt  }
0x46: {  	_ =	shalt  }
0x47: {  	_ =	shalt  }
0x48: {  	_ =	shalt  }
0x49: {  	_ =	shalt  }
0x4a: {  	_ =	shalt  }
0x4b: {  	_ =	shalt  }
0x4c: {  	_ =	shalt  }
0x4d: {  	_ =	shalt  }
0x4e: {  	_ =	shalt  }
0x4f: {  	_ =	shalt  }
0x50: {  	_ =	shalt  }
0x51: {  	_ =	shalt  }
0x52: {  	_ =	shalt  }
0x53: {  	_ =	shalt  }
0x54: {  	_ =	shalt  }
0x55: {  	_ =	shalt  }
0x56: {  	_ =	shalt  }
0x57: {  	_ =	shalt  }
0x58: {  	_ =	shalt  }
0x59: {  	_ =	shalt  }
0x5a: {  	_ =	shalt  }
0x5b: {  	_ =	shalt  }
0x5c: {  	_ =	shalt  }
0x5d: {  	_ =	shalt  }
0x5e: {  	_ =	shalt  }
0x5f: {  	_ =	shalt  }
0x60: {  	_ =	shalt  }
0x61: {  	_ =	shalt  }
0x62: {  	_ =	shalt  }
0x63: {  	_ =	shalt  }
0x64: {  	_ =	shalt  }
0x65: {  	_ =	shalt  }
0x66: {  	_ =	shalt  }
0x67: {  	_ =	shalt  }
0x68: {  	_ =	shalt  }
0x69: {  	_ =	shalt  }
0x6a: {  	_ =	shalt  }
0x6b: {  	_ =	shalt  }
0x6c: {  	_ =	shalt  }
0x6d: {  	_ =	shalt  }
0x6e: {  	_ =	shalt  }
0x6f: {  	_ =	shalt  }
0x70: {  	_ =	shalt  }
0x71: {  	_ =	shalt  }
0x72: {  	_ =	shalt  }
0x73: {  	_ =	shalt  }
0x74: {  	_ =	shalt  }
0x75: {  	_ =	shalt  }
0x76: {  	_ =	shalt  }
0x77: {  	_ =	shalt  }
0x78: {  	_ =	shalt  }
0x79: {  	_ =	shalt  }
0x7a: {  	_ =	shalt  }
0x7b: {  	_ =	shalt  }
0x7c: {  	_ =	shalt  }
0x7d: {  	_ =	shalt  }
0x7e: {  	_ =	shalt  }
0x7f: {  	_ =	shalt  }
0x80: {  	_ =	shalt  }
0x81: {  	_ =	shalt  }
0x82: {  	_ =	shalt  }
0x83: {  	_ =	shalt  }
0x84: {  	_ =	shalt  }
0x85: {  	_ =	shalt  }
0x86: {  	_ =	shalt  }
0x87: {  	_ =	shalt  }
.Lfunc_end0:
.L_simem_size_0:
called_computation_lowered:
.L_overlay_start_0:
0x88: {  	s2 =	sld [smem:$0x3FD9]  }
0x89: {  	s3 =	sld [smem:$0x3FFE];
	_ =	sdelay $0x1  }
0x8a: {  	s1 =	srdreg.scid  }
0x8b: {  	s0 =	sand.u32 $0x1, s1  }
0x8c: {  	s16 =	sshll.u32 s0, $0xA;
	s2 =	sadd.s32 s3, s2  }
0x8d: {  	s2 =	sadd.s32 s2, s16  }
0x8e: {  	[smem:$0x3FC4] =	sst s2  }
0x8f: {  	_ = 	snop  }
0x90: {  	(tm) =	ssettm $0x1  }
0x91: {  	s17 =	sld [smem:$0x3FFB];
	_ =	sdelay $0x3  }
0x92: {  	_ =	strace s17  }
0x93: {  	s2 =	sld [smem:$0x3FFC];
	_ =	sdelay $0x3  }
0x94: {  	_ =	strace s2  }
0x95: {  	s2 =	sld [smem:$0x3FFD];
	_ =	sdelay $0x3  }
0x96: {  	_ =	strace s2  }
0x97: {  	_ =	strace $0x8FFFFFFF  }
0x98: {  	s18 =	sld [smem:$0x3FDB];
	_ =	sdelay $0x1  }
0x99: {  	s19 =	simm.s32 $_scs_section_size  }
0x9a: {  	s4 =	simm.s32 $_size__tile_overlayer_lowered;
	s5 =	simm.s32 $_tile_overlayer_lowered  }
0x9b: {  	s22 =	simm.s32 $0x1BFF;
	s21 =	sshll.u32 s5, $0x1;
	s2 =	sadd.s32 s19, s18  }
0x9c: {  	s6 =	simm.s32 $0x0;
	s20 =	sshll.u32 s4, $0x1;
	s4 =	sadd.s32 s21, s2  }
0x9d: {  	[timem:s6], [sflag:s22] =	dma.local [hbm:s4], s20  }
0x9e: {  	_ =	swait.ge [sflag:s22], s20  }
0x9f: {  	s3 =	ssub.s32 $0x0, s20;
	[sflag:s22] =	ssyncset.done $0x0  }
0xa0: {  	[sflag:s22] =	ssyncadd.s32 s3;
	_ =	sdelay $0x1  }
0xa1: {  	s23 =	simm.s32 $0x1B8B  }
0xa2: {  	_ =	swait.ge [sflag:s23], $0x1  }
0xa3: {  	[sflag:s23] =	ssyncset.done $0x0  }
0xa4: {  	s25 =	simm.s32 $0x1B8E;
	s24 =	sld [smem:$0x3FFE];
	[sflag:s23] =	ssyncadd.s32 $0xFFFFFFFF  }
0xa5: {  	s26 =	simm.s32 $execute0_lowered;
	[smem:$0x3FD2] =	sst s25  }
0xa6: {  	s4 =	sshll.u32 s26, $0x1;
	_ =	strace $0x80000046;
	[dreg:$0x1] =	wrdreg $0xFFFFFFFF  }
0xa7: {  	s28 =	simm.s32 $_size_execute0_lowered;
	s2 =	sadd.s32 s2, s4;
	[dreg:$0x0] =	wrdreg $0x0  }
0xa8: {  	s4 =	sshll.u32 s28, $0x1;
	[dreg:$0x2] =	wrdreg s2  }
0xa9: {  	[dreg:$0x3] =	wrdreg s4  }
0xaa: {  	[dreg:$0x4] =	wrdreg $0xC0  }
0xab: {  	_ =	task [dreg:s6], $0x5FFFF  }
0xac: {  	[dreg:$0x1] =	wrdreg $0xFFFFFFFF  }
0xad: {  	[dreg:$0x0] =	wrdreg $0x60  }
0xae: {  	[dreg:$0x2] =	wrdreg s24  }
0xaf: {  	[dreg:$0x3] =	wrdreg $0x9  }
0xb0: {  	_ =	task.clear_ibuf [dreg:s6], $0x4FFFF;
	_ =	strace $0x90000046  }
0xb1: {  	s29 =	simm.s32 $0x9;
	_ =	strace $0x80000048  }
0xb2: {  	_ =	swait.ge [sflag:s29], $0x1  }
0xb3: {  	[sflag:s29] =	ssyncadd.s32 $0xFFFFFFFF  }
0xb4: {  	_ =	strace $0x90000048  }
0xb5: {  	_ =	sfence  }
0xb6: {  	s30 =	sld [smem:$0x0];
	_ =	sdelay $0x2  }
0xb7: {  	s31 =	sshll.u32 s1, $0xD;
	s1 =	sshrl.u32 s1, $0x2  }
0xb8: {  	s3 =	sand.u32 $0x4000, s31;
	s1 =	sadd.s32 s1, s30  }
0xb9: {  	s0 =	sor.u32 s3, s0;
	s1 =	sshll.u32 s1, $0x11  }
0xba: {  	s0 =	sor.u32 s1, s0  }
0xbb: {  	s0 =	sadd.s32 $0x8F2B, s0  }
0xbc: {  	[sflag:s0] =	ssyncadd.remote.s32 $0x1  }
0xbd: {  	_ =	sfence.sel $0xFFFF  }
0xbe: {  	[dreg:$0x0] =	wrdreg $0xFFFFFFFF;
	(pc) =	sbr.abs _section_cstart, $3  }
0xbf: {  	[dreg:$0x1] =	wrdreg $0xFFFFFFFF  }
0xc0: {  	_ =	task.clear_ibuf [dreg:s6], $0x2FFFF;
	_ =	strace $0x9FFFFFFF  }
0xc1: {  	(tm) =	ssettm $0x7FFFFFFF  }
tec
execute0_lowered:
.L_overlay_start_1:
0x0: {  	(tag) =	ssettag $0x1  }
0x1: {  	s1 =	srdreg.scid  }
0x2: {  	s0 =	stileid.u32;
	s4 =	rddreg [dreg:$0x0]  }
0x3: {  	s2 =	simm.s32 $0x0;
	s9 =	simm.s32 $0xA00;
	s10 =	simm.s32 $0x1  }
0x4: {  	s11 =	simm.s32 $0x1E00;
	s3 =	sand.u32 $0x1, s1;
	s1 =	rddreg [dreg:$0x1]  }
0x5: {  	s12 =	simm.s32 $0x0;
	s5 =	sshll.u32 s0, $0x1;
	[smem:$0x7FF] =	sst s2  }
0x6: {  	s5 =	sor.u32 s3, s5;
	_ =	strace $0x80000047;
	s7 =	ssub.s32 $0x2, s3  }
0x7: {  	s6 =	smul.u32 $0x140, s5;
	s5 =	sshll.u32 s5, $0xA;
	s8 =	sshrl.u32 s7, $0x1  }
0x8: {  	s3 =	sadd.s32 $0x4A00, s4;
	s5 =	sadd.s32 s5, s4;
	s7 =	ssub.s32 s7, s8  }
0x9: {  	s8 =	simm.s32 $0x50;
	s6 =	sadd.s32 s6, s4;
	s5 =	sadd.s32 $0xC8000, s5  }
0xa: {  	s4 =	sadd.s32 $0x2200, s6;
	s6 =	smax.u32 s7, $0x1;
	s7 =	simm.s32 $0x2  }
.LBB2_1:
0xb: {  	[tilespmem:s2], [sflag:$0x2] =	stream.linear.gather [hbm4b:s4+s2], $0xA00, $0x38;
	[tilespmem:$0x3E00] =	vst v63  }
0xc: {  	_ =	swait.ge [sflag:s7], $0xA00  }
0xd: {  	[sflag:s7] =	ssyncset.done $0x0  }
0xe: {  	s13 =	simm.s32 $0x1E80;
	s14 =	simm.s32 $0x0;
	[sflag:s7] =	ssyncadd.s32 $0xFFFFF600  }
.LBB2_2:
0xf: {  	s15 =	sshra.s32 s14, $0x2  }
0x10: {  	[tilespmem:s9], [sflag:$0x1] =	stream.indirect.gather [hbm4b:s3+s8], $0x40, s15, s8, $0xb8;
	[tilespmem:$0x3E00] =	vst v63  }
0x11: {  	_ =	swait.ge [sflag:s10], $0x1400  }
0x12: {  	[sflag:s10] =	ssyncset.done $0x0  }
0x13: {  	[sflag:s10] =	ssyncadd.s32 $0xFFFFEC00  }
0x14: {  	v0 =	vld [tilespmem:$0xA00]  }
0x15: {  	v1 =	vld [tilespmem:$0xA40];
	_ =	sdelay $0x1  }
0x16: {  	v2 =	vld [tilespmem:$0xA80];
	_ =	sdelay $0x1  }
0x17: {  	v3 =	vld [tilespmem:$0xAC0]  }
0x18: {  	v0 =	vadd.f32 v1, v0  }
0x19: {  	v53 =	vld [tilespmem:$0xB00]  }
0x1a: {  	v0 =	vadd.f32 v2, v0  }
0x1b: {  	v54 =	vld [tilespmem:$0xB40]  }
0x1c: {  	v0 =	vadd.f32 v3, v0  }
0x1d: {  	v55 =	vld [tilespmem:$0xB80]  }
0x1e: {  	v0 =	vadd.f32 v53, v0  }
0x1f: {  	v56 =	vld [tilespmem:$0xBC0]  }
0x20: {  	v0 =	vadd.f32 v54, v0  }
0x21: {  	v57 =	vld [tilespmem:$0xC00]  }
0x22: {  	v0 =	vadd.f32 v55, v0  }
0x23: {  	v58 =	vld [tilespmem:$0xC40]  }
0x24: {  	v0 =	vadd.f32 v56, v0  }
0x25: {  	v59 =	vld [tilespmem:$0xC80]  }
0x26: {  	v0 =	vadd.f32 v57, v0  }
0x27: {  	v60 =	vld [tilespmem:$0xCC0]  }
0x28: {  	v0 =	vadd.f32 v58, v0  }
0x29: {  	v61 =	vld [tilespmem:$0xD00]  }
0x2a: {  	v0 =	vadd.f32 v59, v0  }
0x2b: {  	v62 =	vld [tilespmem:$0xD40]  }
0x2c: {  	v0 =	vadd.f32 v60, v0  }
0x2d: {  	v63 =	vld [tilespmem:$0xD80]  }
0x2e: {  	v0 =	vadd.f32 v61, v0  }
0x2f: {  	v6 =	vld [tilespmem:$0xDC0]  }
0x30: {  	v0 =	vadd.f32 v62, v0  }
0x31: {  	v7 =	vld [tilespmem:$0xE00]  }
0x32: {  	v0 =	vadd.f32 v63, v0  }
0x33: {  	v8 =	vld [tilespmem:$0xE40]  }
0x34: {  	v0 =	vadd.f32 v6, v0  }
0x35: {  	v9 =	vld [tilespmem:$0xE80]  }
0x36: {  	v0 =	vadd.f32 v7, v0  }
0x37: {  	v10 =	vld [tilespmem:$0xEC0]  }
0x38: {  	v0 =	vadd.f32 v8, v0;
	_ =	sdelay $0x1  }
0x39: {  	v0 =	vadd.f32 v9, v0;
	_ =	sdelay $0x1  }
0x3a: {  	v0 =	vadd.f32 v10, v0;
	_ =	sdelay $0x1  }
0x3b: {  	v0 =	vmul.f32 $5.000000070e-02, v0;
	_ =	sdelay $0x1  }
0x3c: {  	[tilespmem:s13+$0xFFFFFF80] =	vst v0  }
0x3d: {  	v0 =	vld [tilespmem:$0xA10]  }
0x3e: {  	v11 =	vld [tilespmem:$0xA50];
	_ =	sdelay $0x1  }
0x3f: {  	v12 =	vld [tilespmem:$0xA90];
	_ =	sdelay $0x1  }
0x40: {  	v13 =	vld [tilespmem:$0xAD0]  }
0x41: {  	v0 =	vadd.f32 v11, v0  }
0x42: {  	v14 =	vld [tilespmem:$0xB10]  }
0x43: {  	v0 =	vadd.f32 v12, v0  }
0x44: {  	v15 =	vld [tilespmem:$0xB50]  }
0x45: {  	v0 =	vadd.f32 v13, v0  }
0x46: {  	v16 =	vld [tilespmem:$0xB90]  }
0x47: {  	v0 =	vadd.f32 v14, v0  }
0x48: {  	v17 =	vld [tilespmem:$0xBD0]  }
0x49: {  	v0 =	vadd.f32 v15, v0  }
0x4a: {  	v18 =	vld [tilespmem:$0xC10]  }
0x4b: {  	v0 =	vadd.f32 v16, v0  }
0x4c: {  	v19 =	vld [tilespmem:$0xC50]  }
0x4d: {  	v0 =	vadd.f32 v17, v0  }
0x4e: {  	v20 =	vld [tilespmem:$0xC90]  }
0x4f: {  	v0 =	vadd.f32 v18, v0  }
0x50: {  	v21 =	vld [tilespmem:$0xCD0]  }
0x51: {  	v0 =	vadd.f32 v19, v0  }
0x52: {  	v22 =	vld [tilespmem:$0xD10]  }
0x53: {  	v0 =	vadd.f32 v20, v0  }
0x54: {  	v23 =	vld [tilespmem:$0xD50]  }
0x55: {  	v0 =	vadd.f32 v21, v0  }
0x56: {  	v24 =	vld [tilespmem:$0xD90]  }
0x57: {  	v0 =	vadd.f32 v22, v0  }
0x58: {  	v25 =	vld [tilespmem:$0xDD0]  }
0x59: {  	v0 =	vadd.f32 v23, v0  }
0x5a: {  	v26 =	vld [tilespmem:$0xE10]  }
0x5b: {  	v0 =	vadd.f32 v24, v0  }
0x5c: {  	v27 =	vld [tilespmem:$0xE50]  }
0x5d: {  	v0 =	vadd.f32 v25, v0  }
0x5e: {  	v28 =	vld [tilespmem:$0xE90]  }
0x5f: {  	v0 =	vadd.f32 v26, v0  }
0x60: {  	v29 =	vld [tilespmem:$0xED0]  }
0x61: {  	v0 =	vadd.f32 v27, v0;
	_ =	sdelay $0x1  }
0x62: {  	v0 =	vadd.f32 v28, v0;
	_ =	sdelay $0x1  }
0x63: {  	v0 =	vadd.f32 v29, v0;
	_ =	sdelay $0x1  }
0x64: {  	v0 =	vmul.f32 $5.000000070e-02, v0;
	_ =	sdelay $0x1  }
0x65: {  	[tilespmem:s13+$0xFFFFFF90] =	vst v0  }
0x66: {  	v0 =	vld [tilespmem:$0xA20]  }
0x67: {  	v30 =	vld [tilespmem:$0xA60];
	_ =	sdelay $0x1  }
0x68: {  	v31 =	vld [tilespmem:$0xAA0];
	_ =	sdelay $0x1  }
0x69: {  	v32 =	vld [tilespmem:$0xAE0]  }
0x6a: {  	v0 =	vadd.f32 v30, v0  }
0x6b: {  	v33 =	vld [tilespmem:$0xB20]  }
0x6c: {  	v0 =	vadd.f32 v31, v0  }
0x6d: {  	v34 =	vld [tilespmem:$0xB60]  }
0x6e: {  	v0 =	vadd.f32 v32, v0  }
0x6f: {  	v35 =	vld [tilespmem:$0xBA0]  }
0x70: {  	v0 =	vadd.f32 v33, v0  }
0x71: {  	v36 =	vld [tilespmem:$0xBE0]  }
0x72: {  	v0 =	vadd.f32 v34, v0  }
0x73: {  	v37 =	vld [tilespmem:$0xC20]  }
0x74: {  	v0 =	vadd.f32 v35, v0  }
0x75: {  	v38 =	vld [tilespmem:$0xC60]  }
0x76: {  	v0 =	vadd.f32 v36, v0  }
0x77: {  	v39 =	vld [tilespmem:$0xCA0]  }
0x78: {  	v0 =	vadd.f32 v37, v0  }
0x79: {  	v40 =	vld [tilespmem:$0xCE0]  }
0x7a: {  	v0 =	vadd.f32 v38, v0  }
0x7b: {  	v41 =	vld [tilespmem:$0xD20]  }
0x7c: {  	v0 =	vadd.f32 v39, v0  }
0x7d: {  	v42 =	vld [tilespmem:$0xD60]  }
0x7e: {  	v0 =	vadd.f32 v40, v0  }
0x7f: {  	v43 =	vld [tilespmem:$0xDA0]  }
0x80: {  	v0 =	vadd.f32 v41, v0  }
0x81: {  	v44 =	vld [tilespmem:$0xDE0]  }
0x82: {  	v0 =	vadd.f32 v42, v0  }
0x83: {  	v45 =	vld [tilespmem:$0xE20]  }
0x84: {  	v0 =	vadd.f32 v43, v0  }
0x85: {  	v46 =	vld [tilespmem:$0xE60]  }
0x86: {  	v0 =	vadd.f32 v44, v0  }
0x87: {  	v47 =	vld [tilespmem:$0xEA0]  }
0x88: {  	v0 =	vadd.f32 v45, v0  }
0x89: {  	v48 =	vld [tilespmem:$0xEE0]  }
0x8a: {  	v0 =	vadd.f32 v46, v0;
	_ =	sdelay $0x1  }
0x8b: {  	v0 =	vadd.f32 v47, v0;
	_ =	sdelay $0x1  }
0x8c: {  	v0 =	vadd.f32 v48, v0;
	_ =	sdelay $0x1  }
0x8d: {  	v0 =	vmul.f32 $5.000000070e-02, v0;
	_ =	sdelay $0x1  }
0x8e: {  	[tilespmem:s13+$0xFFFFFFA0] =	vst v0  }
0x8f: {  	v0 =	vld [tilespmem:$0xA30]  }
0x90: {  	v49 =	vld [tilespmem:$0xA70];
	_ =	sdelay $0x1  }
0x91: {  	v50 =	vld [tilespmem:$0xAB0];
	_ =	sdelay $0x1  }
0x92: {  	v51 =	vld [tilespmem:$0xAF0]  }
0x93: {  	v0 =	vadd.f32 v49, v0  }
0x94: {  	v52 =	vld [tilespmem:$0xB30]  }
0x95: {  	v0 =	vadd.f32 v50, v0  }
0x96: {  	v53 =	vld [tilespmem:$0xB70]  }
0x97: {  	v0 =	vadd.f32 v51, v0  }
0x98: {  	v54 =	vld [tilespmem:$0xBB0]  }
0x99: {  	v0 =	vadd.f32 v52, v0  }
0x9a: {  	v55 =	vld [tilespmem:$0xBF0]  }
0x9b: {  	v0 =	vadd.f32 v53, v0  }
0x9c: {  	v56 =	vld [tilespmem:$0xC30]  }
0x9d: {  	v0 =	vadd.f32 v54, v0  }
0x9e: {  	v57 =	vld [tilespmem:$0xC70]  }
0x9f: {  	v0 =	vadd.f32 v55, v0  }
0xa0: {  	v58 =	vld [tilespmem:$0xCB0]  }
0xa1: {  	v0 =	vadd.f32 v56, v0  }
0xa2: {  	v59 =	vld [tilespmem:$0xCF0]  }
0xa3: {  	v0 =	vadd.f32 v57, v0  }
0xa4: {  	v60 =	vld [tilespmem:$0xD30]  }
0xa5: {  	v0 =	vadd.f32 v58, v0  }
0xa6: {  	v61 =	vld [tilespmem:$0xD70]  }
0xa7: {  	v0 =	vadd.f32 v59, v0  }
0xa8: {  	v62 =	vld [tilespmem:$0xDB0]  }
0xa9: {  	v0 =	vadd.f32 v60, v0  }
0xaa: {  	v63 =	vld [tilespmem:$0xDF0]  }
0xab: {  	v0 =	vadd.f32 v61, v0  }
0xac: {  	v6 =	vld [tilespmem:$0xE30]  }
0xad: {  	v0 =	vadd.f32 v62, v0  }
0xae: {  	v7 =	vld [tilespmem:$0xE70]  }
0xaf: {  	v0 =	vadd.f32 v63, v0  }
0xb0: {  	v8 =	vld [tilespmem:$0xEB0]  }
0xb1: {  	v0 =	vadd.f32 v6, v0  }
0xb2: {  	v9 =	vld [tilespmem:$0xEF0]  }
0xb3: {  	v0 =	vadd.f32 v7, v0;
	_ =	sdelay $0x1  }
0xb4: {  	v0 =	vadd.f32 v8, v0;
	_ =	sdelay $0x1  }
0xb5: {  	v0 =	vadd.f32 v9, v0;
	_ =	sdelay $0x1  }
0xb6: {  	v0 =	vmul.f32 $5.000000070e-02, v0;
	_ =	sdelay $0x1  }
0xb7: {  	[tilespmem:s13+$0xFFFFFFB0] =	vst v0  }
0xb8: {  	v0 =	vld [tilespmem:$0xF00]  }
0xb9: {  	v10 =	vld [tilespmem:$0xF40];
	_ =	sdelay $0x1  }
0xba: {  	v11 =	vld [tilespmem:$0xF80];
	_ =	sdelay $0x1  }
0xbb: {  	v12 =	vld [tilespmem:$0xFC0]  }
0xbc: {  	v0 =	vadd.f32 v10, v0  }
0xbd: {  	v13 =	vld [tilespmem:$0x1000]  }
0xbe: {  	v0 =	vadd.f32 v11, v0  }
0xbf: {  	v14 =	vld [tilespmem:$0x1040]  }
0xc0: {  	v0 =	vadd.f32 v12, v0  }
0xc1: {  	v15 =	vld [tilespmem:$0x1080]  }
0xc2: {  	v0 =	vadd.f32 v13, v0  }
0xc3: {  	v16 =	vld [tilespmem:$0x10C0]  }
0xc4: {  	v0 =	vadd.f32 v14, v0  }
0xc5: {  	v17 =	vld [tilespmem:$0x1100]  }
0xc6: {  	v0 =	vadd.f32 v15, v0  }
0xc7: {  	v18 =	vld [tilespmem:$0x1140]  }
0xc8: {  	v0 =	vadd.f32 v16, v0  }
0xc9: {  	v19 =	vld [tilespmem:$0x1180]  }
0xca: {  	v0 =	vadd.f32 v17, v0  }
0xcb: {  	v20 =	vld [tilespmem:$0x11C0]  }
0xcc: {  	v0 =	vadd.f32 v18, v0  }
0xcd: {  	v21 =	vld [tilespmem:$0x1200]  }
0xce: {  	v0 =	vadd.f32 v19, v0  }
0xcf: {  	v22 =	vld [tilespmem:$0x1240]  }
0xd0: {  	v0 =	vadd.f32 v20, v0  }
0xd1: {  	v23 =	vld [tilespmem:$0x1280]  }
0xd2: {  	v0 =	vadd.f32 v21, v0  }
0xd3: {  	v24 =	vld [tilespmem:$0x12C0]  }
0xd4: {  	v0 =	vadd.f32 v22, v0  }
0xd5: {  	v25 =	vld [tilespmem:$0x1300]  }
0xd6: {  	v0 =	vadd.f32 v23, v0  }
0xd7: {  	v26 =	vld [tilespmem:$0x1340]  }
0xd8: {  	v0 =	vadd.f32 v24, v0  }
0xd9: {  	v27 =	vld [tilespmem:$0x1380]  }
0xda: {  	v0 =	vadd.f32 v25, v0  }
0xdb: {  	v28 =	vld [tilespmem:$0x13C0]  }
0xdc: {  	v0 =	vadd.f32 v26, v0;
	_ =	sdelay $0x1  }
0xdd: {  	v0 =	vadd.f32 v27, v0;
	_ =	sdelay $0x1  }
0xde: {  	v0 =	vadd.f32 v28, v0;
	_ =	sdelay $0x1  }
0xdf: {  	v0 =	vmul.f32 $5.000000070e-02, v0;
	_ =	sdelay $0x1  }
0xe0: {  	[tilespmem:s13+$0xFFFFFFC0] =	vst v0  }
0xe1: {  	v0 =	vld [tilespmem:$0xF10]  }
0xe2: {  	v29 =	vld [tilespmem:$0xF50];
	_ =	sdelay $0x1  }
0xe3: {  	v30 =	vld [tilespmem:$0xF90];
	_ =	sdelay $0x1  }
0xe4: {  	v31 =	vld [tilespmem:$0xFD0]  }
0xe5: {  	v0 =	vadd.f32 v29, v0  }
0xe6: {  	v32 =	vld [tilespmem:$0x1010]  }
0xe7: {  	v0 =	vadd.f32 v30, v0  }
0xe8: {  	v33 =	vld [tilespmem:$0x1050]  }
0xe9: {  	v0 =	vadd.f32 v31, v0  }
0xea: {  	v34 =	vld [tilespmem:$0x1090]  }
0xeb: {  	v0 =	vadd.f32 v32, v0  }
0xec: {  	v35 =	vld [tilespmem:$0x10D0]  }
0xed: {  	v0 =	vadd.f32 v33, v0  }
0xee: {  	v36 =	vld [tilespmem:$0x1110]  }
0xef: {  	v0 =	vadd.f32 v34, v0  }
0xf0: {  	v37 =	vld [tilespmem:$0x1150]  }
0xf1: {  	v0 =	vadd.f32 v35, v0  }
0xf2: {  	v38 =	vld [tilespmem:$0x1190]  }
0xf3: {  	v0 =	vadd.f32 v36, v0  }
0xf4: {  	v39 =	vld [tilespmem:$0x11D0]  }
0xf5: {  	v0 =	vadd.f32 v37, v0  }
0xf6: {  	v40 =	vld [tilespmem:$0x1210]  }
0xf7: {  	v0 =	vadd.f32 v38, v0  }
0xf8: {  	v41 =	vld [tilespmem:$0x1250]  }
0xf9: {  	v0 =	vadd.f32 v39, v0  }
0xfa: {  	v42 =	vld [tilespmem:$0x1290]  }
0xfb: {  	v0 =	vadd.f32 v40, v0  }
0xfc: {  	v43 =	vld [tilespmem:$0x12D0]  }
0xfd: {  	v0 =	vadd.f32 v41, v0  }
0xfe: {  	v44 =	vld [tilespmem:$0x1310]  }
0xff: {  	v0 =	vadd.f32 v42, v0  }
0x100: {  	v45 =	vld [tilespmem:$0x1350]  }
0x101: {  	v0 =	vadd.f32 v43, v0  }
0x102: {  	v46 =	vld [tilespmem:$0x1390]  }
0x103: {  	v0 =	vadd.f32 v44, v0  }
0x104: {  	v47 =	vld [tilespmem:$0x13D0]  }
0x105: {  	v0 =	vadd.f32 v45, v0;
	_ =	sdelay $0x1  }
0x106: {  	v0 =	vadd.f32 v46, v0;
	_ =	sdelay $0x1  }
0x107: {  	v0 =	vadd.f32 v47, v0;
	_ =	sdelay $0x1  }
0x108: {  	v0 =	vmul.f32 $5.000000070e-02, v0;
	_ =	sdelay $0x1  }
0x109: {  	[tilespmem:s13+$0xFFFFFFD0] =	vst v0  }
0x10a: {  	v0 =	vld [tilespmem:$0xF20]  }
0x10b: {  	v48 =	vld [tilespmem:$0xF60];
	_ =	sdelay $0x1  }
0x10c: {  	v49 =	vld [tilespmem:$0xFA0];
	_ =	sdelay $0x1  }
0x10d: {  	v50 =	vld [tilespmem:$0xFE0]  }
0x10e: {  	v0 =	vadd.f32 v48, v0  }
0x10f: {  	v51 =	vld [tilespmem:$0x1020]  }
0x110: {  	v0 =	vadd.f32 v49, v0  }
0x111: {  	v52 =	vld [tilespmem:$0x1060]  }
0x112: {  	v0 =	vadd.f32 v50, v0  }
0x113: {  	v53 =	vld [tilespmem:$0x10A0]  }
0x114: {  	v0 =	vadd.f32 v51, v0  }
0x115: {  	v54 =	vld [tilespmem:$0x10E0]  }
0x116: {  	v0 =	vadd.f32 v52, v0  }
0x117: {  	v55 =	vld [tilespmem:$0x1120]  }
0x118: {  	v0 =	vadd.f32 v53, v0  }
0x119: {  	v56 =	vld [tilespmem:$0x1160]  }
0x11a: {  	v0 =	vadd.f32 v54, v0  }
0x11b: {  	v57 =	vld [tilespmem:$0x11A0]  }
0x11c: {  	v0 =	vadd.f32 v55, v0  }
0x11d: {  	v58 =	vld [tilespmem:$0x11E0]  }
0x11e: {  	v0 =	vadd.f32 v56, v0  }
0x11f: {  	v59 =	vld [tilespmem:$0x1220]  }
0x120: {  	v0 =	vadd.f32 v57, v0  }
0x121: {  	v60 =	vld [tilespmem:$0x1260]  }
0x122: {  	v0 =	vadd.f32 v58, v0  }
0x123: {  	v61 =	vld [tilespmem:$0x12A0]  }
0x124: {  	v0 =	vadd.f32 v59, v0  }
0x125: {  	v62 =	vld [tilespmem:$0x12E0]  }
0x126: {  	v0 =	vadd.f32 v60, v0  }
0x127: {  	v63 =	vld [tilespmem:$0x1320]  }
0x128: {  	v0 =	vadd.f32 v61, v0  }
0x129: {  	v6 =	vld [tilespmem:$0x1360]  }
0x12a: {  	v0 =	vadd.f32 v62, v0  }
0x12b: {  	v7 =	vld [tilespmem:$0x13A0]  }
0x12c: {  	v0 =	vadd.f32 v63, v0  }
0x12d: {  	v8 =	vld [tilespmem:$0x13E0]  }
0x12e: {  	v0 =	vadd.f32 v6, v0;
	_ =	sdelay $0x1  }
0x12f: {  	v0 =	vadd.f32 v7, v0;
	_ =	sdelay $0x1  }
0x130: {  	v0 =	vadd.f32 v8, v0;
	_ =	sdelay $0x1  }
0x131: {  	v0 =	vmul.f32 $5.000000070e-02, v0;
	_ =	sdelay $0x1  }
0x132: {  	[tilespmem:s13+$0xFFFFFFE0] =	vst v0  }
0x133: {  	v0 =	vld [tilespmem:$0xF30]  }
0x134: {  	v9 =	vld [tilespmem:$0xF70];
	_ =	sdelay $0x1  }
0x135: {  	v10 =	vld [tilespmem:$0xFB0];
	_ =	sdelay $0x1  }
0x136: {  	v11 =	vld [tilespmem:$0xFF0]  }
0x137: {  	v0 =	vadd.f32 v9, v0  }
0x138: {  	v12 =	vld [tilespmem:$0x1030]  }
0x139: {  	v0 =	vadd.f32 v10, v0  }
0x13a: {  	v13 =	vld [tilespmem:$0x1070]  }
0x13b: {  	v0 =	vadd.f32 v11, v0  }
0x13c: {  	v14 =	vld [tilespmem:$0x10B0]  }
0x13d: {  	v0 =	vadd.f32 v12, v0  }
0x13e: {  	v15 =	vld [tilespmem:$0x10F0]  }
0x13f: {  	v0 =	vadd.f32 v13, v0  }
0x140: {  	v16 =	vld [tilespmem:$0x1130]  }
0x141: {  	v0 =	vadd.f32 v14, v0  }
0x142: {  	v17 =	vld [tilespmem:$0x1170]  }
0x143: {  	v0 =	vadd.f32 v15, v0  }
0x144: {  	v18 =	vld [tilespmem:$0x11B0]  }
0x145: {  	v0 =	vadd.f32 v16, v0  }
0x146: {  	v19 =	vld [tilespmem:$0x11F0]  }
0x147: {  	v0 =	vadd.f32 v17, v0  }
0x148: {  	v20 =	vld [tilespmem:$0x1230]  }
0x149: {  	v0 =	vadd.f32 v18, v0  }
0x14a: {  	v21 =	vld [tilespmem:$0x1270]  }
0x14b: {  	v0 =	vadd.f32 v19, v0  }
0x14c: {  	v22 =	vld [tilespmem:$0x12B0]  }
0x14d: {  	v0 =	vadd.f32 v20, v0  }
0x14e: {  	v23 =	vld [tilespmem:$0x12F0]  }
0x14f: {  	v0 =	vadd.f32 v21, v0  }
0x150: {  	v24 =	vld [tilespmem:$0x1330]  }
0x151: {  	v0 =	vadd.f32 v22, v0  }
0x152: {  	v25 =	vld [tilespmem:$0x1370]  }
0x153: {  	v0 =	vadd.f32 v23, v0  }
0x154: {  	v26 =	vld [tilespmem:$0x13B0]  }
0x155: {  	v0 =	vadd.f32 v24, v0  }
0x156: {  	v27 =	vld [tilespmem:$0x13F0]  }
0x157: {  	v0 =	vadd.f32 v25, v0;
	_ =	sdelay $0x1  }
0x158: {  	v0 =	vadd.f32 v26, v0;
	_ =	sdelay $0x1  }
0x159: {  	v0 =	vadd.f32 v27, v0;
	_ =	sdelay $0x1  }
0x15a: {  	v0 =	vmul.f32 $5.000000070e-02, v0;
	_ =	sdelay $0x1  }
0x15b: {  	[tilespmem:s13+$0xFFFFFFF0] =	vst v0  }
0x15c: {  	v0 =	vld [tilespmem:$0x1400]  }
0x15d: {  	v28 =	vld [tilespmem:$0x1440];
	_ =	sdelay $0x1  }
0x15e: {  	v29 =	vld [tilespmem:$0x1480];
	_ =	sdelay $0x1  }
0x15f: {  	v30 =	vld [tilespmem:$0x14C0]  }
0x160: {  	v0 =	vadd.f32 v28, v0  }
0x161: {  	v31 =	vld [tilespmem:$0x1500]  }
0x162: {  	v0 =	vadd.f32 v29, v0  }
0x163: {  	v32 =	vld [tilespmem:$0x1540]  }
0x164: {  	v0 =	vadd.f32 v30, v0  }
0x165: {  	v33 =	vld [tilespmem:$0x1580]  }
0x166: {  	v0 =	vadd.f32 v31, v0  }
0x167: {  	v34 =	vld [tilespmem:$0x15C0]  }
0x168: {  	v0 =	vadd.f32 v32, v0  }
0x169: {  	v35 =	vld [tilespmem:$0x1600]  }
0x16a: {  	v0 =	vadd.f32 v33, v0  }
0x16b: {  	v36 =	vld [tilespmem:$0x1640]  }
0x16c: {  	v0 =	vadd.f32 v34, v0  }
0x16d: {  	v37 =	vld [tilespmem:$0x1680]  }
0x16e: {  	v0 =	vadd.f32 v35, v0  }
0x16f: {  	v38 =	vld [tilespmem:$0x16C0]  }
0x170: {  	v0 =	vadd.f32 v36, v0  }
0x171: {  	v39 =	vld [tilespmem:$0x1700]  }
0x172: {  	v0 =	vadd.f32 v37, v0  }
0x173: {  	v40 =	vld [tilespmem:$0x1740]  }
0x174: {  	v0 =	vadd.f32 v38, v0  }
0x175: {  	v41 =	vld [tilespmem:$0x1780]  }
0x176: {  	v0 =	vadd.f32 v39, v0  }
0x177: {  	v42 =	vld [tilespmem:$0x17C0]  }
0x178: {  	v0 =	vadd.f32 v40, v0  }
0x179: {  	v43 =	vld [tilespmem:$0x1800]  }
0x17a: {  	v0 =	vadd.f32 v41, v0  }
0x17b: {  	v44 =	vld [tilespmem:$0x1840]  }
0x17c: {  	v0 =	vadd.f32 v42, v0  }
0x17d: {  	v45 =	vld [tilespmem:$0x1880]  }
0x17e: {  	v0 =	vadd.f32 v43, v0  }
0x17f: {  	v46 =	vld [tilespmem:$0x18C0]  }
0x180: {  	v0 =	vadd.f32 v44, v0;
	_ =	sdelay $0x1  }
0x181: {  	v0 =	vadd.f32 v45, v0;
	_ =	sdelay $0x1  }
0x182: {  	v0 =	vadd.f32 v46, v0;
	_ =	sdelay $0x1  }
0x183: {  	v0 =	vmul.f32 $5.000000070e-02, v0;
	_ =	sdelay $0x1  }
0x184: {  	[tilespmem:s13+$0x0] =	vst v0  }
0x185: {  	v0 =	vld [tilespmem:$0x1410]  }
0x186: {  	v47 =	vld [tilespmem:$0x1450];
	_ =	sdelay $0x1  }
0x187: {  	v48 =	vld [tilespmem:$0x1490];
	_ =	sdelay $0x1  }
0x188: {  	v49 =	vld [tilespmem:$0x14D0]  }
0x189: {  	v0 =	vadd.f32 v47, v0  }
0x18a: {  	v50 =	vld [tilespmem:$0x1510]  }
0x18b: {  	v0 =	vadd.f32 v48, v0  }
0x18c: {  	v51 =	vld [tilespmem:$0x1550]  }
0x18d: {  	v0 =	vadd.f32 v49, v0  }
0x18e: {  	v52 =	vld [tilespmem:$0x1590]  }
0x18f: {  	v0 =	vadd.f32 v50, v0  }
0x190: {  	v53 =	vld [tilespmem:$0x15D0]  }
0x191: {  	v0 =	vadd.f32 v51, v0  }
0x192: {  	v54 =	vld [tilespmem:$0x1610]  }
0x193: {  	v0 =	vadd.f32 v52, v0  }
0x194: {  	v55 =	vld [tilespmem:$0x1650]  }
0x195: {  	v0 =	vadd.f32 v53, v0  }
0x196: {  	v56 =	vld [tilespmem:$0x1690]  }
0x197: {  	v0 =	vadd.f32 v54, v0  }
0x198: {  	v57 =	vld [tilespmem:$0x16D0]  }
0x199: {  	v0 =	vadd.f32 v55, v0  }
0x19a: {  	v58 =	vld [tilespmem:$0x1710]  }
0x19b: {  	v0 =	vadd.f32 v56, v0  }
0x19c: {  	v59 =	vld [tilespmem:$0x1750]  }
0x19d: {  	v0 =	vadd.f32 v57, v0  }
0x19e: {  	v60 =	vld [tilespmem:$0x1790]  }
0x19f: {  	v0 =	vadd.f32 v58, v0  }
0x1a0: {  	v61 =	vld [tilespmem:$0x17D0]  }
0x1a1: {  	v0 =	vadd.f32 v59, v0  }
0x1a2: {  	v62 =	vld [tilespmem:$0x1810]  }
0x1a3: {  	v0 =	vadd.f32 v60, v0  }
0x1a4: {  	v63 =	vld [tilespmem:$0x1850]  }
0x1a5: {  	v0 =	vadd.f32 v61, v0  }
0x1a6: {  	v6 =	vld [tilespmem:$0x1890]  }
0x1a7: {  	v0 =	vadd.f32 v62, v0  }
0x1a8: {  	v7 =	vld [tilespmem:$0x18D0]  }
0x1a9: {  	v0 =	vadd.f32 v63, v0;
	_ =	sdelay $0x1  }
0x1aa: {  	v0 =	vadd.f32 v6, v0;
	_ =	sdelay $0x1  }
0x1ab: {  	v0 =	vadd.f32 v7, v0;
	_ =	sdelay $0x1  }
0x1ac: {  	v0 =	vmul.f32 $5.000000070e-02, v0;
	_ =	sdelay $0x1  }
0x1ad: {  	[tilespmem:s13+$0x10] =	vst v0  }
0x1ae: {  	v0 =	vld [tilespmem:$0x1420]  }
0x1af: {  	v8 =	vld [tilespmem:$0x1460];
	_ =	sdelay $0x1  }
0x1b0: {  	v9 =	vld [tilespmem:$0x14A0];
	_ =	sdelay $0x1  }
0x1b1: {  	v10 =	vld [tilespmem:$0x14E0]  }
0x1b2: {  	v0 =	vadd.f32 v8, v0  }
0x1b3: {  	v11 =	vld [tilespmem:$0x1520]  }
0x1b4: {  	v0 =	vadd.f32 v9, v0  }
0x1b5: {  	v12 =	vld [tilespmem:$0x1560]  }
0x1b6: {  	v0 =	vadd.f32 v10, v0  }
0x1b7: {  	v13 =	vld [tilespmem:$0x15A0]  }
0x1b8: {  	v0 =	vadd.f32 v11, v0  }
0x1b9: {  	v14 =	vld [tilespmem:$0x15E0]  }
0x1ba: {  	v0 =	vadd.f32 v12, v0  }
0x1bb: {  	v15 =	vld [tilespmem:$0x1620]  }
0x1bc: {  	v0 =	vadd.f32 v13, v0  }
0x1bd: {  	v16 =	vld [tilespmem:$0x1660]  }
0x1be: {  	v0 =	vadd.f32 v14, v0  }
0x1bf: {  	v17 =	vld [tilespmem:$0x16A0]  }
0x1c0: {  	v0 =	vadd.f32 v15, v0  }
0x1c1: {  	v18 =	vld [tilespmem:$0x16E0]  }
0x1c2: {  	v0 =	vadd.f32 v16, v0  }
0x1c3: {  	v19 =	vld [tilespmem:$0x1720]  }
0x1c4: {  	v0 =	vadd.f32 v17, v0  }
0x1c5: {  	v20 =	vld [tilespmem:$0x1760]  }
0x1c6: {  	v0 =	vadd.f32 v18, v0  }
0x1c7: {  	v21 =	vld [tilespmem:$0x17A0]  }
0x1c8: {  	v0 =	vadd.f32 v19, v0  }
0x1c9: {  	v22 =	vld [tilespmem:$0x17E0]  }
0x1ca: {  	v0 =	vadd.f32 v20, v0  }
0x1cb: {  	v23 =	vld [tilespmem:$0x1820]  }
0x1cc: {  	v0 =	vadd.f32 v21, v0  }
0x1cd: {  	v24 =	vld [tilespmem:$0x1860]  }
0x1ce: {  	v0 =	vadd.f32 v22, v0  }
0x1cf: {  	v25 =	vld [tilespmem:$0x18A0]  }
0x1d0: {  	v0 =	vadd.f32 v23, v0  }
0x1d1: {  	v26 =	vld [tilespmem:$0x18E0]  }
0x1d2: {  	v0 =	vadd.f32 v24, v0;
	_ =	sdelay $0x1  }
0x1d3: {  	v0 =	vadd.f32 v25, v0;
	_ =	sdelay $0x1  }
0x1d4: {  	v0 =	vadd.f32 v26, v0;
	_ =	sdelay $0x1  }
0x1d5: {  	v0 =	vmul.f32 $5.000000070e-02, v0;
	_ =	sdelay $0x1  }
0x1d6: {  	[tilespmem:s13+$0x20] =	vst v0  }
0x1d7: {  	v0 =	vld [tilespmem:$0x1430]  }
0x1d8: {  	v27 =	vld [tilespmem:$0x1470];
	_ =	sdelay $0x1  }
0x1d9: {  	v28 =	vld [tilespmem:$0x14B0];
	_ =	sdelay $0x1  }
0x1da: {  	v29 =	vld [tilespmem:$0x14F0]  }
0x1db: {  	v0 =	vadd.f32 v27, v0  }
0x1dc: {  	v30 =	vld [tilespmem:$0x1530]  }
0x1dd: {  	v0 =	vadd.f32 v28, v0  }
0x1de: {  	v31 =	vld [tilespmem:$0x1570]  }
0x1df: {  	v0 =	vadd.f32 v29, v0  }
0x1e0: {  	v32 =	vld [tilespmem:$0x15B0]  }
0x1e1: {  	v0 =	vadd.f32 v30, v0  }
0x1e2: {  	v33 =	vld [tilespmem:$0x15F0]  }
0x1e3: {  	v0 =	vadd.f32 v31, v0  }
0x1e4: {  	v34 =	vld [tilespmem:$0x1630]  }
0x1e5: {  	v0 =	vadd.f32 v32, v0  }
0x1e6: {  	v35 =	vld [tilespmem:$0x1670]  }
0x1e7: {  	v0 =	vadd.f32 v33, v0  }
0x1e8: {  	v36 =	vld [tilespmem:$0x16B0]  }
0x1e9: {  	v0 =	vadd.f32 v34, v0  }
0x1ea: {  	v37 =	vld [tilespmem:$0x16F0]  }
0x1eb: {  	v0 =	vadd.f32 v35, v0  }
0x1ec: {  	v38 =	vld [tilespmem:$0x1730]  }
0x1ed: {  	v0 =	vadd.f32 v36, v0  }
0x1ee: {  	v39 =	vld [tilespmem:$0x1770]  }
0x1ef: {  	v0 =	vadd.f32 v37, v0  }
0x1f0: {  	v40 =	vld [tilespmem:$0x17B0]  }
0x1f1: {  	v0 =	vadd.f32 v38, v0  }
0x1f2: {  	v41 =	vld [tilespmem:$0x17F0]  }
0x1f3: {  	v0 =	vadd.f32 v39, v0  }
0x1f4: {  	v42 =	vld [tilespmem:$0x1830]  }
0x1f5: {  	v0 =	vadd.f32 v40, v0  }
0x1f6: {  	v43 =	vld [tilespmem:$0x1870]  }
0x1f7: {  	v0 =	vadd.f32 v41, v0  }
0x1f8: {  	v44 =	vld [tilespmem:$0x18B0]  }
0x1f9: {  	v0 =	vadd.f32 v42, v0  }
0x1fa: {  	v45 =	vld [tilespmem:$0x18F0]  }
0x1fb: {  	v0 =	vadd.f32 v43, v0;
	_ =	sdelay $0x1  }
0x1fc: {  	v0 =	vadd.f32 v44, v0;
	_ =	sdelay $0x1  }
0x1fd: {  	v0 =	vadd.f32 v45, v0;
	_ =	sdelay $0x1  }
0x1fe: {  	v0 =	vmul.f32 $5.000000070e-02, v0;
	_ =	sdelay $0x1  }
0x1ff: {  	[tilespmem:s13+$0x30] =	vst v0  }
0x200: {  	v0 =	vld [tilespmem:$0x1900]  }
0x201: {  	v46 =	vld [tilespmem:$0x1940];
	_ =	sdelay $0x1  }
0x202: {  	v47 =	vld [tilespmem:$0x1980];
	_ =	sdelay $0x1  }
0x203: {  	v48 =	vld [tilespmem:$0x19C0]  }
0x204: {  	v0 =	vadd.f32 v46, v0  }
0x205: {  	v49 =	vld [tilespmem:$0x1A00]  }
0x206: {  	v0 =	vadd.f32 v47, v0  }
0x207: {  	v50 =	vld [tilespmem:$0x1A40]  }
0x208: {  	v0 =	vadd.f32 v48, v0  }
0x209: {  	v51 =	vld [tilespmem:$0x1A80]  }
0x20a: {  	v0 =	vadd.f32 v49, v0  }
0x20b: {  	v52 =	vld [tilespmem:$0x1AC0]  }
0x20c: {  	v0 =	vadd.f32 v50, v0  }
0x20d: {  	v53 =	vld [tilespmem:$0x1B00]  }
0x20e: {  	v0 =	vadd.f32 v51, v0  }
0x20f: {  	v54 =	vld [tilespmem:$0x1B40]  }
0x210: {  	v0 =	vadd.f32 v52, v0  }
0x211: {  	v55 =	vld [tilespmem:$0x1B80]  }
0x212: {  	v0 =	vadd.f32 v53, v0  }
0x213: {  	v56 =	vld [tilespmem:$0x1BC0]  }
0x214: {  	v0 =	vadd.f32 v54, v0  }
0x215: {  	v57 =	vld [tilespmem:$0x1C00]  }
0x216: {  	v0 =	vadd.f32 v55, v0  }
0x217: {  	v58 =	vld [tilespmem:$0x1C40]  }
0x218: {  	v0 =	vadd.f32 v56, v0  }
0x219: {  	v59 =	vld [tilespmem:$0x1C80]  }
0x21a: {  	v0 =	vadd.f32 v57, v0  }
0x21b: {  	v60 =	vld [tilespmem:$0x1CC0]  }
0x21c: {  	v0 =	vadd.f32 v58, v0  }
0x21d: {  	v61 =	vld [tilespmem:$0x1D00]  }
0x21e: {  	v0 =	vadd.f32 v59, v0  }
0x21f: {  	v62 =	vld [tilespmem:$0x1D40]  }
0x220: {  	v0 =	vadd.f32 v60, v0  }
0x221: {  	v63 =	vld [tilespmem:$0x1D80]  }
0x222: {  	v0 =	vadd.f32 v61, v0  }
0x223: {  	v6 =	vld [tilespmem:$0x1DC0]  }
0x224: {  	v0 =	vadd.f32 v62, v0;
	_ =	sdelay $0x1  }
0x225: {  	v0 =	vadd.f32 v63, v0;
	_ =	sdelay $0x1  }
0x226: {  	v0 =	vadd.f32 v6, v0;
	_ =	sdelay $0x1  }
0x227: {  	v0 =	vmul.f32 $5.000000070e-02, v0;
	_ =	sdelay $0x1  }
0x228: {  	[tilespmem:s13+$0x40] =	vst v0  }
0x229: {  	v0 =	vld [tilespmem:$0x1910]  }
0x22a: {  	v7 =	vld [tilespmem:$0x1950];
	_ =	sdelay $0x1  }
0x22b: {  	v8 =	vld [tilespmem:$0x1990];
	_ =	sdelay $0x1  }
0x22c: {  	v9 =	vld [tilespmem:$0x19D0]  }
0x22d: {  	v0 =	vadd.f32 v7, v0  }
0x22e: {  	v10 =	vld [tilespmem:$0x1A10]  }
0x22f: {  	v0 =	vadd.f32 v8, v0  }
0x230: {  	v11 =	vld [tilespmem:$0x1A50]  }
0x231: {  	v0 =	vadd.f32 v9, v0  }
0x232: {  	v12 =	vld [tilespmem:$0x1A90]  }
0x233: {  	v0 =	vadd.f32 v10, v0  }
0x234: {  	v13 =	vld [tilespmem:$0x1AD0]  }
0x235: {  	v0 =	vadd.f32 v11, v0  }
0x236: {  	v14 =	vld [tilespmem:$0x1B10]  }
0x237: {  	v0 =	vadd.f32 v12, v0  }
0x238: {  	v15 =	vld [tilespmem:$0x1B50]  }
0x239: {  	v0 =	vadd.f32 v13, v0  }
0x23a: {  	v16 =	vld [tilespmem:$0x1B90]  }
0x23b: {  	v0 =	vadd.f32 v14, v0  }
0x23c: {  	v17 =	vld [tilespmem:$0x1BD0]  }
0x23d: {  	v0 =	vadd.f32 v15, v0  }
0x23e: {  	v18 =	vld [tilespmem:$0x1C10]  }
0x23f: {  	v0 =	vadd.f32 v16, v0  }
0x240: {  	v19 =	vld [tilespmem:$0x1C50]  }
0x241: {  	v0 =	vadd.f32 v17, v0  }
0x242: {  	v20 =	vld [tilespmem:$0x1C90]  }
0x243: {  	v0 =	vadd.f32 v18, v0  }
0x244: {  	v21 =	vld [tilespmem:$0x1CD0]  }
0x245: {  	v0 =	vadd.f32 v19, v0  }
0x246: {  	v22 =	vld [tilespmem:$0x1D10]  }
0x247: {  	v0 =	vadd.f32 v20, v0  }
0x248: {  	v23 =	vld [tilespmem:$0x1D50]  }
0x249: {  	v0 =	vadd.f32 v21, v0  }
0x24a: {  	v24 =	vld [tilespmem:$0x1D90]  }
0x24b: {  	v0 =	vadd.f32 v22, v0  }
0x24c: {  	v25 =	vld [tilespmem:$0x1DD0]  }
0x24d: {  	v0 =	vadd.f32 v23, v0;
	_ =	sdelay $0x1  }
0x24e: {  	v0 =	vadd.f32 v24, v0;
	_ =	sdelay $0x1  }
0x24f: {  	v0 =	vadd.f32 v25, v0;
	_ =	sdelay $0x1  }
0x250: {  	v0 =	vmul.f32 $5.000000070e-02, v0;
	_ =	sdelay $0x1  }
0x251: {  	[tilespmem:s13+$0x50] =	vst v0  }
0x252: {  	v0 =	vld [tilespmem:$0x1920]  }
0x253: {  	v26 =	vld [tilespmem:$0x1960];
	_ =	sdelay $0x1  }
0x254: {  	v27 =	vld [tilespmem:$0x19A0];
	_ =	sdelay $0x1  }
0x255: {  	v28 =	vld [tilespmem:$0x19E0]  }
0x256: {  	v0 =	vadd.f32 v26, v0  }
0x257: {  	v29 =	vld [tilespmem:$0x1A20]  }
0x258: {  	v0 =	vadd.f32 v27, v0  }
0x259: {  	v30 =	vld [tilespmem:$0x1A60]  }
0x25a: {  	v0 =	vadd.f32 v28, v0  }
0x25b: {  	v31 =	vld [tilespmem:$0x1AA0]  }
0x25c: {  	v0 =	vadd.f32 v29, v0  }
0x25d: {  	v32 =	vld [tilespmem:$0x1AE0]  }
0x25e: {  	v0 =	vadd.f32 v30, v0  }
0x25f: {  	v33 =	vld [tilespmem:$0x1B20]  }
0x260: {  	v0 =	vadd.f32 v31, v0  }
0x261: {  	v34 =	vld [tilespmem:$0x1B60]  }
0x262: {  	v0 =	vadd.f32 v32, v0  }
0x263: {  	v35 =	vld [tilespmem:$0x1BA0]  }
0x264: {  	v0 =	vadd.f32 v33, v0  }
0x265: {  	v36 =	vld [tilespmem:$0x1BE0]  }
0x266: {  	v0 =	vadd.f32 v34, v0  }
0x267: {  	v37 =	vld [tilespmem:$0x1C20]  }
0x268: {  	v0 =	vadd.f32 v35, v0  }
0x269: {  	v38 =	vld [tilespmem:$0x1C60]  }
0x26a: {  	v0 =	vadd.f32 v36, v0  }
0x26b: {  	v39 =	vld [tilespmem:$0x1CA0]  }
0x26c: {  	v0 =	vadd.f32 v37, v0  }
0x26d: {  	v40 =	vld [tilespmem:$0x1CE0]  }
0x26e: {  	v0 =	vadd.f32 v38, v0  }
0x26f: {  	v41 =	vld [tilespmem:$0x1D20]  }
0x270: {  	v0 =	vadd.f32 v39, v0  }
0x271: {  	v42 =	vld [tilespmem:$0x1D60]  }
0x272: {  	v0 =	vadd.f32 v40, v0  }
0x273: {  	v43 =	vld [tilespmem:$0x1DA0]  }
0x274: {  	v0 =	vadd.f32 v41, v0  }
0x275: {  	v44 =	vld [tilespmem:$0x1DE0]  }
0x276: {  	v0 =	vadd.f32 v42, v0;
	_ =	sdelay $0x1  }
0x277: {  	v0 =	vadd.f32 v43, v0;
	_ =	sdelay $0x1  }
0x278: {  	v0 =	vadd.f32 v44, v0;
	_ =	sdelay $0x1  }
0x279: {  	v0 =	vmul.f32 $5.000000070e-02, v0;
	_ =	sdelay $0x1  }
0x27a: {  	[tilespmem:s13+$0x60] =	vst v0  }
0x27b: {  	v0 =	vld [tilespmem:$0x1930]  }
0x27c: {  	v45 =	vld [tilespmem:$0x1970];
	_ =	sdelay $0x1  }
0x27d: {  	v46 =	vld [tilespmem:$0x19B0];
	_ =	sdelay $0x1  }
0x27e: {  	v47 =	vld [tilespmem:$0x19F0]  }
0x27f: {  	v0 =	vadd.f32 v45, v0  }
0x280: {  	v48 =	vld [tilespmem:$0x1A30]  }
0x281: {  	v0 =	vadd.f32 v46, v0  }
0x282: {  	v49 =	vld [tilespmem:$0x1A70]  }
0x283: {  	v0 =	vadd.f32 v47, v0  }
0x284: {  	v50 =	vld [tilespmem:$0x1AB0]  }
0x285: {  	v0 =	vadd.f32 v48, v0  }
0x286: {  	v51 =	vld [tilespmem:$0x1AF0]  }
0x287: {  	v0 =	vadd.f32 v49, v0  }
0x288: {  	v52 =	vld [tilespmem:$0x1B30]  }
0x289: {  	v0 =	vadd.f32 v50, v0  }
0x28a: {  	v53 =	vld [tilespmem:$0x1B70]  }
0x28b: {  	v0 =	vadd.f32 v51, v0  }
0x28c: {  	v54 =	vld [tilespmem:$0x1BB0]  }
0x28d: {  	v0 =	vadd.f32 v52, v0  }
0x28e: {  	v55 =	vld [tilespmem:$0x1BF0]  }
0x28f: {  	v0 =	vadd.f32 v53, v0  }
0x290: {  	v56 =	vld [tilespmem:$0x1C30]  }
0x291: {  	v0 =	vadd.f32 v54, v0  }
0x292: {  	v57 =	vld [tilespmem:$0x1C70]  }
0x293: {  	v0 =	vadd.f32 v55, v0  }
0x294: {  	v58 =	vld [tilespmem:$0x1CB0]  }
0x295: {  	v0 =	vadd.f32 v56, v0  }
0x296: {  	v59 =	vld [tilespmem:$0x1CF0]  }
0x297: {  	v0 =	vadd.f32 v57, v0  }
0x298: {  	v60 =	vld [tilespmem:$0x1D30]  }
0x299: {  	v0 =	vadd.f32 v58, v0  }
0x29a: {  	v61 =	vld [tilespmem:$0x1D70]  }
0x29b: {  	v0 =	vadd.f32 v59, v0  }
0x29c: {  	v62 =	vld [tilespmem:$0x1DB0]  }
0x29d: {  	v0 =	vadd.f32 v60, v0  }
0x29e: {  	v63 =	vld [tilespmem:$0x1DF0]  }
0x29f: {  	v0 =	vadd.f32 v61, v0;
	_ =	sdelay $0x1  }
0x2a0: {  	v0 =	vadd.f32 v62, v0  }
0x2a1: {  	p0 =	sne.s32 s14, $0x26C0  }
.Ltmp0:
0x2a2: {  	v0 =	vadd.f32 v63, v0;
	(pc) =	sbr.rel @p0 .LBB2_2-.Ltmp0, $3  }
0x2a3: {  	_ = 	snop  }
0x2a4: {  	v0 =	vmul.f32 $5.000000070e-02, v0;
	_ =	sdelay $0x1  }
0x2a5: {  	s14 =	sadd.s32 $0x140, s14;
	[tilespmem:s13+$0x70] =	vst v0;
	s13 =	sadd.s32 $0x100, s13  }
0x2a6: {  	s12 =	sadd.s32 $0x1, s12  }
0x2a7: {  	p0 =	sne.s32 s12, s6  }
.Ltmp1:
0x2a8: {  	_ = 	snop;
	(pc) =	sbr.rel @p0 .LBB2_1-.Ltmp1, $4  }
0x2a9: {  	[hbm4b:s5+s2] =	stream.linear.scatter [tilespmem:s11], [sflag:$0x2], $0x2000, $0x38;
	[tilespmem:$0x3E00] =	vst v63  }
0x2aa: {  	_ =	swait.ge [sflag:s7], $0x2000  }
0x2ab: {  	[sflag:s7] =	ssyncset.done $0x0  }
0x2ac: {  	[sflag:s7] =	ssyncadd.s32 $0xFFFFE000  }
0x2ad: {  	_ =	sfence.sel $0x180000  }
0x2ae: {  	[bflag:$0x0] =	sbarrier.arrive $0xFFFF  }
0x2af: {  	p0 =	sne.s32 s0, $0x0;
	_ =	strace $0x90000047  }
0x2b0: {  	s0 =	sadd.s32 @!p0 $0x100000, s1;
	[bflag:$0x2] =	sbarrier.arrive $0xFFFF  }
0x2b1: {  	[sflag:s0] =	ssyncadd.tile.s32 @!p0 $0x1;
	_ =	shalt  }
.Lfunc_end2:
_tile_overlayer_lowered:
.L_overlay_start_2:
0x2b2: {  	(tag) =	ssettag $0x2  }
0x2b3: {  	s0 =	rddreg [dreg:$0x0];
	s2 =	stileid.u32  }
0x2b4: {  	s1 =	rddreg [dreg:$0x1];
	p0 =	sne.s32 s2, $0x0  }
0x2b5: {  	s3 =	rddreg [dreg:$0x2];
	[bflag:$0x3] =	sbarrier.arrive $0xFFFF;
	s2 =	simm.s32 @!p0 $0x1C02  }
0x2b6: {  	[timem:s3], [sflag:s2] =	dma.local @!p0 [hbm:s0], s1  }
0x2b7: {  	s0 =	simm.s32 @!p0 $0x2  }
0x2b8: {  	_ =	swait.ge @!p0 [sflag:s0], s1  }
0x2b9: {  	s1 =	ssub.s32 @!p0 $0x0, s1;
	[sflag:s0] =	ssyncset.done @!p0 $0x0  }
0x2ba: {  	[sflag:s0] =	ssyncadd.s32 @!p0 s1  }
0x2bb: {  	[bflag:$0x3] =	sbarrier.arrive $0xFFFF  }
0x2bc: {  	_ =	shalt  }

</sc_bundles>
